<compile_context>
chip_gen: v7x
topology: tpu7x:2x2x1
jax: 0.10.2.dev20260603
libtpu: 0.0.44.dev20260713+nightly
codegen_flags: <defaults>
</compile_context>

<pallas_src>
import functools

import jax
import jax.numpy as jnp
from jax import lax
from jax.experimental import pallas as pl
from jax.experimental.pallas import tpu as pltpu
from jax.experimental.pallas import tpu_sc as plsc

_N = 1_000_000
_NW = 32
_UNROLL = 4

_BLK = 65536
_NSC = 7 * _BLK
_TAILB = (_N // 128) * 128

_STRIDE = _NSC // _NW
_CHUNK = 14336
_HALF = _CHUNK // 2
_ITERS = _CHUNK // (16 * _UNROLL)
_HITERS = _ITERS // 2
_ITERS_T = _ITERS + 1

_OFF = 0x3F3504F3
_LN2 = 0.6931471805599453
_PC = (0.1193119419053133, -0.18680964217965043, 0.2049179463920517,
       -0.24908270227751894, 0.33314670851721606, -0.5000114538020157,
       1.000000964626097)


def _neg_ln(x):
    bits = lax.bitcast_convert_type(x, jnp.int32)
    e = (bits - _OFF) >> 23
    m = lax.bitcast_convert_type(bits - (e << 23), jnp.float32)
    f = m - jnp.float32(1.0)
    poly = jnp.full((16,), _PC[0], jnp.float32)
    for c in _PC[1:]:
        poly = poly * f + jnp.float32(c)
    return jnp.float32(0.0) - (f * poly + e.astype(jnp.float32) * jnp.float32(_LN2))


_mesh = plsc.VectorSubcoreMesh(core_axis_name="c", subcore_axis_name="s")


@functools.partial(
    pl.kernel,
    mesh=_mesh,
    out_type=(jax.ShapeDtypeStruct((_NW * 16,), jnp.float32),
              jax.ShapeDtypeStruct((_NW * 16,), jnp.int32)),
    scratch_types=(pltpu.VMEM((_CHUNK + 64,), jnp.float32),
                   pltpu.VMEM((_CHUNK + 64,), jnp.float32),
                   pltpu.VMEM((16,), jnp.float32),
                   pltpu.VMEM((16,), jnp.int32),
                   pltpu.SemaphoreType.DMA,
                   pltpu.SemaphoreType.DMA,
                   pltpu.SemaphoreType.DMA,
                   pltpu.SemaphoreType.DMA,
                   pltpu.SemaphoreType.DMA,
                   pltpu.SemaphoreType.DMA),
)
def _sc_scan(p_hbm, u_hbm, vals_out, idx_out, p_v, u_v, rv, ri,
             sem_p0, sem_u0, sem_p1, sem_u1, sem_pt, sem_ut):
    w = lax.axis_index("s") * 2 + lax.axis_index("c")
    b = jnp.minimum(w * _STRIDE, _NSC - _CHUNK)
    b = pl.multiple_of(b, 16)
    cp_p0 = pltpu.async_copy(p_hbm.at[pl.ds(b, _HALF)], p_v.at[pl.ds(0, _HALF)], sem_p0)
    cp_u0 = pltpu.async_copy(u_hbm.at[pl.ds(b, _HALF)], u_v.at[pl.ds(0, _HALF)], sem_u0)
    b1 = pl.multiple_of(b + _HALF, 16)
    cp_p1 = pltpu.async_copy(p_hbm.at[pl.ds(b1, _HALF)], p_v.at[pl.ds(_HALF, _HALF)], sem_p1)
    cp_u1 = pltpu.async_copy(u_hbm.at[pl.ds(b1, _HALF)], u_v.at[pl.ds(_HALF, _HALF)], sem_u1)
    cp_pt = pltpu.async_copy(p_hbm.at[pl.ds(_TAILB, 64)], p_v.at[pl.ds(_CHUNK, 64)], sem_pt)
    cp_ut = pltpu.async_copy(u_hbm.at[pl.ds(_TAILB, 64)], u_v.at[pl.ds(_CHUNK, 64)], sem_ut)
    cp_p0.wait()
    cp_u0.wait()

    def body(i, carry):
        bv, bc = carry
        base_code = i * _UNROLL
        v = []
        for j in range(_UNROLL):
            off = base_code + j
            pv = p_v[pl.ds(off * 16, 16)]
            uv = u_v[pl.ds(off * 16, 16)]
            v.append(_neg_ln(uv) * jnp.exp(jnp.float32(0.0) - pv))
        lt01 = v[1] < v[0]
        va = jnp.where(lt01, v[1], v[0])
        ca = jnp.where(lt01, base_code + 1, base_code)
        lt23 = v[3] < v[2]
        vb = jnp.where(lt23, v[3], v[2])
        cb = jnp.where(lt23, base_code + 3, base_code + 2)
        ltab = vb < va
        vw = jnp.where(ltab, vb, va)
        cw = jnp.where(ltab, cb, ca)
        lt = vw < bv
        return jnp.where(lt, vw, bv), jnp.where(lt, cw, bc)

    init = (jnp.full((16,), jnp.inf, jnp.float32), jnp.zeros((16,), jnp.int32))
    carry = lax.fori_loop(0, _HITERS, body, init)
    cp_p1.wait()
    cp_u1.wait()
    cp_pt.wait()
    cp_ut.wait()
    bv, bc = lax.fori_loop(_HITERS, _ITERS_T, body, carry)
    in_tail = bc >= _ITERS * _UNROLL
    base = jnp.where(in_tail, _TAILB - _ITERS * _UNROLL * 16, b)
    rv[...] = bv
    ri[...] = base + bc * 16 + lax.iota(jnp.int32, 16)
    o = pl.multiple_of(w * 16, 16)
    pltpu.sync_copy(rv, vals_out.at[pl.ds(o, 16)])
    pltpu.sync_copy(ri, idx_out.at[pl.ds(o, 16)])


_TCFULL = (_TAILB - _NSC) // _BLK
_TCPAIRS = _TCFULL // 2
_TAIL = _TAILB - _NSC - _TCFULL * _BLK


def _tc_chunk_min(v, base, rows):
    gidx = (lax.broadcasted_iota(jnp.int32, (rows, 128), 0) * 128
            + lax.broadcasted_iota(jnp.int32, (rows, 128), 1) + base)
    m = jnp.min(v)
    ci = jnp.min(jnp.where(v == m, gidx, jnp.int32(2**31 - 1)))
    return m, ci


def _tc_scan_body(p_hbm, u_hbm, val_out, idx_out, pb0, ub0, pb1, ub1, sems):
    def start(g, pb, ub, si):
        src = pl.ds(pl.multiple_of(_NSC + g * _BLK, 128), _BLK)
        pltpu.make_async_copy(p_hbm.at[src], pb, sems.at[si]).start()
        pltpu.make_async_copy(u_hbm.at[src], ub, sems.at[si + 1]).start()

    def wait(g, pb, ub, si):
        src = pl.ds(pl.multiple_of(_NSC + g * _BLK, 128), _BLK)
        pltpu.make_async_copy(p_hbm.at[src], pb, sems.at[si]).wait()
        pltpu.make_async_copy(u_hbm.at[src], ub, sems.at[si + 1]).wait()

    _SUB = _BLK // 1024

    def chunk(g, pb, ub, carry):
        bv8, bc8 = carry
        pv = pb[...].reshape(_BLK // 128, 128)
        uv = ub[...].reshape(_BLK // 128, 128)
        v = (jnp.float32(0.0) - jnp.log(uv)) * jnp.exp(jnp.float32(0.0) - pv)
        for s in range(_SUB):
            sub = v[s * 8:(s + 1) * 8, :]
            code = g * _SUB + s
            lt = sub < bv8
            bv8 = jnp.where(lt, sub, bv8)
            bc8 = jnp.where(lt, code, bc8)
        return bv8, bc8

    start(0, pb0, ub0, 0)

    def body(i, carry):
        g = i * 2
        wait(g, pb0, ub0, 0)
        start(g + 1, pb1, ub1, 2)
        carry = chunk(g, pb0, ub0, carry)
        wait(g + 1, pb1, ub1, 2)

        @pl.when(g + 2 < _TCFULL)
        def _():
            start(g + 2, pb0, ub0, 0)

        return chunk(g + 1, pb1, ub1, carry)

    init = (jnp.full((8, 128), jnp.inf, jnp.float32),
            jnp.zeros((8, 128), jnp.int32))
    carry = lax.fori_loop(0, _TCPAIRS, body, init)
    if _TCFULL % 2 == 1:
        g = _TCFULL - 1
        wait(g, pb0, ub0, 0)
        carry = chunk(g, pb0, ub0, carry)
    bv8, bc8 = carry

    gidx8 = (_NSC + bc8 * 1024
             + lax.broadcasted_iota(jnp.int32, (8, 128), 0) * 128
             + lax.broadcasted_iota(jnp.int32, (8, 128), 1))
    bv = jnp.min(bv8)
    bi = jnp.min(jnp.where(bv8 == bv, gidx8, jnp.int32(2**31 - 1)))

    tsrc = pl.ds(_NSC + _TCFULL * _BLK, _TAIL)
    pltpu.make_async_copy(p_hbm.at[tsrc], pb0.at[pl.ds(0, _TAIL)], sems.at[0]).start()
    pltpu.make_async_copy(u_hbm.at[tsrc], ub0.at[pl.ds(0, _TAIL)], sems.at[1]).start()
    pltpu.make_async_copy(p_hbm.at[tsrc], pb0.at[pl.ds(0, _TAIL)], sems.at[0]).wait()
    pltpu.make_async_copy(u_hbm.at[tsrc], ub0.at[pl.ds(0, _TAIL)], sems.at[1]).wait()
    pv = pb0[pl.ds(0, _TAIL)].reshape(_TAIL // 128, 128)
    uv = ub0[pl.ds(0, _TAIL)].reshape(_TAIL // 128, 128)
    v = (jnp.float32(0.0) - jnp.log(uv)) * jnp.exp(jnp.float32(0.0) - pv)
    m, ci = _tc_chunk_min(v, _NSC + _TCFULL * _BLK, _TAIL // 128)
    better = (m < bv) | ((m == bv) & (ci < bi))
    val_out[0, 0] = jnp.where(better, m, bv)
    idx_out[0, 0] = jnp.where(better, ci, bi)


_tc_scan = pl.pallas_call(
    _tc_scan_body,
    in_specs=[pl.BlockSpec(memory_space=pl.ANY),
              pl.BlockSpec(memory_space=pl.ANY)],
    out_specs=[pl.BlockSpec(memory_space=pltpu.SMEM),
               pl.BlockSpec(memory_space=pltpu.SMEM)],
    out_shape=[jax.ShapeDtypeStruct((1, 1), jnp.float32),
               jax.ShapeDtypeStruct((1, 1), jnp.int32)],
    scratch_shapes=[pltpu.VMEM((_BLK,), jnp.float32),
                    pltpu.VMEM((_BLK,), jnp.float32),
                    pltpu.VMEM((_BLK,), jnp.float32),
                    pltpu.VMEM((_BLK,), jnp.float32),
                    pltpu.SemaphoreType.DMA((4,))],
)


def _merge_body(v_ref, i_ref, tv_ref, ti_ref, o_ref):
    v = v_ref[...].reshape(4, 128)
    ix = i_ref[...].reshape(4, 128)
    m = jnp.min(v)
    i_sc = jnp.min(jnp.where(v == m, ix, jnp.int32(2**31 - 1)))
    tv = tv_ref[0, 0]
    ti = ti_ref[0, 0]
    tc_wins = (tv < m) | ((tv == m) & (ti < i_sc))
    o_ref[0, 0] = jnp.where(tc_wins, ti, i_sc)


_merge = pl.pallas_call(
    _merge_body,
    in_specs=[pl.BlockSpec(memory_space=pltpu.VMEM),
              pl.BlockSpec(memory_space=pltpu.VMEM),
              pl.BlockSpec(memory_space=pltpu.SMEM),
              pl.BlockSpec(memory_space=pltpu.SMEM)],
    out_specs=pl.BlockSpec(memory_space=pltpu.SMEM),
    out_shape=jax.ShapeDtypeStruct((1, 1), jnp.int32),
)


def kernel(p, u):
    vals, idx = _sc_scan(p, u)
    tv, ti = _tc_scan(p, u)
    out = _merge(vals, idx, tv, ti)
    return out[0, 0]

# --- scband reference (transcript-rebuilt; emitter-appended) ---
"""Pipeline reference for scband-repeat-mask-11098195493332 (READ-ONLY COPY).

The authoritative reference and input builder live on the scoring server;
editing this copy changes nothing except your own understanding.
"""

import jax, jax.numpy as jnp
import numpy as np

NUM_CLASSES = 1000000
TAU = 1.0


def setup_inputs(seed: int = 0) -> dict:
    key = jax.random.key(seed)
    k1, k2 = jax.random.split(key)
    # learned parameter p (nn.Parameter in the torch module)
    p = jax.random.normal(k1, (NUM_CLASSES,), dtype=jnp.float32)
    # uniform noise used to construct gumbel noise (torch samples internally; we externalize it)
    u = jax.random.uniform(k2, (NUM_CLASSES,), dtype=jnp.float32, minval=1e-10, maxval=1.0)
    return {"p": p, "u": u}


def reference(p, u):
    # F.gumbel_softmax(p, tau=TAU, hard=True)
    gumbels = -jnp.log(-jnp.log(u))
    y = (p + gumbels) / TAU
    y_soft = jax.nn.softmax(y, axis=-1)
    idx = jnp.argmax(y_soft, axis=-1)
    y_hard = jax.nn.one_hot(idx, NUM_CLASSES, dtype=y_soft.dtype)
    # straight-through estimator (hard=True branch)
    logits = y_hard - jax.lax.stop_gradient(y_soft) + y_soft
    one_hot_index = jnp.argmax(logits)
    return one_hot_index

if __name__ == "__main__":
    import jax
    _d = setup_inputs()
    print(jax.jit(kernel)(*tuple(_d.values())))

</pallas_src>

<mosaic_0001>
#map = affine_map<(d0, d1) -> (0)>
module attributes {stable_mosaic.version = 14 : i64} {
  func.func @_sc_scan(%arg0: i32, %arg1: i32, %arg2: memref<1000000xf32, #tpu.memory_space<hbm>>, %arg3: memref<1000000xf32, #tpu.memory_space<hbm>>, %arg4: memref<512xf32, #tpu.memory_space<hbm>>, %arg5: memref<512xi32, #tpu.memory_space<hbm>>, %arg6: memref<14400xf32, #tpu.memory_space<vmem>>, %arg7: memref<14400xf32, #tpu.memory_space<vmem>>, %arg8: memref<16xf32, #tpu.memory_space<vmem>>, %arg9: memref<16xi32, #tpu.memory_space<vmem>>, %arg10: memref<!tpu.dma_semaphore, #tpu.memory_space<semaphore_mem>>, %arg11: memref<!tpu.dma_semaphore, #tpu.memory_space<semaphore_mem>>, %arg12: memref<!tpu.dma_semaphore, #tpu.memory_space<semaphore_mem>>, %arg13: memref<!tpu.dma_semaphore, #tpu.memory_space<semaphore_mem>>, %arg14: memref<!tpu.dma_semaphore, #tpu.memory_space<semaphore_mem>>, %arg15: memref<!tpu.dma_semaphore, #tpu.memory_space<semaphore_mem>>) attributes {dimension_semantics = [#tpu.dimension_semantics<core_parallel>, #tpu.dimension_semantics<subcore_parallel>], iteration_bounds = array<i64: 2, 16>, scalar_prefetch = 0 : i64, scratch_operands = 10 : i64, tpu.core_type = #tpu.core_type<sc_vector_subcore>, window_params = [{transform_indices = #map}, {transform_indices = #map}, {transform_indices = #map}, {transform_indices = #map}]} {
    %mul3A = arith.constant 2 : i32
    %mul3A_0 = arith.muli %arg1, %mul3A : i32
    %add3A = arith.addi %mul3A_0, %arg0 : i32
    %mul3A_1 = arith.constant 14336 : i32
    %mul3A_2 = arith.muli %add3A, %mul3A_1 : i32
    %min3A = arith.constant 444416 : i32
    %min3A_3 = arith.minsi %mul3A_2, %min3A : i32
    %multiple_of3A = tpu.assume_multiple %min3A_3, 16 : i32
    %dma_start3A = arith.constant 0 : i32
    %dma_start3A_4 = tpu.memref_slice %arg6[%dma_start3A] : memref<14400xf32, #tpu.memory_space<vmem>> -> memref<7168xf32, #tpu.memory_space<vmem>>
    %dma_start3A_5 = tpu.memref_slice %arg2[%multiple_of3A] : memref<1000000xf32, #tpu.memory_space<hbm>> -> memref<7168xf32, #tpu.memory_space<hbm>>
    %dma_start3A_6 = arith.constant 0 : i32
    %dma_start3A_7 = tpu.memref_slice %arg6[%dma_start3A_6] : memref<14400xf32, #tpu.memory_space<vmem>> -> memref<7168xf32, #tpu.memory_space<vmem>>
    %dma_start3A_8 = tpu.memref_slice %arg2[%multiple_of3A] : memref<1000000xf32, #tpu.memory_space<hbm>> -> memref<7168xf32, #tpu.memory_space<hbm>>
    tpu.enqueue_dma source(%dma_start3A_8 : memref<7168xf32, #tpu.memory_space<hbm>>) target(%dma_start3A_7 : memref<7168xf32, #tpu.memory_space<vmem>>) target_semaphore(%arg10 : memref<!tpu.dma_semaphore, #tpu.memory_space<semaphore_mem>>)
    %dma_start3A_9 = arith.constant 0 : i32
    %dma_start3A_10 = tpu.memref_slice %arg7[%dma_start3A_9] : memref<14400xf32, #tpu.memory_space<vmem>> -> memref<7168xf32, #tpu.memory_space<vmem>>
    %dma_start3A_11 = tpu.memref_slice %arg3[%multiple_of3A] : memref<1000000xf32, #tpu.memory_space<hbm>> -> memref<7168xf32, #tpu.memory_space<hbm>>
    %dma_start3A_12 = arith.constant 0 : i32
    %dma_start3A_13 = tpu.memref_slice %arg7[%dma_start3A_12] : memref<14400xf32, #tpu.memory_space<vmem>> -> memref<7168xf32, #tpu.memory_space<vmem>>
    %dma_start3A_14 = tpu.memref_slice %arg3[%multiple_of3A] : memref<1000000xf32, #tpu.memory_space<hbm>> -> memref<7168xf32, #tpu.memory_space<hbm>>
    tpu.enqueue_dma source(%dma_start3A_14 : memref<7168xf32, #tpu.memory_space<hbm>>) target(%dma_start3A_13 : memref<7168xf32, #tpu.memory_space<vmem>>) target_semaphore(%arg11 : memref<!tpu.dma_semaphore, #tpu.memory_space<semaphore_mem>>)
    %add3A_15 = arith.constant 7168 : i32
    %add3A_16 = arith.addi %multiple_of3A, %add3A_15 : i32
    %multiple_of3A_17 = tpu.assume_multiple %add3A_16, 16 : i32
    %dma_start3A_18 = arith.constant 7168 : i32
    %dma_start3A_19 = tpu.memref_slice %arg6[%dma_start3A_18] : memref<14400xf32, #tpu.memory_space<vmem>> -> memref<7168xf32, #tpu.memory_space<vmem>>
    %dma_start3A_20 = tpu.memref_slice %arg2[%multiple_of3A_17] : memref<1000000xf32, #tpu.memory_space<hbm>> -> memref<7168xf32, #tpu.memory_space<hbm>>
    %dma_start3A_21 = arith.constant 7168 : i32
    %dma_start3A_22 = tpu.memref_slice %arg6[%dma_start3A_21] : memref<14400xf32, #tpu.memory_space<vmem>> -> memref<7168xf32, #tpu.memory_space<vmem>>
    %dma_start3A_23 = tpu.memref_slice %arg2[%multiple_of3A_17] : memref<1000000xf32, #tpu.memory_space<hbm>> -> memref<7168xf32, #tpu.memory_space<hbm>>
    tpu.enqueue_dma source(%dma_start3A_23 : memref<7168xf32, #tpu.memory_space<hbm>>) target(%dma_start3A_22 : memref<7168xf32, #tpu.memory_space<vmem>>) target_semaphore(%arg12 : memref<!tpu.dma_semaphore, #tpu.memory_space<semaphore_mem>>)
    %dma_start3A_24 = arith.constant 7168 : i32
    %dma_start3A_25 = tpu.memref_slice %arg7[%dma_start3A_24] : memref<14400xf32, #tpu.memory_space<vmem>> -> memref<7168xf32, #tpu.memory_space<vmem>>
    %dma_start3A_26 = tpu.memref_slice %arg3[%multiple_of3A_17] : memref<1000000xf32, #tpu.memory_space<hbm>> -> memref<7168xf32, #tpu.memory_space<hbm>>
    %dma_start3A_27 = arith.constant 7168 : i32
    %dma_start3A_28 = tpu.memref_slice %arg7[%dma_start3A_27] : memref<14400xf32, #tpu.memory_space<vmem>> -> memref<7168xf32, #tpu.memory_space<vmem>>
    %dma_start3A_29 = tpu.memref_slice %arg3[%multiple_of3A_17] : memref<1000000xf32, #tpu.memory_space<hbm>> -> memref<7168xf32, #tpu.memory_space<hbm>>
    tpu.enqueue_dma source(%dma_start3A_29 : memref<7168xf32, #tpu.memory_space<hbm>>) target(%dma_start3A_28 : memref<7168xf32, #tpu.memory_space<vmem>>) target_semaphore(%arg13 : memref<!tpu.dma_semaphore, #tpu.memory_space<semaphore_mem>>)
    %dma_start3A_30 = arith.constant 14336 : i32
    %dma_start3A_31 = tpu.memref_slice %arg6[%dma_start3A_30] : memref<14400xf32, #tpu.memory_space<vmem>> -> memref<64xf32, #tpu.memory_space<vmem>>
    %dma_start3A_32 = arith.constant 999936 : i32
    %dma_start3A_33 = tpu.memref_slice %arg2[%dma_start3A_32] : memref<1000000xf32, #tpu.memory_space<hbm>> -> memref<64xf32, #tpu.memory_space<hbm>>
    %dma_start3A_34 = arith.constant 14336 : i32
    %dma_start3A_35 = tpu.memref_slice %arg6[%dma_start3A_34] : memref<14400xf32, #tpu.memory_space<vmem>> -> memref<64xf32, #tpu.memory_space<vmem>>
    %dma_start3A_36 = arith.constant 999936 : i32
    %dma_start3A_37 = tpu.memref_slice %arg2[%dma_start3A_36] : memref<1000000xf32, #tpu.memory_space<hbm>> -> memref<64xf32, #tpu.memory_space<hbm>>
    tpu.enqueue_dma source(%dma_start3A_37 : memref<64xf32, #tpu.memory_space<hbm>>) target(%dma_start3A_35 : memref<64xf32, #tpu.memory_space<vmem>>) target_semaphore(%arg14 : memref<!tpu.dma_semaphore, #tpu.memory_space<semaphore_mem>>)
    %dma_start3A_38 = arith.constant 14336 : i32
    %dma_start3A_39 = tpu.memref_slice %arg7[%dma_start3A_38] : memref<14400xf32, #tpu.memory_space<vmem>> -> memref<64xf32, #tpu.memory_space<vmem>>
    %dma_start3A_40 = arith.constant 999936 : i32
    %dma_start3A_41 = tpu.memref_slice %arg3[%dma_start3A_40] : memref<1000000xf32, #tpu.memory_space<hbm>> -> memref<64xf32, #tpu.memory_space<hbm>>
    %dma_start3A_42 = arith.constant 14336 : i32
    %dma_start3A_43 = tpu.memref_slice %arg7[%dma_start3A_42] : memref<14400xf32, #tpu.memory_space<vmem>> -> memref<64xf32, #tpu.memory_space<vmem>>
    %dma_start3A_44 = arith.constant 999936 : i32
    %dma_start3A_45 = tpu.memref_slice %arg3[%dma_start3A_44] : memref<1000000xf32, #tpu.memory_space<hbm>> -> memref<64xf32, #tpu.memory_space<hbm>>
    tpu.enqueue_dma source(%dma_start3A_45 : memref<64xf32, #tpu.memory_space<hbm>>) target(%dma_start3A_43 : memref<64xf32, #tpu.memory_space<vmem>>) target_semaphore(%arg15 : memref<!tpu.dma_semaphore, #tpu.memory_space<semaphore_mem>>)
    %dma_wait3A = arith.constant 0 : i32
    %dma_wait3A_46 = tpu.memref_slice %arg6[%dma_wait3A] : memref<14400xf32, #tpu.memory_space<vmem>> -> memref<7168xf32, #tpu.memory_space<vmem>>
    %dma_wait3A_47 = tpu.memref_slice %arg2[%multiple_of3A] : memref<1000000xf32, #tpu.memory_space<hbm>> -> memref<7168xf32, #tpu.memory_space<hbm>>
    %dma_wait3A_48 = arith.constant 0 : i32
    %dma_wait3A_49 = tpu.memref_slice %arg6[%dma_wait3A_48] : memref<14400xf32, #tpu.memory_space<vmem>> -> memref<7168xf32, #tpu.memory_space<vmem>>
    %dma_wait3A_50 = tpu.memref_slice %arg2[%multiple_of3A] : memref<1000000xf32, #tpu.memory_space<hbm>> -> memref<7168xf32, #tpu.memory_space<hbm>>
    tpu.wait_dma2 semaphore(%arg10 : memref<!tpu.dma_semaphore, #tpu.memory_space<semaphore_mem>>) src(%dma_wait3A_50 : memref<7168xf32, #tpu.memory_space<hbm>>) dst(%dma_wait3A_49 : memref<7168xf32, #tpu.memory_space<vmem>>)
    %dma_wait3A_51 = arith.constant 0 : i32
    %dma_wait3A_52 = tpu.memref_slice %arg7[%dma_wait3A_51] : memref<14400xf32, #tpu.memory_space<vmem>> -> memref<7168xf32, #tpu.memory_space<vmem>>
    %dma_wait3A_53 = tpu.memref_slice %arg3[%multiple_of3A] : memref<1000000xf32, #tpu.memory_space<hbm>> -> memref<7168xf32, #tpu.memory_space<hbm>>
    %dma_wait3A_54 = arith.constant 0 : i32
    %dma_wait3A_55 = tpu.memref_slice %arg7[%dma_wait3A_54] : memref<14400xf32, #tpu.memory_space<vmem>> -> memref<7168xf32, #tpu.memory_space<vmem>>
    %dma_wait3A_56 = tpu.memref_slice %arg3[%multiple_of3A] : memref<1000000xf32, #tpu.memory_space<hbm>> -> memref<7168xf32, #tpu.memory_space<hbm>>
    tpu.wait_dma2 semaphore(%arg11 : memref<!tpu.dma_semaphore, #tpu.memory_space<semaphore_mem>>) src(%dma_wait3A_56 : memref<7168xf32, #tpu.memory_space<hbm>>) dst(%dma_wait3A_55 : memref<7168xf32, #tpu.memory_space<vmem>>)
    %broadcast_in_dim3A = arith.constant 0x7F800000 : f32
    %broadcast_in_dim3A_57 = vector.broadcast %broadcast_in_dim3A : f32 to vector<16xf32>
    %broadcast_in_dim3A_58 = arith.constant 0 : i32
    %broadcast_in_dim3A_59 = vector.broadcast %broadcast_in_dim3A_58 : i32 to vector<16xi32>
    %scan3A = arith.constant 0 : i32
    %scan3A_60 = arith.constant 112 : i32
    %scan3A_61 = arith.addi %scan3A, %scan3A_60 : i32
    %scan3A_62 = arith.constant 1 : i32
    %scan3A_63:2 = scf.for %scan3A_118 = %scan3A to %scan3A_61 step %scan3A_62 iter_args(%scan3A_119 = %broadcast_in_dim3A_57, %scan3A_120 = %broadcast_in_dim3A_59) -> (vector<16xf32>, vector<16xi32>)  : i32 {
      %mul3A_121 = arith.constant 4 : i32
      %mul3A_122 = arith.muli %scan3A_118, %mul3A_121 : i32
      %add3A_123 = arith.constant 0 : i32
      %add3A_124 = arith.addi %mul3A_122, %add3A_123 : i32
      %mul3A_125 = arith.constant 16 : i32
      %mul3A_126 = arith.muli %add3A_124, %mul3A_125 : i32
      %get3A = arith.index_cast %mul3A_126 : i32 to index
      %get3A_127 = tpu.vector_load %arg6[%get3A] {strides = array<i32>} : memref<14400xf32, #tpu.memory_space<vmem>>, vector<16xf32>,
      %get3A_128 = vector.shape_cast %get3A_127 : vector<16xf32> to vector<16xf32>
      %mul3A_129 = arith.constant 16 : i32
      %mul3A_130 = arith.muli %add3A_124, %mul3A_129 : i32
      %get3A_131 = arith.index_cast %mul3A_130 : i32 to index
      %get3A_132 = tpu.vector_load %arg7[%get3A_131] {strides = array<i32>} : memref<14400xf32, #tpu.memory_space<vmem>>, vector<16xf32>,
      %get3A_133 = vector.shape_cast %get3A_132 : vector<16xf32> to vector<16xf32>
      %bitcast_convert_type3A = tpu.bitcast %get3A_133 : vector<16xf32> -> vector<16xi32>
      %sub3A = arith.constant 1060439283 : i32
      %sub3A_134 = vector.broadcast %sub3A : i32 to vector<16xi32>
      %sub3A_135 = arith.subi %bitcast_convert_type3A, %sub3A_134 : vector<16xi32>
      %shift_right_arithmetic3A = arith.constant 23 : i32
      %shift_right_arithmetic3A_136 = vector.broadcast %shift_right_arithmetic3A : i32 to vector<16xi32>
      %shift_right_arithmetic3A_137 = arith.shrsi %sub3A_135, %shift_right_arithmetic3A_136 : vector<16xi32>
      %shift_left3A = arith.constant 23 : i32
      %shift_left3A_138 = vector.broadcast %shift_left3A : i32 to vector<16xi32>
      %shift_left3A_139 = arith.shli %shift_right_arithmetic3A_137, %shift_left3A_138 : vector<16xi32>
      %sub3A_140 = arith.subi %bitcast_convert_type3A, %shift_left3A_139 : vector<16xi32>
      %bitcast_convert_type3A_141 = tpu.bitcast %sub3A_140 : vector<16xi32> -> vector<16xf32>
      %sub3A_142 = arith.constant 1.000000e+00 : f32
      %sub3A_143 = vector.broadcast %sub3A_142 : f32 to vector<16xf32>
      %sub3A_144 = arith.subf %bitcast_convert_type3A_141, %sub3A_143 : vector<16xf32>
      %broadcast_in_dim3A_145 = arith.constant 0.119311944 : f32
      %broadcast_in_dim3A_146 = vector.broadcast %broadcast_in_dim3A_145 : f32 to vector<16xf32>
      %mul3A_147 = arith.mulf %broadcast_in_dim3A_146, %sub3A_144 : vector<16xf32>
      %add3A_148 = arith.constant -0.186809644 : f32
      %add3A_149 = vector.broadcast %add3A_148 : f32 to vector<16xf32>
      %add3A_150 = arith.addf %mul3A_147, %add3A_149 : vector<16xf32>
      %mul3A_151 = arith.mulf %add3A_150, %sub3A_144 : vector<16xf32>
      %add3A_152 = arith.constant 0.204917952 : f32
      %add3A_153 = vector.broadcast %add3A_152 : f32 to vector<16xf32>
      %add3A_154 = arith.addf %mul3A_151, %add3A_153 : vector<16xf32>
      %mul3A_155 = arith.mulf %add3A_154, %sub3A_144 : vector<16xf32>
      %add3A_156 = arith.constant -0.249082699 : f32
      %add3A_157 = vector.broadcast %add3A_156 : f32 to vector<16xf32>
      %add3A_158 = arith.addf %mul3A_155, %add3A_157 : vector<16xf32>
      %mul3A_159 = arith.mulf %add3A_158, %sub3A_144 : vector<16xf32>
      %add3A_160 = arith.constant 0.333146721 : f32
      %add3A_161 = vector.broadcast %add3A_160 : f32 to vector<16xf32>
      %add3A_162 = arith.addf %mul3A_159, %add3A_161 : vector<16xf32>
      %mul3A_163 = arith.mulf %add3A_162, %sub3A_144 : vector<16xf32>
      %add3A_164 = arith.constant -0.500011444 : f32
      %add3A_165 = vector.broadcast %add3A_164 : f32 to vector<16xf32>
      %add3A_166 = arith.addf %mul3A_163, %add3A_165 : vector<16xf32>
      %mul3A_167 = arith.mulf %add3A_166, %sub3A_144 : vector<16xf32>
      %add3A_168 = arith.constant 1.00000095 : f32
      %add3A_169 = vector.broadcast %add3A_168 : f32 to vector<16xf32>
      %add3A_170 = arith.addf %mul3A_167, %add3A_169 : vector<16xf32>
      %mul3A_171 = arith.mulf %sub3A_144, %add3A_170 : vector<16xf32>
      %convert_element_type3A = arith.sitofp %shift_right_arithmetic3A_137 : vector<16xi32> to vector<16xf32>
      %mul3A_172 = arith.constant 0.693147182 : f32
      %mul3A_173 = vector.broadcast %mul3A_172 : f32 to vector<16xf32>
      %mul3A_174 = arith.mulf %convert_element_type3A, %mul3A_173 : vector<16xf32>
      %add3A_175 = arith.addf %mul3A_171, %mul3A_174 : vector<16xf32>
      %sub3A_176 = arith.constant 0.000000e+00 : f32
      %sub3A_177 = vector.broadcast %sub3A_176 : f32 to vector<16xf32>
      %sub3A_178 = arith.subf %sub3A_177, %add3A_175 : vector<16xf32>
      %sub3A_179 = arith.constant 0.000000e+00 : f32
      %sub3A_180 = vector.broadcast %sub3A_179 : f32 to vector<16xf32>
      %sub3A_181 = arith.subf %sub3A_180, %get3A_128 : vector<16xf32>
      %exp3A = math.exp %sub3A_181 : vector<16xf32>
      %mul3A_182 = arith.mulf %sub3A_178, %exp3A : vector<16xf32>
      %add3A_183 = arith.constant 1 : i32
      %add3A_184 = arith.addi %mul3A_122, %add3A_183 : i32
      %mul3A_185 = arith.constant 16 : i32
      %mul3A_186 = arith.muli %add3A_184, %mul3A_185 : i32
      %get3A_187 = arith.index_cast %mul3A_186 : i32 to index
      %get3A_188 = tpu.vector_load %arg6[%get3A_187] {strides = array<i32>} : memref<14400xf32, #tpu.memory_space<vmem>>, vector<16xf32>,
      %get3A_189 = vector.shape_cast %get3A_188 : vector<16xf32> to vector<16xf32>
      %mul3A_190 = arith.constant 16 : i32
      %mul3A_191 = arith.muli %add3A_184, %mul3A_190 : i32
      %get3A_192 = arith.index_cast %mul3A_191 : i32 to index
      %get3A_193 = tpu.vector_load %arg7[%get3A_192] {strides = array<i32>} : memref<14400xf32, #tpu.memory_space<vmem>>, vector<16xf32>,
      %get3A_194 = vector.shape_cast %get3A_193 : vector<16xf32> to vector<16xf32>
      %bitcast_convert_type3A_195 = tpu.bitcast %get3A_194 : vector<16xf32> -> vector<16xi32>
      %sub3A_196 = arith.constant 1060439283 : i32
      %sub3A_197 = vector.broadcast %sub3A_196 : i32 to vector<16xi32>
      %sub3A_198 = arith.subi %bitcast_convert_type3A_195, %sub3A_197 : vector<16xi32>
      %shift_right_arithmetic3A_199 = arith.constant 23 : i32
      %shift_right_arithmetic3A_200 = vector.broadcast %shift_right_arithmetic3A_199 : i32 to vector<16xi32>
      %shift_right_arithmetic3A_201 = arith.shrsi %sub3A_198, %shift_right_arithmetic3A_200 : vector<16xi32>
      %shift_left3A_202 = arith.constant 23 : i32
      %shift_left3A_203 = vector.broadcast %shift_left3A_202 : i32 to vector<16xi32>
      %shift_left3A_204 = arith.shli %shift_right_arithmetic3A_201, %shift_left3A_203 : vector<16xi32>
      %sub3A_205 = arith.subi %bitcast_convert_type3A_195, %shift_left3A_204 : vector<16xi32>
      %bitcast_convert_type3A_206 = tpu.bitcast %sub3A_205 : vector<16xi32> -> vector<16xf32>
      %sub3A_207 = arith.constant 1.000000e+00 : f32
      %sub3A_208 = vector.broadcast %sub3A_207 : f32 to vector<16xf32>
      %sub3A_209 = arith.subf %bitcast_convert_type3A_206, %sub3A_208 : vector<16xf32>
      %broadcast_in_dim3A_210 = arith.constant 0.119311944 : f32
      %broadcast_in_dim3A_211 = vector.broadcast %broadcast_in_dim3A_210 : f32 to vector<16xf32>
      %mul3A_212 = arith.mulf %broadcast_in_dim3A_211, %sub3A_209 : vector<16xf32>
      %add3A_213 = arith.constant -0.186809644 : f32
      %add3A_214 = vector.broadcast %add3A_213 : f32 to vector<16xf32>
      %add3A_215 = arith.addf %mul3A_212, %add3A_214 : vector<16xf32>
      %mul3A_216 = arith.mulf %add3A_215, %sub3A_209 : vector<16xf32>
      %add3A_217 = arith.constant 0.204917952 : f32
      %add3A_218 = vector.broadcast %add3A_217 : f32 to vector<16xf32>
      %add3A_219 = arith.addf %mul3A_216, %add3A_218 : vector<16xf32>
      %mul3A_220 = arith.mulf %add3A_219, %sub3A_209 : vector<16xf32>
      %add3A_221 = arith.constant -0.249082699 : f32
      %add3A_222 = vector.broadcast %add3A_221 : f32 to vector<16xf32>
      %add3A_223 = arith.addf %mul3A_220, %add3A_222 : vector<16xf32>
      %mul3A_224 = arith.mulf %add3A_223, %sub3A_209 : vector<16xf32>
      %add3A_225 = arith.constant 0.333146721 : f32
      %add3A_226 = vector.broadcast %add3A_225 : f32 to vector<16xf32>
      %add3A_227 = arith.addf %mul3A_224, %add3A_226 : vector<16xf32>
      %mul3A_228 = arith.mulf %add3A_227, %sub3A_209 : vector<16xf32>
      %add3A_229 = arith.constant -0.500011444 : f32
      %add3A_230 = vector.broadcast %add3A_229 : f32 to vector<16xf32>
      %add3A_231 = arith.addf %mul3A_228, %add3A_230 : vector<16xf32>
      %mul3A_232 = arith.mulf %add3A_231, %sub3A_209 : vector<16xf32>
      %add3A_233 = arith.constant 1.00000095 : f32
      %add3A_234 = vector.broadcast %add3A_233 : f32 to vector<16xf32>
      %add3A_235 = arith.addf %mul3A_232, %add3A_234 : vector<16xf32>
      %mul3A_236 = arith.mulf %sub3A_209, %add3A_235 : vector<16xf32>
      %convert_element_type3A_237 = arith.sitofp %shift_right_arithmetic3A_201 : vector<16xi32> to vector<16xf32>
      %mul3A_238 = arith.constant 0.693147182 : f32
      %mul3A_239 = vector.broadcast %mul3A_238 : f32 to vector<16xf32>
      %mul3A_240 = arith.mulf %convert_element_type3A_237, %mul3A_239 : vector<16xf32>
      %add3A_241 = arith.addf %mul3A_236, %mul3A_240 : vector<16xf32>
      %sub3A_242 = arith.constant 0.000000e+00 : f32
      %sub3A_243 = vector.broadcast %sub3A_242 : f32 to vector<16xf32>
      %sub3A_244 = arith.subf %sub3A_243, %add3A_241 : vector<16xf32>
      %sub3A_245 = arith.constant 0.000000e+00 : f32
      %sub3A_246 = vector.broadcast %sub3A_245 : f32 to vector<16xf32>
      %sub3A_247 = arith.subf %sub3A_246, %get3A_189 : vector<16xf32>
      %exp3A_248 = math.exp %sub3A_247 : vector<16xf32>
      %mul3A_249 = arith.mulf %sub3A_244, %exp3A_248 : vector<16xf32>
      %add3A_250 = arith.constant 2 : i32
      %add3A_251 = arith.addi %mul3A_122, %add3A_250 : i32
      %mul3A_252 = arith.constant 16 : i32
      %mul3A_253 = arith.muli %add3A_251, %mul3A_252 : i32
      %get3A_254 = arith.index_cast %mul3A_253 : i32 to index
      %get3A_255 = tpu.vector_load %arg6[%get3A_254] {strides = array<i32>} : memref<14400xf32, #tpu.memory_space<vmem>>, vector<16xf32>,
      %get3A_256 = vector.shape_cast %get3A_255 : vector<16xf32> to vector<16xf32>
      %mul3A_257 = arith.constant 16 : i32
      %mul3A_258 = arith.muli %add3A_251, %mul3A_257 : i32
      %get3A_259 = arith.index_cast %mul3A_258 : i32 to index
      %get3A_260 = tpu.vector_load %arg7[%get3A_259] {strides = array<i32>} : memref<14400xf32, #tpu.memory_space<vmem>>, vector<16xf32>,
      %get3A_261 = vector.shape_cast %get3A_260 : vector<16xf32> to vector<16xf32>
      %bitcast_convert_type3A_262 = tpu.bitcast %get3A_261 : vector<16xf32> -> vector<16xi32>
      %sub3A_263 = arith.constant 1060439283 : i32
      %sub3A_264 = vector.broadcast %sub3A_263 : i32 to vector<16xi32>
      %sub3A_265 = arith.subi %bitcast_convert_type3A_262, %sub3A_264 : vector<16xi32>
      %shift_right_arithmetic3A_266 = arith.constant 23 : i32
      %shift_right_arithmetic3A_267 = vector.broadcast %shift_right_arithmetic3A_266 : i32 to vector<16xi32>
      %shift_right_arithmetic3A_268 = arith.shrsi %sub3A_265, %shift_right_arithmetic3A_267 : vector<16xi32>
      %shift_left3A_269 = arith.constant 23 : i32
      %shift_left3A_270 = vector.broadcast %shift_left3A_269 : i32 to vector<16xi32>
      %shift_left3A_271 = arith.shli %shift_right_arithmetic3A_268, %shift_left3A_270 : vector<16xi32>
      %sub3A_272 = arith.subi %bitcast_convert_type3A_262, %shift_left3A_271 : vector<16xi32>
      %bitcast_convert_type3A_273 = tpu.bitcast %sub3A_272 : vector<16xi32> -> vector<16xf32>
      %sub3A_274 = arith.constant 1.000000e+00 : f32
      %sub3A_275 = vector.broadcast %sub3A_274 : f32 to vector<16xf32>
      %sub3A_276 = arith.subf %bitcast_convert_type3A_273, %sub3A_275 : vector<16xf32>
      %broadcast_in_dim3A_277 = arith.constant 0.119311944 : f32
      %broadcast_in_dim3A_278 = vector.broadcast %broadcast_in_dim3A_277 : f32 to vector<16xf32>
      %mul3A_279 = arith.mulf %broadcast_in_dim3A_278, %sub3A_276 : vector<16xf32>
      %add3A_280 = arith.constant -0.186809644 : f32
      %add3A_281 = vector.broadcast %add3A_280 : f32 to vector<16xf32>
      %add3A_282 = arith.addf %mul3A_279, %add3A_281 : vector<16xf32>
      %mul3A_283 = arith.mulf %add3A_282, %sub3A_276 : vector<16xf32>
      %add3A_284 = arith.constant 0.204917952 : f32
      %add3A_285 = vector.broadcast %add3A_284 : f32 to vector<16xf32>
      %add3A_286 = arith.addf %mul3A_283, %add3A_285 : vector<16xf32>
      %mul3A_287 = arith.mulf %add3A_286, %sub3A_276 : vector<16xf32>
      %add3A_288 = arith.constant -0.249082699 : f32
      %add3A_289 = vector.broadcast %add3A_288 : f32 to vector<16xf32>
      %add3A_290 = arith.addf %mul3A_287, %add3A_289 : vector<16xf32>
      %mul3A_291 = arith.mulf %add3A_290, %sub3A_276 : vector<16xf32>
      %add3A_292 = arith.constant 0.333146721 : f32
      %add3A_293 = vector.broadcast %add3A_292 : f32 to vector<16xf32>
      %add3A_294 = arith.addf %mul3A_291, %add3A_293 : vector<16xf32>
      %mul3A_295 = arith.mulf %add3A_294, %sub3A_276 : vector<16xf32>
      %add3A_296 = arith.constant -0.500011444 : f32
      %add3A_297 = vector.broadcast %add3A_296 : f32 to vector<16xf32>
      %add3A_298 = arith.addf %mul3A_295, %add3A_297 : vector<16xf32>
      %mul3A_299 = arith.mulf %add3A_298, %sub3A_276 : vector<16xf32>
      %add3A_300 = arith.constant 1.00000095 : f32
      %add3A_301 = vector.broadcast %add3A_300 : f32 to vector<16xf32>
      %add3A_302 = arith.addf %mul3A_299, %add3A_301 : vector<16xf32>
      %mul3A_303 = arith.mulf %sub3A_276, %add3A_302 : vector<16xf32>
      %convert_element_type3A_304 = arith.sitofp %shift_right_arithmetic3A_268 : vector<16xi32> to vector<16xf32>
      %mul3A_305 = arith.constant 0.693147182 : f32
      %mul3A_306 = vector.broadcast %mul3A_305 : f32 to vector<16xf32>
      %mul3A_307 = arith.mulf %convert_element_type3A_304, %mul3A_306 : vector<16xf32>
      %add3A_308 = arith.addf %mul3A_303, %mul3A_307 : vector<16xf32>
      %sub3A_309 = arith.constant 0.000000e+00 : f32
      %sub3A_310 = vector.broadcast %sub3A_309 : f32 to vector<16xf32>
      %sub3A_311 = arith.subf %sub3A_310, %add3A_308 : vector<16xf32>
      %sub3A_312 = arith.constant 0.000000e+00 : f32
      %sub3A_313 = vector.broadcast %sub3A_312 : f32 to vector<16xf32>
      %sub3A_314 = arith.subf %sub3A_313, %get3A_256 : vector<16xf32>
      %exp3A_315 = math.exp %sub3A_314 : vector<16xf32>
      %mul3A_316 = arith.mulf %sub3A_311, %exp3A_315 : vector<16xf32>
      %add3A_317 = arith.constant 3 : i32
      %add3A_318 = arith.addi %mul3A_122, %add3A_317 : i32
      %mul3A_319 = arith.constant 16 : i32
      %mul3A_320 = arith.muli %add3A_318, %mul3A_319 : i32
      %get3A_321 = arith.index_cast %mul3A_320 : i32 to index
      %get3A_322 = tpu.vector_load %arg6[%get3A_321] {strides = array<i32>} : memref<14400xf32, #tpu.memory_space<vmem>>, vector<16xf32>,
      %get3A_323 = vector.shape_cast %get3A_322 : vector<16xf32> to vector<16xf32>
      %mul3A_324 = arith.constant 16 : i32
      %mul3A_325 = arith.muli %add3A_318, %mul3A_324 : i32
      %get3A_326 = arith.index_cast %mul3A_325 : i32 to index
      %get3A_327 = tpu.vector_load %arg7[%get3A_326] {strides = array<i32>} : memref<14400xf32, #tpu.memory_space<vmem>>, vector<16xf32>,
      %get3A_328 = vector.shape_cast %get3A_327 : vector<16xf32> to vector<16xf32>
      %bitcast_convert_type3A_329 = tpu.bitcast %get3A_328 : vector<16xf32> -> vector<16xi32>
      %sub3A_330 = arith.constant 1060439283 : i32
      %sub3A_331 = vector.broadcast %sub3A_330 : i32 to vector<16xi32>
      %sub3A_332 = arith.subi %bitcast_convert_type3A_329, %sub3A_331 : vector<16xi32>
      %shift_right_arithmetic3A_333 = arith.constant 23 : i32
      %shift_right_arithmetic3A_334 = vector.broadcast %shift_right_arithmetic3A_333 : i32 to vector<16xi32>
      %shift_right_arithmetic3A_335 = arith.shrsi %sub3A_332, %shift_right_arithmetic3A_334 : vector<16xi32>
      %shift_left3A_336 = arith.constant 23 : i32
      %shift_left3A_337 = vector.broadcast %shift_left3A_336 : i32 to vector<16xi32>
      %shift_left3A_338 = arith.shli %shift_right_arithmetic3A_335, %shift_left3A_337 : vector<16xi32>
      %sub3A_339 = arith.subi %bitcast_convert_type3A_329, %shift_left3A_338 : vector<16xi32>
      %bitcast_convert_type3A_340 = tpu.bitcast %sub3A_339 : vector<16xi32> -> vector<16xf32>
      %sub3A_341 = arith.constant 1.000000e+00 : f32
      %sub3A_342 = vector.broadcast %sub3A_341 : f32 to vector<16xf32>
      %sub3A_343 = arith.subf %bitcast_convert_type3A_340, %sub3A_342 : vector<16xf32>
      %broadcast_in_dim3A_344 = arith.constant 0.119311944 : f32
      %broadcast_in_dim3A_345 = vector.broadcast %broadcast_in_dim3A_344 : f32 to vector<16xf32>
      %mul3A_346 = arith.mulf %broadcast_in_dim3A_345, %sub3A_343 : vector<16xf32>
      %add3A_347 = arith.constant -0.186809644 : f32
      %add3A_348 = vector.broadcast %add3A_347 : f32 to vector<16xf32>
      %add3A_349 = arith.addf %mul3A_346, %add3A_348 : vector<16xf32>
      %mul3A_350 = arith.mulf %add3A_349, %sub3A_343 : vector<16xf32>
      %add3A_351 = arith.constant 0.204917952 : f32
      %add3A_352 = vector.broadcast %add3A_351 : f32 to vector<16xf32>
      %add3A_353 = arith.addf %mul3A_350, %add3A_352 : vector<16xf32>
      %mul3A_354 = arith.mulf %add3A_353, %sub3A_343 : vector<16xf32>
      %add3A_355 = arith.constant -0.249082699 : f32
      %add3A_356 = vector.broadcast %add3A_355 : f32 to vector<16xf32>
      %add3A_357 = arith.addf %mul3A_354, %add3A_356 : vector<16xf32>
      %mul3A_358 = arith.mulf %add3A_357, %sub3A_343 : vector<16xf32>
      %add3A_359 = arith.constant 0.333146721 : f32
      %add3A_360 = vector.broadcast %add3A_359 : f32 to vector<16xf32>
      %add3A_361 = arith.addf %mul3A_358, %add3A_360 : vector<16xf32>
      %mul3A_362 = arith.mulf %add3A_361, %sub3A_343 : vector<16xf32>
      %add3A_363 = arith.constant -0.500011444 : f32
      %add3A_364 = vector.broadcast %add3A_363 : f32 to vector<16xf32>
      %add3A_365 = arith.addf %mul3A_362, %add3A_364 : vector<16xf32>
      %mul3A_366 = arith.mulf %add3A_365, %sub3A_343 : vector<16xf32>
      %add3A_367 = arith.constant 1.00000095 : f32
      %add3A_368 = vector.broadcast %add3A_367 : f32 to vector<16xf32>
      %add3A_369 = arith.addf %mul3A_366, %add3A_368 : vector<16xf32>
      %mul3A_370 = arith.mulf %sub3A_343, %add3A_369 : vector<16xf32>
      %convert_element_type3A_371 = arith.sitofp %shift_right_arithmetic3A_335 : vector<16xi32> to vector<16xf32>
      %mul3A_372 = arith.constant 0.693147182 : f32
      %mul3A_373 = vector.broadcast %mul3A_372 : f32 to vector<16xf32>
      %mul3A_374 = arith.mulf %convert_element_type3A_371, %mul3A_373 : vector<16xf32>
      %add3A_375 = arith.addf %mul3A_370, %mul3A_374 : vector<16xf32>
      %sub3A_376 = arith.constant 0.000000e+00 : f32
      %sub3A_377 = vector.broadcast %sub3A_376 : f32 to vector<16xf32>
      %sub3A_378 = arith.subf %sub3A_377, %add3A_375 : vector<16xf32>
      %sub3A_379 = arith.constant 0.000000e+00 : f32
      %sub3A_380 = vector.broadcast %sub3A_379 : f32 to vector<16xf32>
      %sub3A_381 = arith.subf %sub3A_380, %get3A_323 : vector<16xf32>
      %exp3A_382 = math.exp %sub3A_381 : vector<16xf32>
      %mul3A_383 = arith.mulf %sub3A_378, %exp3A_382 : vector<16xf32>
      %lt3A = arith.cmpf olt, %mul3A_249, %mul3A_182 : vector<16xf32>
      %select_n3A_384 = arith.select %lt3A, %mul3A_249, %mul3A_182 : vector<16xi1>, vector<16xf32>
      %add3A_385 = arith.constant 1 : i32
      %add3A_386 = arith.addi %mul3A_122, %add3A_385 : i32
      %broadcast_in_dim3A_387 = vector.broadcast %add3A_386 : i32 to vector<16xi32>
      %broadcast_in_dim3A_388 = vector.broadcast %mul3A_122 : i32 to vector<16xi32>
      %select_n3A_389 = arith.select %lt3A, %broadcast_in_dim3A_387, %broadcast_in_dim3A_388 : vector<16xi1>, vector<16xi32>
      %lt3A_390 = arith.cmpf olt, %mul3A_383, %mul3A_316 : vector<16xf32>
      %select_n3A_391 = arith.select %lt3A_390, %mul3A_383, %mul3A_316 : vector<16xi1>, vector<16xf32>
      %add3A_392 = arith.constant 3 : i32
      %add3A_393 = arith.addi %mul3A_122, %add3A_392 : i32
      %add3A_394 = arith.constant 2 : i32
      %add3A_395 = arith.addi %mul3A_122, %add3A_394 : i32
      %broadcast_in_dim3A_396 = vector.broadcast %add3A_393 : i32 to vector<16xi32>
      %broadcast_in_dim3A_397 = vector.broadcast %add3A_395 : i32 to vector<16xi32>
      %select_n3A_398 = arith.select %lt3A_390, %broadcast_in_dim3A_396, %broadcast_in_dim3A_397 : vector<16xi1>, vector<16xi32>
      %lt3A_399 = arith.cmpf olt, %select_n3A_391, %select_n3A_384 : vector<16xf32>
      %select_n3A_400 = arith.select %lt3A_399, %select_n3A_391, %select_n3A_384 : vector<16xi1>, vector<16xf32>
      %select_n3A_401 = arith.select %lt3A_399, %select_n3A_398, %select_n3A_389 : vector<16xi1>, vector<16xi32>
      %lt3A_402 = arith.cmpf olt, %select_n3A_400, %scan3A_119 : vector<16xf32>
      %select_n3A_403 = arith.select %lt3A_402, %select_n3A_400, %scan3A_119 : vector<16xi1>, vector<16xf32>
      %select_n3A_404 = arith.select %lt3A_402, %select_n3A_401, %scan3A_120 : vector<16xi1>, vector<16xi32>
      scf.yield %select_n3A_403, %select_n3A_404 : vector<16xf32>, vector<16xi32>
    }
    %scan3A_64 = arith.constant 112 : i32
    %dma_wait3A_65 = arith.constant 7168 : i32
    %dma_wait3A_66 = tpu.memref_slice %arg6[%dma_wait3A_65] : memref<14400xf32, #tpu.memory_space<vmem>> -> memref<7168xf32, #tpu.memory_space<vmem>>
    %dma_wait3A_67 = tpu.memref_slice %arg2[%multiple_of3A_17] : memref<1000000xf32, #tpu.memory_space<hbm>> -> memref<7168xf32, #tpu.memory_space<hbm>>
    %dma_wait3A_68 = arith.constant 7168 : i32
    %dma_wait3A_69 = tpu.memref_slice %arg6[%dma_wait3A_68] : memref<14400xf32, #tpu.memory_space<vmem>> -> memref<7168xf32, #tpu.memory_space<vmem>>
    %dma_wait3A_70 = tpu.memref_slice %arg2[%multiple_of3A_17] : memref<1000000xf32, #tpu.memory_space<hbm>> -> memref<7168xf32, #tpu.memory_space<hbm>>
    tpu.wait_dma2 semaphore(%arg12 : memref<!tpu.dma_semaphore, #tpu.memory_space<semaphore_mem>>) src(%dma_wait3A_70 : memref<7168xf32, #tpu.memory_space<hbm>>) dst(%dma_wait3A_69 : memref<7168xf32, #tpu.memory_space<vmem>>)
    %dma_wait3A_71 = arith.constant 7168 : i32
    %dma_wait3A_72 = tpu.memref_slice %arg7[%dma_wait3A_71] : memref<14400xf32, #tpu.memory_space<vmem>> -> memref<7168xf32, #tpu.memory_space<vmem>>
    %dma_wait3A_73 = tpu.memref_slice %arg3[%multiple_of3A_17] : memref<1000000xf32, #tpu.memory_space<hbm>> -> memref<7168xf32, #tpu.memory_space<hbm>>
    %dma_wait3A_74 = arith.constant 7168 : i32
    %dma_wait3A_75 = tpu.memref_slice %arg7[%dma_wait3A_74] : memref<14400xf32, #tpu.memory_space<vmem>> -> memref<7168xf32, #tpu.memory_space<vmem>>
    %dma_wait3A_76 = tpu.memref_slice %arg3[%multiple_of3A_17] : memref<1000000xf32, #tpu.memory_space<hbm>> -> memref<7168xf32, #tpu.memory_space<hbm>>
    tpu.wait_dma2 semaphore(%arg13 : memref<!tpu.dma_semaphore, #tpu.memory_space<semaphore_mem>>) src(%dma_wait3A_76 : memref<7168xf32, #tpu.memory_space<hbm>>) dst(%dma_wait3A_75 : memref<7168xf32, #tpu.memory_space<vmem>>)
    %dma_wait3A_77 = arith.constant 14336 : i32
    %dma_wait3A_78 = tpu.memref_slice %arg6[%dma_wait3A_77] : memref<14400xf32, #tpu.memory_space<vmem>> -> memref<64xf32, #tpu.memory_space<vmem>>
    %dma_wait3A_79 = arith.constant 999936 : i32
    %dma_wait3A_80 = tpu.memref_slice %arg2[%dma_wait3A_79] : memref<1000000xf32, #tpu.memory_space<hbm>> -> memref<64xf32, #tpu.memory_space<hbm>>
    %dma_wait3A_81 = arith.constant 14336 : i32
    %dma_wait3A_82 = tpu.memref_slice %arg6[%dma_wait3A_81] : memref<14400xf32, #tpu.memory_space<vmem>> -> memref<64xf32, #tpu.memory_space<vmem>>
    %dma_wait3A_83 = arith.constant 999936 : i32
    %dma_wait3A_84 = tpu.memref_slice %arg2[%dma_wait3A_83] : memref<1000000xf32, #tpu.memory_space<hbm>> -> memref<64xf32, #tpu.memory_space<hbm>>
    tpu.wait_dma2 semaphore(%arg14 : memref<!tpu.dma_semaphore, #tpu.memory_space<semaphore_mem>>) src(%dma_wait3A_84 : memref<64xf32, #tpu.memory_space<hbm>>) dst(%dma_wait3A_82 : memref<64xf32, #tpu.memory_space<vmem>>)
    %dma_wait3A_85 = arith.constant 14336 : i32
    %dma_wait3A_86 = tpu.memref_slice %arg7[%dma_wait3A_85] : memref<14400xf32, #tpu.memory_space<vmem>> -> memref<64xf32, #tpu.memory_space<vmem>>
    %dma_wait3A_87 = arith.constant 999936 : i32
    %dma_wait3A_88 = tpu.memref_slice %arg3[%dma_wait3A_87] : memref<1000000xf32, #tpu.memory_space<hbm>> -> memref<64xf32, #tpu.memory_space<hbm>>
    %dma_wait3A_89 = arith.constant 14336 : i32
    %dma_wait3A_90 = tpu.memref_slice %arg7[%dma_wait3A_89] : memref<14400xf32, #tpu.memory_space<vmem>> -> memref<64xf32, #tpu.memory_space<vmem>>
    %dma_wait3A_91 = arith.constant 999936 : i32
    %dma_wait3A_92 = tpu.memref_slice %arg3[%dma_wait3A_91] : memref<1000000xf32, #tpu.memory_space<hbm>> -> memref<64xf32, #tpu.memory_space<hbm>>
    tpu.wait_dma2 semaphore(%arg15 : memref<!tpu.dma_semaphore, #tpu.memory_space<semaphore_mem>>) src(%dma_wait3A_92 : memref<64xf32, #tpu.memory_space<hbm>>) dst(%dma_wait3A_90 : memref<64xf32, #tpu.memory_space<vmem>>)
    %scan3A_93 = arith.constant 112 : i32
    %scan3A_94 = arith.constant 113 : i32
    %scan3A_95 = arith.addi %scan3A_93, %scan3A_94 : i32
    %scan3A_96 = arith.constant 1 : i32
    %scan3A_97:2 = scf.for %scan3A_118 = %scan3A_93 to %scan3A_95 step %scan3A_96 iter_args(%scan3A_119 = %scan3A_63#0, %scan3A_120 = %scan3A_63#1) -> (vector<16xf32>, vector<16xi32>)  : i32 {
      %mul3A_121 = arith.constant 4 : i32
      %mul3A_122 = arith.muli %scan3A_118, %mul3A_121 : i32
      %add3A_123 = arith.constant 0 : i32
      %add3A_124 = arith.addi %mul3A_122, %add3A_123 : i32
      %mul3A_125 = arith.constant 16 : i32
      %mul3A_126 = arith.muli %add3A_124, %mul3A_125 : i32
      %get3A = arith.index_cast %mul3A_126 : i32 to index
      %get3A_127 = tpu.vector_load %arg6[%get3A] {strides = array<i32>} : memref<14400xf32, #tpu.memory_space<vmem>>, vector<16xf32>,
      %get3A_128 = vector.shape_cast %get3A_127 : vector<16xf32> to vector<16xf32>
      %mul3A_129 = arith.constant 16 : i32
      %mul3A_130 = arith.muli %add3A_124, %mul3A_129 : i32
      %get3A_131 = arith.index_cast %mul3A_130 : i32 to index
      %get3A_132 = tpu.vector_load %arg7[%get3A_131] {strides = array<i32>} : memref<14400xf32, #tpu.memory_space<vmem>>, vector<16xf32>,
      %get3A_133 = vector.shape_cast %get3A_132 : vector<16xf32> to vector<16xf32>
      %bitcast_convert_type3A = tpu.bitcast %get3A_133 : vector<16xf32> -> vector<16xi32>
      %sub3A = arith.constant 1060439283 : i32
      %sub3A_134 = vector.broadcast %sub3A : i32 to vector<16xi32>
      %sub3A_135 = arith.subi %bitcast_convert_type3A, %sub3A_134 : vector<16xi32>
      %shift_right_arithmetic3A = arith.constant 23 : i32
      %shift_right_arithmetic3A_136 = vector.broadcast %shift_right_arithmetic3A : i32 to vector<16xi32>
      %shift_right_arithmetic3A_137 = arith.shrsi %sub3A_135, %shift_right_arithmetic3A_136 : vector<16xi32>
      %shift_left3A = arith.constant 23 : i32
      %shift_left3A_138 = vector.broadcast %shift_left3A : i32 to vector<16xi32>
      %shift_left3A_139 = arith.shli %shift_right_arithmetic3A_137, %shift_left3A_138 : vector<16xi32>
      %sub3A_140 = arith.subi %bitcast_convert_type3A, %shift_left3A_139 : vector<16xi32>
      %bitcast_convert_type3A_141 = tpu.bitcast %sub3A_140 : vector<16xi32> -> vector<16xf32>
      %sub3A_142 = arith.constant 1.000000e+00 : f32
      %sub3A_143 = vector.broadcast %sub3A_142 : f32 to vector<16xf32>
      %sub3A_144 = arith.subf %bitcast_convert_type3A_141, %sub3A_143 : vector<16xf32>
      %broadcast_in_dim3A_145 = arith.constant 0.119311944 : f32
      %broadcast_in_dim3A_146 = vector.broadcast %broadcast_in_dim3A_145 : f32 to vector<16xf32>
      %mul3A_147 = arith.mulf %broadcast_in_dim3A_146, %sub3A_144 : vector<16xf32>
      %add3A_148 = arith.constant -0.186809644 : f32
      %add3A_149 = vector.broadcast %add3A_148 : f32 to vector<16xf32>
      %add3A_150 = arith.addf %mul3A_147, %add3A_149 : vector<16xf32>
      %mul3A_151 = arith.mulf %add3A_150, %sub3A_144 : vector<16xf32>
      %add3A_152 = arith.constant 0.204917952 : f32
      %add3A_153 = vector.broadcast %add3A_152 : f32 to vector<16xf32>
      %add3A_154 = arith.addf %mul3A_151, %add3A_153 : vector<16xf32>
      %mul3A_155 = arith.mulf %add3A_154, %sub3A_144 : vector<16xf32>
      %add3A_156 = arith.constant -0.249082699 : f32
      %add3A_157 = vector.broadcast %add3A_156 : f32 to vector<16xf32>
      %add3A_158 = arith.addf %mul3A_155, %add3A_157 : vector<16xf32>
      %mul3A_159 = arith.mulf %add3A_158, %sub3A_144 : vector<16xf32>
      %add3A_160 = arith.constant 0.333146721 : f32
      %add3A_161 = vector.broadcast %add3A_160 : f32 to vector<16xf32>
      %add3A_162 = arith.addf %mul3A_159, %add3A_161 : vector<16xf32>
      %mul3A_163 = arith.mulf %add3A_162, %sub3A_144 : vector<16xf32>
      %add3A_164 = arith.constant -0.500011444 : f32
      %add3A_165 = vector.broadcast %add3A_164 : f32 to vector<16xf32>
      %add3A_166 = arith.addf %mul3A_163, %add3A_165 : vector<16xf32>
      %mul3A_167 = arith.mulf %add3A_166, %sub3A_144 : vector<16xf32>
      %add3A_168 = arith.constant 1.00000095 : f32
      %add3A_169 = vector.broadcast %add3A_168 : f32 to vector<16xf32>
      %add3A_170 = arith.addf %mul3A_167, %add3A_169 : vector<16xf32>
      %mul3A_171 = arith.mulf %sub3A_144, %add3A_170 : vector<16xf32>
      %convert_element_type3A = arith.sitofp %shift_right_arithmetic3A_137 : vector<16xi32> to vector<16xf32>
      %mul3A_172 = arith.constant 0.693147182 : f32
      %mul3A_173 = vector.broadcast %mul3A_172 : f32 to vector<16xf32>
      %mul3A_174 = arith.mulf %convert_element_type3A, %mul3A_173 : vector<16xf32>
      %add3A_175 = arith.addf %mul3A_171, %mul3A_174 : vector<16xf32>
      %sub3A_176 = arith.constant 0.000000e+00 : f32
      %sub3A_177 = vector.broadcast %sub3A_176 : f32 to vector<16xf32>
      %sub3A_178 = arith.subf %sub3A_177, %add3A_175 : vector<16xf32>
      %sub3A_179 = arith.constant 0.000000e+00 : f32
      %sub3A_180 = vector.broadcast %sub3A_179 : f32 to vector<16xf32>
      %sub3A_181 = arith.subf %sub3A_180, %get3A_128 : vector<16xf32>
      %exp3A = math.exp %sub3A_181 : vector<16xf32>
      %mul3A_182 = arith.mulf %sub3A_178, %exp3A : vector<16xf32>
      %add3A_183 = arith.constant 1 : i32
      %add3A_184 = arith.addi %mul3A_122, %add3A_183 : i32
      %mul3A_185 = arith.constant 16 : i32
      %mul3A_186 = arith.muli %add3A_184, %mul3A_185 : i32
      %get3A_187 = arith.index_cast %mul3A_186 : i32 to index
      %get3A_188 = tpu.vector_load %arg6[%get3A_187] {strides = array<i32>} : memref<14400xf32, #tpu.memory_space<vmem>>, vector<16xf32>,
      %get3A_189 = vector.shape_cast %get3A_188 : vector<16xf32> to vector<16xf32>
      %mul3A_190 = arith.constant 16 : i32
      %mul3A_191 = arith.muli %add3A_184, %mul3A_190 : i32
      %get3A_192 = arith.index_cast %mul3A_191 : i32 to index
      %get3A_193 = tpu.vector_load %arg7[%get3A_192] {strides = array<i32>} : memref<14400xf32, #tpu.memory_space<vmem>>, vector<16xf32>,
      %get3A_194 = vector.shape_cast %get3A_193 : vector<16xf32> to vector<16xf32>
      %bitcast_convert_type3A_195 = tpu.bitcast %get3A_194 : vector<16xf32> -> vector<16xi32>
      %sub3A_196 = arith.constant 1060439283 : i32
      %sub3A_197 = vector.broadcast %sub3A_196 : i32 to vector<16xi32>
      %sub3A_198 = arith.subi %bitcast_convert_type3A_195, %sub3A_197 : vector<16xi32>
      %shift_right_arithmetic3A_199 = arith.constant 23 : i32
      %shift_right_arithmetic3A_200 = vector.broadcast %shift_right_arithmetic3A_199 : i32 to vector<16xi32>
      %shift_right_arithmetic3A_201 = arith.shrsi %sub3A_198, %shift_right_arithmetic3A_200 : vector<16xi32>
      %shift_left3A_202 = arith.constant 23 : i32
      %shift_left3A_203 = vector.broadcast %shift_left3A_202 : i32 to vector<16xi32>
      %shift_left3A_204 = arith.shli %shift_right_arithmetic3A_201, %shift_left3A_203 : vector<16xi32>
      %sub3A_205 = arith.subi %bitcast_convert_type3A_195, %shift_left3A_204 : vector<16xi32>
      %bitcast_convert_type3A_206 = tpu.bitcast %sub3A_205 : vector<16xi32> -> vector<16xf32>
      %sub3A_207 = arith.constant 1.000000e+00 : f32
      %sub3A_208 = vector.broadcast %sub3A_207 : f32 to vector<16xf32>
      %sub3A_209 = arith.subf %bitcast_convert_type3A_206, %sub3A_208 : vector<16xf32>
      %broadcast_in_dim3A_210 = arith.constant 0.119311944 : f32
      %broadcast_in_dim3A_211 = vector.broadcast %broadcast_in_dim3A_210 : f32 to vector<16xf32>
      %mul3A_212 = arith.mulf %broadcast_in_dim3A_211, %sub3A_209 : vector<16xf32>
      %add3A_213 = arith.constant -0.186809644 : f32
      %add3A_214 = vector.broadcast %add3A_213 : f32 to vector<16xf32>
      %add3A_215 = arith.addf %mul3A_212, %add3A_214 : vector<16xf32>
      %mul3A_216 = arith.mulf %add3A_215, %sub3A_209 : vector<16xf32>
      %add3A_217 = arith.constant 0.204917952 : f32
      %add3A_218 = vector.broadcast %add3A_217 : f32 to vector<16xf32>
      %add3A_219 = arith.addf %mul3A_216, %add3A_218 : vector<16xf32>
      %mul3A_220 = arith.mulf %add3A_219, %sub3A_209 : vector<16xf32>
      %add3A_221 = arith.constant -0.249082699 : f32
      %add3A_222 = vector.broadcast %add3A_221 : f32 to vector<16xf32>
      %add3A_223 = arith.addf %mul3A_220, %add3A_222 : vector<16xf32>
      %mul3A_224 = arith.mulf %add3A_223, %sub3A_209 : vector<16xf32>
      %add3A_225 = arith.constant 0.333146721 : f32
      %add3A_226 = vector.broadcast %add3A_225 : f32 to vector<16xf32>
      %add3A_227 = arith.addf %mul3A_224, %add3A_226 : vector<16xf32>
      %mul3A_228 = arith.mulf %add3A_227, %sub3A_209 : vector<16xf32>
      %add3A_229 = arith.constant -0.500011444 : f32
      %add3A_230 = vector.broadcast %add3A_229 : f32 to vector<16xf32>
      %add3A_231 = arith.addf %mul3A_228, %add3A_230 : vector<16xf32>
      %mul3A_232 = arith.mulf %add3A_231, %sub3A_209 : vector<16xf32>
      %add3A_233 = arith.constant 1.00000095 : f32
      %add3A_234 = vector.broadcast %add3A_233 : f32 to vector<16xf32>
      %add3A_235 = arith.addf %mul3A_232, %add3A_234 : vector<16xf32>
      %mul3A_236 = arith.mulf %sub3A_209, %add3A_235 : vector<16xf32>
      %convert_element_type3A_237 = arith.sitofp %shift_right_arithmetic3A_201 : vector<16xi32> to vector<16xf32>
      %mul3A_238 = arith.constant 0.693147182 : f32
      %mul3A_239 = vector.broadcast %mul3A_238 : f32 to vector<16xf32>
      %mul3A_240 = arith.mulf %convert_element_type3A_237, %mul3A_239 : vector<16xf32>
      %add3A_241 = arith.addf %mul3A_236, %mul3A_240 : vector<16xf32>
      %sub3A_242 = arith.constant 0.000000e+00 : f32
      %sub3A_243 = vector.broadcast %sub3A_242 : f32 to vector<16xf32>
      %sub3A_244 = arith.subf %sub3A_243, %add3A_241 : vector<16xf32>
      %sub3A_245 = arith.constant 0.000000e+00 : f32
      %sub3A_246 = vector.broadcast %sub3A_245 : f32 to vector<16xf32>
      %sub3A_247 = arith.subf %sub3A_246, %get3A_189 : vector<16xf32>
      %exp3A_248 = math.exp %sub3A_247 : vector<16xf32>
      %mul3A_249 = arith.mulf %sub3A_244, %exp3A_248 : vector<16xf32>
      %add3A_250 = arith.constant 2 : i32
      %add3A_251 = arith.addi %mul3A_122, %add3A_250 : i32
      %mul3A_252 = arith.constant 16 : i32
      %mul3A_253 = arith.muli %add3A_251, %mul3A_252 : i32
      %get3A_254 = arith.index_cast %mul3A_253 : i32 to index
      %get3A_255 = tpu.vector_load %arg6[%get3A_254] {strides = array<i32>} : memref<14400xf32, #tpu.memory_space<vmem>>, vector<16xf32>,
      %get3A_256 = vector.shape_cast %get3A_255 : vector<16xf32> to vector<16xf32>
      %mul3A_257 = arith.constant 16 : i32
      %mul3A_258 = arith.muli %add3A_251, %mul3A_257 : i32
      %get3A_259 = arith.index_cast %mul3A_258 : i32 to index
      %get3A_260 = tpu.vector_load %arg7[%get3A_259] {strides = array<i32>} : memref<14400xf32, #tpu.memory_space<vmem>>, vector<16xf32>,
      %get3A_261 = vector.shape_cast %get3A_260 : vector<16xf32> to vector<16xf32>
      %bitcast_convert_type3A_262 = tpu.bitcast %get3A_261 : vector<16xf32> -> vector<16xi32>
      %sub3A_263 = arith.constant 1060439283 : i32
      %sub3A_264 = vector.broadcast %sub3A_263 : i32 to vector<16xi32>
      %sub3A_265 = arith.subi %bitcast_convert_type3A_262, %sub3A_264 : vector<16xi32>
      %shift_right_arithmetic3A_266 = arith.constant 23 : i32
      %shift_right_arithmetic3A_267 = vector.broadcast %shift_right_arithmetic3A_266 : i32 to vector<16xi32>
      %shift_right_arithmetic3A_268 = arith.shrsi %sub3A_265, %shift_right_arithmetic3A_267 : vector<16xi32>
      %shift_left3A_269 = arith.constant 23 : i32
      %shift_left3A_270 = vector.broadcast %shift_left3A_269 : i32 to vector<16xi32>
      %shift_left3A_271 = arith.shli %shift_right_arithmetic3A_268, %shift_left3A_270 : vector<16xi32>
      %sub3A_272 = arith.subi %bitcast_convert_type3A_262, %shift_left3A_271 : vector<16xi32>
      %bitcast_convert_type3A_273 = tpu.bitcast %sub3A_272 : vector<16xi32> -> vector<16xf32>
      %sub3A_274 = arith.constant 1.000000e+00 : f32
      %sub3A_275 = vector.broadcast %sub3A_274 : f32 to vector<16xf32>
      %sub3A_276 = arith.subf %bitcast_convert_type3A_273, %sub3A_275 : vector<16xf32>
      %broadcast_in_dim3A_277 = arith.constant 0.119311944 : f32
      %broadcast_in_dim3A_278 = vector.broadcast %broadcast_in_dim3A_277 : f32 to vector<16xf32>
      %mul3A_279 = arith.mulf %broadcast_in_dim3A_278, %sub3A_276 : vector<16xf32>
      %add3A_280 = arith.constant -0.186809644 : f32
      %add3A_281 = vector.broadcast %add3A_280 : f32 to vector<16xf32>
      %add3A_282 = arith.addf %mul3A_279, %add3A_281 : vector<16xf32>
      %mul3A_283 = arith.mulf %add3A_282, %sub3A_276 : vector<16xf32>
      %add3A_284 = arith.constant 0.204917952 : f32
      %add3A_285 = vector.broadcast %add3A_284 : f32 to vector<16xf32>
      %add3A_286 = arith.addf %mul3A_283, %add3A_285 : vector<16xf32>
      %mul3A_287 = arith.mulf %add3A_286, %sub3A_276 : vector<16xf32>
      %add3A_288 = arith.constant -0.249082699 : f32
      %add3A_289 = vector.broadcast %add3A_288 : f32 to vector<16xf32>
      %add3A_290 = arith.addf %mul3A_287, %add3A_289 : vector<16xf32>
      %mul3A_291 = arith.mulf %add3A_290, %sub3A_276 : vector<16xf32>
      %add3A_292 = arith.constant 0.333146721 : f32
      %add3A_293 = vector.broadcast %add3A_292 : f32 to vector<16xf32>
      %add3A_294 = arith.addf %mul3A_291, %add3A_293 : vector<16xf32>
      %mul3A_295 = arith.mulf %add3A_294, %sub3A_276 : vector<16xf32>
      %add3A_296 = arith.constant -0.500011444 : f32
      %add3A_297 = vector.broadcast %add3A_296 : f32 to vector<16xf32>
      %add3A_298 = arith.addf %mul3A_295, %add3A_297 : vector<16xf32>
      %mul3A_299 = arith.mulf %add3A_298, %sub3A_276 : vector<16xf32>
      %add3A_300 = arith.constant 1.00000095 : f32
      %add3A_301 = vector.broadcast %add3A_300 : f32 to vector<16xf32>
      %add3A_302 = arith.addf %mul3A_299, %add3A_301 : vector<16xf32>
      %mul3A_303 = arith.mulf %sub3A_276, %add3A_302 : vector<16xf32>
      %convert_element_type3A_304 = arith.sitofp %shift_right_arithmetic3A_268 : vector<16xi32> to vector<16xf32>
      %mul3A_305 = arith.constant 0.693147182 : f32
      %mul3A_306 = vector.broadcast %mul3A_305 : f32 to vector<16xf32>
      %mul3A_307 = arith.mulf %convert_element_type3A_304, %mul3A_306 : vector<16xf32>
      %add3A_308 = arith.addf %mul3A_303, %mul3A_307 : vector<16xf32>
      %sub3A_309 = arith.constant 0.000000e+00 : f32
      %sub3A_310 = vector.broadcast %sub3A_309 : f32 to vector<16xf32>
      %sub3A_311 = arith.subf %sub3A_310, %add3A_308 : vector<16xf32>
      %sub3A_312 = arith.constant 0.000000e+00 : f32
      %sub3A_313 = vector.broadcast %sub3A_312 : f32 to vector<16xf32>
      %sub3A_314 = arith.subf %sub3A_313, %get3A_256 : vector<16xf32>
      %exp3A_315 = math.exp %sub3A_314 : vector<16xf32>
      %mul3A_316 = arith.mulf %sub3A_311, %exp3A_315 : vector<16xf32>
      %add3A_317 = arith.constant 3 : i32
      %add3A_318 = arith.addi %mul3A_122, %add3A_317 : i32
      %mul3A_319 = arith.constant 16 : i32
      %mul3A_320 = arith.muli %add3A_318, %mul3A_319 : i32
      %get3A_321 = arith.index_cast %mul3A_320 : i32 to index
      %get3A_322 = tpu.vector_load %arg6[%get3A_321] {strides = array<i32>} : memref<14400xf32, #tpu.memory_space<vmem>>, vector<16xf32>,
      %get3A_323 = vector.shape_cast %get3A_322 : vector<16xf32> to vector<16xf32>
      %mul3A_324 = arith.constant 16 : i32
      %mul3A_325 = arith.muli %add3A_318, %mul3A_324 : i32
      %get3A_326 = arith.index_cast %mul3A_325 : i32 to index
      %get3A_327 = tpu.vector_load %arg7[%get3A_326] {strides = array<i32>} : memref<14400xf32, #tpu.memory_space<vmem>>, vector<16xf32>,
      %get3A_328 = vector.shape_cast %get3A_327 : vector<16xf32> to vector<16xf32>
      %bitcast_convert_type3A_329 = tpu.bitcast %get3A_328 : vector<16xf32> -> vector<16xi32>
      %sub3A_330 = arith.constant 1060439283 : i32
      %sub3A_331 = vector.broadcast %sub3A_330 : i32 to vector<16xi32>
      %sub3A_332 = arith.subi %bitcast_convert_type3A_329, %sub3A_331 : vector<16xi32>
      %shift_right_arithmetic3A_333 = arith.constant 23 : i32
      %shift_right_arithmetic3A_334 = vector.broadcast %shift_right_arithmetic3A_333 : i32 to vector<16xi32>
      %shift_right_arithmetic3A_335 = arith.shrsi %sub3A_332, %shift_right_arithmetic3A_334 : vector<16xi32>
      %shift_left3A_336 = arith.constant 23 : i32
      %shift_left3A_337 = vector.broadcast %shift_left3A_336 : i32 to vector<16xi32>
      %shift_left3A_338 = arith.shli %shift_right_arithmetic3A_335, %shift_left3A_337 : vector<16xi32>
      %sub3A_339 = arith.subi %bitcast_convert_type3A_329, %shift_left3A_338 : vector<16xi32>
      %bitcast_convert_type3A_340 = tpu.bitcast %sub3A_339 : vector<16xi32> -> vector<16xf32>
      %sub3A_341 = arith.constant 1.000000e+00 : f32
      %sub3A_342 = vector.broadcast %sub3A_341 : f32 to vector<16xf32>
      %sub3A_343 = arith.subf %bitcast_convert_type3A_340, %sub3A_342 : vector<16xf32>
      %broadcast_in_dim3A_344 = arith.constant 0.119311944 : f32
      %broadcast_in_dim3A_345 = vector.broadcast %broadcast_in_dim3A_344 : f32 to vector<16xf32>
      %mul3A_346 = arith.mulf %broadcast_in_dim3A_345, %sub3A_343 : vector<16xf32>
      %add3A_347 = arith.constant -0.186809644 : f32
      %add3A_348 = vector.broadcast %add3A_347 : f32 to vector<16xf32>
      %add3A_349 = arith.addf %mul3A_346, %add3A_348 : vector<16xf32>
      %mul3A_350 = arith.mulf %add3A_349, %sub3A_343 : vector<16xf32>
      %add3A_351 = arith.constant 0.204917952 : f32
      %add3A_352 = vector.broadcast %add3A_351 : f32 to vector<16xf32>
      %add3A_353 = arith.addf %mul3A_350, %add3A_352 : vector<16xf32>
      %mul3A_354 = arith.mulf %add3A_353, %sub3A_343 : vector<16xf32>
      %add3A_355 = arith.constant -0.249082699 : f32
      %add3A_356 = vector.broadcast %add3A_355 : f32 to vector<16xf32>
      %add3A_357 = arith.addf %mul3A_354, %add3A_356 : vector<16xf32>
      %mul3A_358 = arith.mulf %add3A_357, %sub3A_343 : vector<16xf32>
      %add3A_359 = arith.constant 0.333146721 : f32
      %add3A_360 = vector.broadcast %add3A_359 : f32 to vector<16xf32>
      %add3A_361 = arith.addf %mul3A_358, %add3A_360 : vector<16xf32>
      %mul3A_362 = arith.mulf %add3A_361, %sub3A_343 : vector<16xf32>
      %add3A_363 = arith.constant -0.500011444 : f32
      %add3A_364 = vector.broadcast %add3A_363 : f32 to vector<16xf32>
      %add3A_365 = arith.addf %mul3A_362, %add3A_364 : vector<16xf32>
      %mul3A_366 = arith.mulf %add3A_365, %sub3A_343 : vector<16xf32>
      %add3A_367 = arith.constant 1.00000095 : f32
      %add3A_368 = vector.broadcast %add3A_367 : f32 to vector<16xf32>
      %add3A_369 = arith.addf %mul3A_366, %add3A_368 : vector<16xf32>
      %mul3A_370 = arith.mulf %sub3A_343, %add3A_369 : vector<16xf32>
      %convert_element_type3A_371 = arith.sitofp %shift_right_arithmetic3A_335 : vector<16xi32> to vector<16xf32>
      %mul3A_372 = arith.constant 0.693147182 : f32
      %mul3A_373 = vector.broadcast %mul3A_372 : f32 to vector<16xf32>
      %mul3A_374 = arith.mulf %convert_element_type3A_371, %mul3A_373 : vector<16xf32>
      %add3A_375 = arith.addf %mul3A_370, %mul3A_374 : vector<16xf32>
      %sub3A_376 = arith.constant 0.000000e+00 : f32
      %sub3A_377 = vector.broadcast %sub3A_376 : f32 to vector<16xf32>
      %sub3A_378 = arith.subf %sub3A_377, %add3A_375 : vector<16xf32>
      %sub3A_379 = arith.constant 0.000000e+00 : f32
      %sub3A_380 = vector.broadcast %sub3A_379 : f32 to vector<16xf32>
      %sub3A_381 = arith.subf %sub3A_380, %get3A_323 : vector<16xf32>
      %exp3A_382 = math.exp %sub3A_381 : vector<16xf32>
      %mul3A_383 = arith.mulf %sub3A_378, %exp3A_382 : vector<16xf32>
      %lt3A = arith.cmpf olt, %mul3A_249, %mul3A_182 : vector<16xf32>
      %select_n3A_384 = arith.select %lt3A, %mul3A_249, %mul3A_182 : vector<16xi1>, vector<16xf32>
      %add3A_385 = arith.constant 1 : i32
      %add3A_386 = arith.addi %mul3A_122, %add3A_385 : i32
      %broadcast_in_dim3A_387 = vector.broadcast %add3A_386 : i32 to vector<16xi32>
      %broadcast_in_dim3A_388 = vector.broadcast %mul3A_122 : i32 to vector<16xi32>
      %select_n3A_389 = arith.select %lt3A, %broadcast_in_dim3A_387, %broadcast_in_dim3A_388 : vector<16xi1>, vector<16xi32>
      %lt3A_390 = arith.cmpf olt, %mul3A_383, %mul3A_316 : vector<16xf32>
      %select_n3A_391 = arith.select %lt3A_390, %mul3A_383, %mul3A_316 : vector<16xi1>, vector<16xf32>
      %add3A_392 = arith.constant 3 : i32
      %add3A_393 = arith.addi %mul3A_122, %add3A_392 : i32
      %add3A_394 = arith.constant 2 : i32
      %add3A_395 = arith.addi %mul3A_122, %add3A_394 : i32
      %broadcast_in_dim3A_396 = vector.broadcast %add3A_393 : i32 to vector<16xi32>
      %broadcast_in_dim3A_397 = vector.broadcast %add3A_395 : i32 to vector<16xi32>
      %select_n3A_398 = arith.select %lt3A_390, %broadcast_in_dim3A_396, %broadcast_in_dim3A_397 : vector<16xi1>, vector<16xi32>
      %lt3A_399 = arith.cmpf olt, %select_n3A_391, %select_n3A_384 : vector<16xf32>
      %select_n3A_400 = arith.select %lt3A_399, %select_n3A_391, %select_n3A_384 : vector<16xi1>, vector<16xf32>
      %select_n3A_401 = arith.select %lt3A_399, %select_n3A_398, %select_n3A_389 : vector<16xi1>, vector<16xi32>
      %lt3A_402 = arith.cmpf olt, %select_n3A_400, %scan3A_119 : vector<16xf32>
      %select_n3A_403 = arith.select %lt3A_402, %select_n3A_400, %scan3A_119 : vector<16xi1>, vector<16xf32>
      %select_n3A_404 = arith.select %lt3A_402, %select_n3A_401, %scan3A_120 : vector<16xi1>, vector<16xi32>
      scf.yield %select_n3A_403, %select_n3A_404 : vector<16xf32>, vector<16xi32>
    }
    %scan3A_98 = arith.constant 113 : i32
    %ge3A = arith.constant 896 : i32
    %ge3A_99 = vector.broadcast %ge3A : i32 to vector<16xi32>
    %ge3A_100 = arith.cmpi sge, %scan3A_97#1, %ge3A_99 : vector<16xi32>
    %jit3A = arith.constant 985600 : i32
    %broadcast_in_dim3A_101 = vector.broadcast %jit3A : i32 to vector<16xi32>
    %broadcast_in_dim3A_102 = vector.broadcast %multiple_of3A : i32 to vector<16xi32>
    %select_n3A = arith.select %ge3A_100, %broadcast_in_dim3A_101, %broadcast_in_dim3A_102 : vector<16xi1>, vector<16xi32>
    %swap3A = arith.constant 0 : index
    %swap3A_103 = tpu.vector_load %arg8[%swap3A] {strides = array<i32>} : memref<16xf32, #tpu.memory_space<vmem>>, vector<16xf32>,
    %swap3A_104 = vector.shape_cast %swap3A_103 : vector<16xf32> to vector<16xf32>
    %swap3A_105 = vector.shape_cast %scan3A_97#0 : vector<16xf32> to vector<16xf32>
    tpu.vector_store %arg8[%swap3A], %swap3A_105 {strides = array<i32>} : memref<16xf32, #tpu.memory_space<vmem>>, vector<16xf32>,
    %mul3A_106 = arith.constant 16 : i32
    %mul3A_107 = vector.broadcast %mul3A_106 : i32 to vector<16xi32>
    %mul3A_108 = arith.muli %scan3A_97#1, %mul3A_107 : vector<16xi32>
    %add3A_109 = arith.addi %select_n3A, %mul3A_108 : vector<16xi32>
    %iota3A = tpu.iota {dimensions = array<i32: 0>} : vector<16xi32>
    %add3A_110 = arith.addi %add3A_109, %iota3A : vector<16xi32>
    %swap3A_111 = arith.constant 0 : index
    %swap3A_112 = tpu.vector_load %arg9[%swap3A_111] {strides = array<i32>} : memref<16xi32, #tpu.memory_space<vmem>>, vector<16xi32>,
    %swap3A_113 = vector.shape_cast %swap3A_112 : vector<16xi32> to vector<16xi32>
    %swap3A_114 = vector.shape_cast %add3A_110 : vector<16xi32> to vector<16xi32>
    tpu.vector_store %arg9[%swap3A_111], %swap3A_114 {strides = array<i32>} : memref<16xi32, #tpu.memory_space<vmem>>, vector<16xi32>,
    %mul3A_115 = arith.constant 16 : i32
    %mul3A_116 = arith.muli %add3A, %mul3A_115 : i32
    %multiple_of3A_117 = tpu.assume_multiple %mul3A_116, 16 : i32
    "tpu.region"() ({
      %run_scoped3A = tpu.sem_alloc : memref<!tpu.dma_semaphore, #tpu.memory_space<semaphore_mem>>
      %dma_start3A_118 = tpu.memref_slice %arg4[%multiple_of3A_117] : memref<512xf32, #tpu.memory_space<hbm>> -> memref<16xf32, #tpu.memory_space<hbm>>
      %dma_start3A_119 = tpu.memref_slice %arg4[%multiple_of3A_117] : memref<512xf32, #tpu.memory_space<hbm>> -> memref<16xf32, #tpu.memory_space<hbm>>
      tpu.enqueue_dma source(%arg8 : memref<16xf32, #tpu.memory_space<vmem>>) target(%dma_start3A_119 : memref<16xf32, #tpu.memory_space<hbm>>) target_semaphore(%run_scoped3A : memref<!tpu.dma_semaphore, #tpu.memory_space<semaphore_mem>>)
      %dma_wait3A_120 = tpu.memref_slice %arg4[%multiple_of3A_117] : memref<512xf32, #tpu.memory_space<hbm>> -> memref<16xf32, #tpu.memory_space<hbm>>
      %dma_wait3A_121 = tpu.memref_slice %arg4[%multiple_of3A_117] : memref<512xf32, #tpu.memory_space<hbm>> -> memref<16xf32, #tpu.memory_space<hbm>>
      tpu.wait_dma2 semaphore(%run_scoped3A : memref<!tpu.dma_semaphore, #tpu.memory_space<semaphore_mem>>) src(%arg8 : memref<16xf32, #tpu.memory_space<vmem>>) dst(%dma_wait3A_121 : memref<16xf32, #tpu.memory_space<hbm>>)
      tpu.yield
    }) : () -> ()
    "tpu.region"() ({
      %run_scoped3A = tpu.sem_alloc : memref<!tpu.dma_semaphore, #tpu.memory_space<semaphore_mem>>
      %dma_start3A_118 = tpu.memref_slice %arg5[%multiple_of3A_117] : memref<512xi32, #tpu.memory_space<hbm>> -> memref<16xi32, #tpu.memory_space<hbm>>
      %dma_start3A_119 = tpu.memref_slice %arg5[%multiple_of3A_117] : memref<512xi32, #tpu.memory_space<hbm>> -> memref<16xi32, #tpu.memory_space<hbm>>
      tpu.enqueue_dma source(%arg9 : memref<16xi32, #tpu.memory_space<vmem>>) target(%dma_start3A_119 : memref<16xi32, #tpu.memory_space<hbm>>) target_semaphore(%run_scoped3A : memref<!tpu.dma_semaphore, #tpu.memory_space<semaphore_mem>>)
      %dma_wait3A_120 = tpu.memref_slice %arg5[%multiple_of3A_117] : memref<512xi32, #tpu.memory_space<hbm>> -> memref<16xi32, #tpu.memory_space<hbm>>
      %dma_wait3A_121 = tpu.memref_slice %arg5[%multiple_of3A_117] : memref<512xi32, #tpu.memory_space<hbm>> -> memref<16xi32, #tpu.memory_space<hbm>>
      tpu.wait_dma2 semaphore(%run_scoped3A : memref<!tpu.dma_semaphore, #tpu.memory_space<semaphore_mem>>) src(%arg9 : memref<16xi32, #tpu.memory_space<vmem>>) dst(%dma_wait3A_121 : memref<16xi32, #tpu.memory_space<hbm>>)
      tpu.yield
    }) : () -> ()
    return
  }
}

module attributes {stable_mosaic.version = 14 : i64} {
  func.func @_merge_body(%arg0: memref<512xf32, #tpu.memory_space<vmem>>, %arg1: memref<512xi32, #tpu.memory_space<vmem>>, %arg2: memref<1x1xf32, #tpu.memory_space<smem>>, %arg3: memref<1x1xi32, #tpu.memory_space<smem>>, %arg4: memref<1x1xi32, #tpu.memory_space<smem>>) attributes {dimension_semantics = [], scalar_prefetch = 0 : i64, scratch_operands = 0 : i64, tpu.core_type = #tpu.core_type<tc>} {
    %get3A = arith.constant 0 : index
    %get3A_0 = vector.load %arg0[%get3A] : memref<512xf32, #tpu.memory_space<vmem>>, vector<512xf32>
    %reshape3A = vector.shape_cast %get3A_0 : vector<512xf32> to vector<4x128xf32>
    %get3A_1 = arith.constant 0 : index
    %get3A_2 = vector.load %arg1[%get3A_1] : memref<512xi32, #tpu.memory_space<vmem>>, vector<512xi32>
    %reshape3A_3 = vector.shape_cast %get3A_2 : vector<512xi32> to vector<4x128xi32>
    %reduce_min3A = vector.shape_cast %reshape3A : vector<4x128xf32> to vector<1x4x128xf32>
    %reduce_min3A_4 = arith.constant dense<0x7F800000> : vector<1xf32>
    %reduce_min3A_5 = vector.multi_reduction <minimumf>, %reduce_min3A, %reduce_min3A_4 [1, 2] : vector<1x4x128xf32> to vector<1xf32>
    %reduce_min3A_6 = vector.shape_cast %reduce_min3A_5 : vector<1xf32> to vector<1x1x1xf32>
    %reduce_min3A_7 = vector.extract %reduce_min3A_6[0, 0, 0] : f32 from vector<1x1x1xf32>
    %eq3A = vector.broadcast %reduce_min3A_7 : f32 to vector<4x128xf32>
    %eq3A_8 = arith.cmpf oeq, %reshape3A, %eq3A : vector<4x128xf32>
    %jit3A = arith.constant 2147483647 : i32
    %broadcast_in_dim3A = vector.broadcast %jit3A : i32 to vector<4x128xi32>
    %select_n3A = arith.select %eq3A_8, %reshape3A_3, %broadcast_in_dim3A : vector<4x128xi1>, vector<4x128xi32>
    %reduce_min3A_9 = vector.shape_cast %select_n3A : vector<4x128xi32> to vector<1x4x128xi32>
    %reduce_min3A_10 = arith.constant dense<2147483647> : vector<1xi32>
    %reduce_min3A_11 = vector.multi_reduction <minsi>, %reduce_min3A_9, %reduce_min3A_10 [1, 2] : vector<1x4x128xi32> to vector<1xi32>
    %reduce_min3A_12 = vector.shape_cast %reduce_min3A_11 : vector<1xi32> to vector<1x1x1xi32>
    %reduce_min3A_13 = vector.extract %reduce_min3A_12[0, 0, 0] : i32 from vector<1x1x1xi32>
    %get3A_14 = arith.constant 0 : index
    %get3A_15 = arith.constant 0 : index
    %get3A_16 = memref.load %arg2[%get3A_14, %get3A_15] : memref<1x1xf32, #tpu.memory_space<smem>>
    %get3A_17 = arith.constant 0 : index
    %get3A_18 = arith.constant 0 : index
    %get3A_19 = memref.load %arg3[%get3A_17, %get3A_18] : memref<1x1xi32, #tpu.memory_space<smem>>
    %lt3A = arith.cmpf olt, %get3A_16, %reduce_min3A_7 : f32
    %eq3A_20 = arith.cmpf oeq, %get3A_16, %reduce_min3A_7 : f32
    %lt3A_21 = arith.cmpi slt, %get3A_19, %reduce_min3A_13 : i32
    %and3A = arith.andi %eq3A_20, %lt3A_21 : i1
    %or3A = arith.ori %lt3A, %and3A : i1
    %select_n3A_22 = arith.select %or3A, %get3A_19, %reduce_min3A_13 : i32
    %swap3A = arith.constant 0 : index
    %swap3A_23 = arith.constant 0 : index
    %swap3A_24 = memref.load %arg4[%swap3A, %swap3A_23] : memref<1x1xi32, #tpu.memory_space<smem>>
    memref.store %select_n3A_22, %arg4[%swap3A, %swap3A_23] : memref<1x1xi32, #tpu.memory_space<smem>>
    return
  }
}

module attributes {stable_mosaic.version = 14 : i64} {
  func.func @_tc_scan_body(%arg0: memref<1000000xf32, #tpu.memory_space<any>>, %arg1: memref<1000000xf32, #tpu.memory_space<any>>, %arg2: memref<1x1xf32, #tpu.memory_space<smem>>, %arg3: memref<1x1xi32, #tpu.memory_space<smem>>, %arg4: memref<65536xf32, #tpu.memory_space<vmem>>, %arg5: memref<65536xf32, #tpu.memory_space<vmem>>, %arg6: memref<65536xf32, #tpu.memory_space<vmem>>, %arg7: memref<65536xf32, #tpu.memory_space<vmem>>, %arg8: memref<4x!tpu.dma_semaphore, #tpu.memory_space<semaphore_mem>>) attributes {dimension_semantics = [], scalar_prefetch = 0 : i64, scratch_operands = 5 : i64, tpu.core_type = #tpu.core_type<tc>} {
    %multiple_of3A = arith.constant 458752 : i32
    %multiple_of3A_0 = tpu.assume_multiple %multiple_of3A, 128 : i32
    %dma_start3A = arith.constant 0 : i32
    %dma_start3A_1 = tpu.memref_slice %arg8[%dma_start3A] : memref<4x!tpu.dma_semaphore, #tpu.memory_space<semaphore_mem>> -> memref<1x!tpu.dma_semaphore, #tpu.memory_space<semaphore_mem>>
    %dma_start3A_2 = tpu.memref_squeeze %dma_start3A_1 : memref<1x!tpu.dma_semaphore, #tpu.memory_space<semaphore_mem>> -> memref<!tpu.dma_semaphore, #tpu.memory_space<semaphore_mem>>
    %dma_start3A_3 = tpu.memref_slice %arg0[%multiple_of3A_0] : memref<1000000xf32, #tpu.memory_space<any>> -> memref<65536xf32, #tpu.memory_space<any>>
    tpu.enqueue_dma source(%dma_start3A_3 : memref<65536xf32, #tpu.memory_space<any>>) target(%arg4 : memref<65536xf32, #tpu.memory_space<vmem>>) target_semaphore(%dma_start3A_2 : memref<!tpu.dma_semaphore, #tpu.memory_space<semaphore_mem>>)
    %dma_start3A_4 = arith.constant 1 : i32
    %dma_start3A_5 = tpu.memref_slice %arg8[%dma_start3A_4] : memref<4x!tpu.dma_semaphore, #tpu.memory_space<semaphore_mem>> -> memref<1x!tpu.dma_semaphore, #tpu.memory_space<semaphore_mem>>
    %dma_start3A_6 = tpu.memref_squeeze %dma_start3A_5 : memref<1x!tpu.dma_semaphore, #tpu.memory_space<semaphore_mem>> -> memref<!tpu.dma_semaphore, #tpu.memory_space<semaphore_mem>>
    %dma_start3A_7 = tpu.memref_slice %arg1[%multiple_of3A_0] : memref<1000000xf32, #tpu.memory_space<any>> -> memref<65536xf32, #tpu.memory_space<any>>
    tpu.enqueue_dma source(%dma_start3A_7 : memref<65536xf32, #tpu.memory_space<any>>) target(%arg5 : memref<65536xf32, #tpu.memory_space<vmem>>) target_semaphore(%dma_start3A_6 : memref<!tpu.dma_semaphore, #tpu.memory_space<semaphore_mem>>)
    %broadcast_in_dim3A = arith.constant 0x7F800000 : f32
    %broadcast_in_dim3A_8 = vector.broadcast %broadcast_in_dim3A : f32 to vector<8x128xf32>
    %broadcast_in_dim3A_9 = arith.constant 0 : i32
    %broadcast_in_dim3A_10 = vector.broadcast %broadcast_in_dim3A_9 : i32 to vector<8x128xi32>
    %scan3A = arith.constant 0 : i32
    %scan3A_11 = arith.constant 4 : i32
    %scan3A_12 = arith.addi %scan3A, %scan3A_11 : i32
    %scan3A_13 = arith.constant 1 : i32
    %scan3A_14:2 = scf.for %scan3A_107 = %scan3A to %scan3A_12 step %scan3A_13 iter_args(%scan3A_108 = %broadcast_in_dim3A_8, %scan3A_109 = %broadcast_in_dim3A_10) -> (vector<8x128xf32>, vector<8x128xi32>)  : i32 {
      %mul3A_110 = arith.constant 2 : i32
      %mul3A_111 = arith.muli %scan3A_107, %mul3A_110 : i32
      %mul3A_112 = arith.constant 65536 : i32
      %mul3A_113 = arith.muli %mul3A_111, %mul3A_112 : i32
      %add3A_114 = arith.constant 458752 : i32
      %add3A_115 = arith.addi %add3A_114, %mul3A_113 : i32
      %multiple_of3A_116 = tpu.assume_multiple %add3A_115, 128 : i32
      %dma_wait3A_117 = arith.constant 0 : i32
      %dma_wait3A_118 = tpu.memref_slice %arg8[%dma_wait3A_117] : memref<4x!tpu.dma_semaphore, #tpu.memory_space<semaphore_mem>> -> memref<1x!tpu.dma_semaphore, #tpu.memory_space<semaphore_mem>>
      %dma_wait3A_119 = tpu.memref_squeeze %dma_wait3A_118 : memref<1x!tpu.dma_semaphore, #tpu.memory_space<semaphore_mem>> -> memref<!tpu.dma_semaphore, #tpu.memory_space<semaphore_mem>>
      %dma_wait3A_120 = tpu.memref_slice %arg0[%multiple_of3A_116] : memref<1000000xf32, #tpu.memory_space<any>> -> memref<65536xf32, #tpu.memory_space<any>>
      tpu.wait_dma2 semaphore(%dma_wait3A_119 : memref<!tpu.dma_semaphore, #tpu.memory_space<semaphore_mem>>) src(%dma_wait3A_120 : memref<65536xf32, #tpu.memory_space<any>>) dst(%arg4 : memref<65536xf32, #tpu.memory_space<vmem>>)
      %dma_wait3A_121 = arith.constant 1 : i32
      %dma_wait3A_122 = tpu.memref_slice %arg8[%dma_wait3A_121] : memref<4x!tpu.dma_semaphore, #tpu.memory_space<semaphore_mem>> -> memref<1x!tpu.dma_semaphore, #tpu.memory_space<semaphore_mem>>
      %dma_wait3A_123 = tpu.memref_squeeze %dma_wait3A_122 : memref<1x!tpu.dma_semaphore, #tpu.memory_space<semaphore_mem>> -> memref<!tpu.dma_semaphore, #tpu.memory_space<semaphore_mem>>
      %dma_wait3A_124 = tpu.memref_slice %arg1[%multiple_of3A_116] : memref<1000000xf32, #tpu.memory_space<any>> -> memref<65536xf32, #tpu.memory_space<any>>
      tpu.wait_dma2 semaphore(%dma_wait3A_123 : memref<!tpu.dma_semaphore, #tpu.memory_space<semaphore_mem>>) src(%dma_wait3A_124 : memref<65536xf32, #tpu.memory_space<any>>) dst(%arg5 : memref<65536xf32, #tpu.memory_space<vmem>>)
      %add3A_125 = arith.constant 1 : i32
      %add3A_126 = arith.addi %mul3A_111, %add3A_125 : i32
      %mul3A_127 = arith.constant 65536 : i32
      %mul3A_128 = arith.muli %add3A_126, %mul3A_127 : i32
      %add3A_129 = arith.constant 458752 : i32
      %add3A_130 = arith.addi %add3A_129, %mul3A_128 : i32
      %multiple_of3A_131 = tpu.assume_multiple %add3A_130, 128 : i32
      %dma_start3A_132 = arith.constant 2 : i32
      %dma_start3A_133 = tpu.memref_slice %arg8[%dma_start3A_132] : memref<4x!tpu.dma_semaphore, #tpu.memory_space<semaphore_mem>> -> memref<1x!tpu.dma_semaphore, #tpu.memory_space<semaphore_mem>>
      %dma_start3A_134 = tpu.memref_squeeze %dma_start3A_133 : memref<1x!tpu.dma_semaphore, #tpu.memory_space<semaphore_mem>> -> memref<!tpu.dma_semaphore, #tpu.memory_space<semaphore_mem>>
      %dma_start3A_135 = tpu.memref_slice %arg0[%multiple_of3A_131] : memref<1000000xf32, #tpu.memory_space<any>> -> memref<65536xf32, #tpu.memory_space<any>>
      tpu.enqueue_dma source(%dma_start3A_135 : memref<65536xf32, #tpu.memory_space<any>>) target(%arg6 : memref<65536xf32, #tpu.memory_space<vmem>>) target_semaphore(%dma_start3A_134 : memref<!tpu.dma_semaphore, #tpu.memory_space<semaphore_mem>>)
      %dma_start3A_136 = arith.constant 3 : i32
      %dma_start3A_137 = tpu.memref_slice %arg8[%dma_start3A_136] : memref<4x!tpu.dma_semaphore, #tpu.memory_space<semaphore_mem>> -> memref<1x!tpu.dma_semaphore, #tpu.memory_space<semaphore_mem>>
      %dma_start3A_138 = tpu.memref_squeeze %dma_start3A_137 : memref<1x!tpu.dma_semaphore, #tpu.memory_space<semaphore_mem>> -> memref<!tpu.dma_semaphore, #tpu.memory_space<semaphore_mem>>
      %dma_start3A_139 = tpu.memref_slice %arg1[%multiple_of3A_131] : memref<1000000xf32, #tpu.memory_space<any>> -> memref<65536xf32, #tpu.memory_space<any>>
      tpu.enqueue_dma source(%dma_start3A_139 : memref<65536xf32, #tpu.memory_space<any>>) target(%arg7 : memref<65536xf32, #tpu.memory_space<vmem>>) target_semaphore(%dma_start3A_138 : memref<!tpu.dma_semaphore, #tpu.memory_space<semaphore_mem>>)
      %get3A_140 = arith.constant 0 : index
      %get3A_141 = vector.load %arg4[%get3A_140] : memref<65536xf32, #tpu.memory_space<vmem>>, vector<65536xf32>
      %reshape3A_142 = vector.shape_cast %get3A_141 : vector<65536xf32> to vector<512x128xf32>
      %get3A_143 = arith.constant 0 : index
      %get3A_144 = vector.load %arg5[%get3A_143] : memref<65536xf32, #tpu.memory_space<vmem>>, vector<65536xf32>
      %reshape3A_145 = vector.shape_cast %get3A_144 : vector<65536xf32> to vector<512x128xf32>
      %log3A_146 = math.log %reshape3A_145 : vector<512x128xf32>
      %sub3A_147 = arith.constant 0.000000e+00 : f32
      %sub3A_148 = vector.broadcast %sub3A_147 : f32 to vector<512x128xf32>
      %sub3A_149 = arith.subf %sub3A_148, %log3A_146 : vector<512x128xf32>
      %sub3A_150 = arith.constant 0.000000e+00 : f32
      %sub3A_151 = vector.broadcast %sub3A_150 : f32 to vector<512x128xf32>
      %sub3A_152 = arith.subf %sub3A_151, %reshape3A_142 : vector<512x128xf32>
      %exp3A_153 = math.exp %sub3A_152 : vector<512x128xf32>
      %mul3A_154 = arith.mulf %sub3A_149, %exp3A_153 : vector<512x128xf32>
      %slice3A = vector.extract_strided_slice %mul3A_154 {offsets = [0, 0], sizes = [8, 128], strides = [1, 1]} : vector<512x128xf32> to vector<8x128xf32>
      %mul3A_155 = arith.constant 64 : i32
      %mul3A_156 = arith.muli %mul3A_111, %mul3A_155 : i32
      %add3A_157 = arith.constant 0 : i32
      %add3A_158 = arith.addi %mul3A_156, %add3A_157 : i32
      %lt3A_159 = arith.cmpf olt, %slice3A, %scan3A_108 : vector<8x128xf32>
      %select_n3A_160 = arith.select %lt3A_159, %slice3A, %scan3A_108 : vector<8x128xi1>, vector<8x128xf32>
      %broadcast_in_dim3A_161 = vector.broadcast %add3A_158 : i32 to vector<8x128xi32>
      %select_n3A_162 = arith.select %lt3A_159, %broadcast_in_dim3A_161, %scan3A_109 : vector<8x128xi1>, vector<8x128xi32>
      %slice3A_163 = vector.extract_strided_slice %mul3A_154 {offsets = [8, 0], sizes = [8, 128], strides = [1, 1]} : vector<512x128xf32> to vector<8x128xf32>
      %mul3A_164 = arith.constant 64 : i32
      %mul3A_165 = arith.muli %mul3A_111, %mul3A_164 : i32
      %add3A_166 = arith.constant 1 : i32
      %add3A_167 = arith.addi %mul3A_165, %add3A_166 : i32
      %lt3A_168 = arith.cmpf olt, %slice3A_163, %select_n3A_160 : vector<8x128xf32>
      %select_n3A_169 = arith.select %lt3A_168, %slice3A_163, %select_n3A_160 : vector<8x128xi1>, vector<8x128xf32>
      %broadcast_in_dim3A_170 = vector.broadcast %add3A_167 : i32 to vector<8x128xi32>
      %select_n3A_171 = arith.select %lt3A_168, %broadcast_in_dim3A_170, %select_n3A_162 : vector<8x128xi1>, vector<8x128xi32>
      %slice3A_172 = vector.extract_strided_slice %mul3A_154 {offsets = [16, 0], sizes = [8, 128], strides = [1, 1]} : vector<512x128xf32> to vector<8x128xf32>
      %mul3A_173 = arith.constant 64 : i32
      %mul3A_174 = arith.muli %mul3A_111, %mul3A_173 : i32
      %add3A_175 = arith.constant 2 : i32
      %add3A_176 = arith.addi %mul3A_174, %add3A_175 : i32
      %lt3A_177 = arith.cmpf olt, %slice3A_172, %select_n3A_169 : vector<8x128xf32>
      %select_n3A_178 = arith.select %lt3A_177, %slice3A_172, %select_n3A_169 : vector<8x128xi1>, vector<8x128xf32>
      %broadcast_in_dim3A_179 = vector.broadcast %add3A_176 : i32 to vector<8x128xi32>
      %select_n3A_180 = arith.select %lt3A_177, %broadcast_in_dim3A_179, %select_n3A_171 : vector<8x128xi1>, vector<8x128xi32>
      %slice3A_181 = vector.extract_strided_slice %mul3A_154 {offsets = [24, 0], sizes = [8, 128], strides = [1, 1]} : vector<512x128xf32> to vector<8x128xf32>
      %mul3A_182 = arith.constant 64 : i32
      %mul3A_183 = arith.muli %mul3A_111, %mul3A_182 : i32
      %add3A_184 = arith.constant 3 : i32
      %add3A_185 = arith.addi %mul3A_183, %add3A_184 : i32
      %lt3A_186 = arith.cmpf olt, %slice3A_181, %select_n3A_178 : vector<8x128xf32>
      %select_n3A_187 = arith.select %lt3A_186, %slice3A_181, %select_n3A_178 : vector<8x128xi1>, vector<8x128xf32>
      %broadcast_in_dim3A_188 = vector.broadcast %add3A_185 : i32 to vector<8x128xi32>
      %select_n3A_189 = arith.select %lt3A_186, %broadcast_in_dim3A_188, %select_n3A_180 : vector<8x128xi1>, vector<8x128xi32>
      %slice3A_190 = vector.extract_strided_slice %mul3A_154 {offsets = [32, 0], sizes = [8, 128], strides = [1, 1]} : vector<512x128xf32> to vector<8x128xf32>
      %mul3A_191 = arith.constant 64 : i32
      %mul3A_192 = arith.muli %mul3A_111, %mul3A_191 : i32
      %add3A_193 = arith.constant 4 : i32
      %add3A_194 = arith.addi %mul3A_192, %add3A_193 : i32
      %lt3A_195 = arith.cmpf olt, %slice3A_190, %select_n3A_187 : vector<8x128xf32>
      %select_n3A_196 = arith.select %lt3A_195, %slice3A_190, %select_n3A_187 : vector<8x128xi1>, vector<8x128xf32>
      %broadcast_in_dim3A_197 = vector.broadcast %add3A_194 : i32 to vector<8x128xi32>
      %select_n3A_198 = arith.select %lt3A_195, %broadcast_in_dim3A_197, %select_n3A_189 : vector<8x128xi1>, vector<8x128xi32>
      %slice3A_199 = vector.extract_strided_slice %mul3A_154 {offsets = [40, 0], sizes = [8, 128], strides = [1, 1]} : vector<512x128xf32> to vector<8x128xf32>
      %mul3A_200 = arith.constant 64 : i32
      %mul3A_201 = arith.muli %mul3A_111, %mul3A_200 : i32
      %add3A_202 = arith.constant 5 : i32
      %add3A_203 = arith.addi %mul3A_201, %add3A_202 : i32
      %lt3A_204 = arith.cmpf olt, %slice3A_199, %select_n3A_196 : vector<8x128xf32>
      %select_n3A_205 = arith.select %lt3A_204, %slice3A_199, %select_n3A_196 : vector<8x128xi1>, vector<8x128xf32>
      %broadcast_in_dim3A_206 = vector.broadcast %add3A_203 : i32 to vector<8x128xi32>
      %select_n3A_207 = arith.select %lt3A_204, %broadcast_in_dim3A_206, %select_n3A_198 : vector<8x128xi1>, vector<8x128xi32>
      %slice3A_208 = vector.extract_strided_slice %mul3A_154 {offsets = [48, 0], sizes = [8, 128], strides = [1, 1]} : vector<512x128xf32> to vector<8x128xf32>
      %mul3A_209 = arith.constant 64 : i32
      %mul3A_210 = arith.muli %mul3A_111, %mul3A_209 : i32
      %add3A_211 = arith.constant 6 : i32
      %add3A_212 = arith.addi %mul3A_210, %add3A_211 : i32
      %lt3A_213 = arith.cmpf olt, %slice3A_208, %select_n3A_205 : vector<8x128xf32>
      %select_n3A_214 = arith.select %lt3A_213, %slice3A_208, %select_n3A_205 : vector<8x128xi1>, vector<8x128xf32>
      %broadcast_in_dim3A_215 = vector.broadcast %add3A_212 : i32 to vector<8x128xi32>
      %select_n3A_216 = arith.select %lt3A_213, %broadcast_in_dim3A_215, %select_n3A_207 : vector<8x128xi1>, vector<8x128xi32>
      %slice3A_217 = vector.extract_strided_slice %mul3A_154 {offsets = [56, 0], sizes = [8, 128], strides = [1, 1]} : vector<512x128xf32> to vector<8x128xf32>
      %mul3A_218 = arith.constant 64 : i32
      %mul3A_219 = arith.muli %mul3A_111, %mul3A_218 : i32
      %add3A_220 = arith.constant 7 : i32
      %add3A_221 = arith.addi %mul3A_219, %add3A_220 : i32
      %lt3A_222 = arith.cmpf olt, %slice3A_217, %select_n3A_214 : vector<8x128xf32>
      %select_n3A_223 = arith.select %lt3A_222, %slice3A_217, %select_n3A_214 : vector<8x128xi1>, vector<8x128xf32>
      %broadcast_in_dim3A_224 = vector.broadcast %add3A_221 : i32 to vector<8x128xi32>
      %select_n3A_225 = arith.select %lt3A_222, %broadcast_in_dim3A_224, %select_n3A_216 : vector<8x128xi1>, vector<8x128xi32>
      %slice3A_226 = vector.extract_strided_slice %mul3A_154 {offsets = [64, 0], sizes = [8, 128], strides = [1, 1]} : vector<512x128xf32> to vector<8x128xf32>
      %mul3A_227 = arith.constant 64 : i32
      %mul3A_228 = arith.muli %mul3A_111, %mul3A_227 : i32
      %add3A_229 = arith.constant 8 : i32
      %add3A_230 = arith.addi %mul3A_228, %add3A_229 : i32
      %lt3A_231 = arith.cmpf olt, %slice3A_226, %select_n3A_223 : vector<8x128xf32>
      %select_n3A_232 = arith.select %lt3A_231, %slice3A_226, %select_n3A_223 : vector<8x128xi1>, vector<8x128xf32>
      %broadcast_in_dim3A_233 = vector.broadcast %add3A_230 : i32 to vector<8x128xi32>
      %select_n3A_234 = arith.select %lt3A_231, %broadcast_in_dim3A_233, %select_n3A_225 : vector<8x128xi1>, vector<8x128xi32>
      %slice3A_235 = vector.extract_strided_slice %mul3A_154 {offsets = [72, 0], sizes = [8, 128], strides = [1, 1]} : vector<512x128xf32> to vector<8x128xf32>
      %mul3A_236 = arith.constant 64 : i32
      %mul3A_237 = arith.muli %mul3A_111, %mul3A_236 : i32
      %add3A_238 = arith.constant 9 : i32
      %add3A_239 = arith.addi %mul3A_237, %add3A_238 : i32
      %lt3A_240 = arith.cmpf olt, %slice3A_235, %select_n3A_232 : vector<8x128xf32>
      %select_n3A_241 = arith.select %lt3A_240, %slice3A_235, %select_n3A_232 : vector<8x128xi1>, vector<8x128xf32>
      %broadcast_in_dim3A_242 = vector.broadcast %add3A_239 : i32 to vector<8x128xi32>
      %select_n3A_243 = arith.select %lt3A_240, %broadcast_in_dim3A_242, %select_n3A_234 : vector<8x128xi1>, vector<8x128xi32>
      %slice3A_244 = vector.extract_strided_slice %mul3A_154 {offsets = [80, 0], sizes = [8, 128], strides = [1, 1]} : vector<512x128xf32> to vector<8x128xf32>
      %mul3A_245 = arith.constant 64 : i32
      %mul3A_246 = arith.muli %mul3A_111, %mul3A_245 : i32
      %add3A_247 = arith.constant 10 : i32
      %add3A_248 = arith.addi %mul3A_246, %add3A_247 : i32
      %lt3A_249 = arith.cmpf olt, %slice3A_244, %select_n3A_241 : vector<8x128xf32>
      %select_n3A_250 = arith.select %lt3A_249, %slice3A_244, %select_n3A_241 : vector<8x128xi1>, vector<8x128xf32>
      %broadcast_in_dim3A_251 = vector.broadcast %add3A_248 : i32 to vector<8x128xi32>
      %select_n3A_252 = arith.select %lt3A_249, %broadcast_in_dim3A_251, %select_n3A_243 : vector<8x128xi1>, vector<8x128xi32>
      %slice3A_253 = vector.extract_strided_slice %mul3A_154 {offsets = [88, 0], sizes = [8, 128], strides = [1, 1]} : vector<512x128xf32> to vector<8x128xf32>
      %mul3A_254 = arith.constant 64 : i32
      %mul3A_255 = arith.muli %mul3A_111, %mul3A_254 : i32
      %add3A_256 = arith.constant 11 : i32
      %add3A_257 = arith.addi %mul3A_255, %add3A_256 : i32
      %lt3A_258 = arith.cmpf olt, %slice3A_253, %select_n3A_250 : vector<8x128xf32>
      %select_n3A_259 = arith.select %lt3A_258, %slice3A_253, %select_n3A_250 : vector<8x128xi1>, vector<8x128xf32>
      %broadcast_in_dim3A_260 = vector.broadcast %add3A_257 : i32 to vector<8x128xi32>
      %select_n3A_261 = arith.select %lt3A_258, %broadcast_in_dim3A_260, %select_n3A_252 : vector<8x128xi1>, vector<8x128xi32>
      %slice3A_262 = vector.extract_strided_slice %mul3A_154 {offsets = [96, 0], sizes = [8, 128], strides = [1, 1]} : vector<512x128xf32> to vector<8x128xf32>
      %mul3A_263 = arith.constant 64 : i32
      %mul3A_264 = arith.muli %mul3A_111, %mul3A_263 : i32
      %add3A_265 = arith.constant 12 : i32
      %add3A_266 = arith.addi %mul3A_264, %add3A_265 : i32
      %lt3A_267 = arith.cmpf olt, %slice3A_262, %select_n3A_259 : vector<8x128xf32>
      %select_n3A_268 = arith.select %lt3A_267, %slice3A_262, %select_n3A_259 : vector<8x128xi1>, vector<8x128xf32>
      %broadcast_in_dim3A_269 = vector.broadcast %add3A_266 : i32 to vector<8x128xi32>
      %select_n3A_270 = arith.select %lt3A_267, %broadcast_in_dim3A_269, %select_n3A_261 : vector<8x128xi1>, vector<8x128xi32>
      %slice3A_271 = vector.extract_strided_slice %mul3A_154 {offsets = [104, 0], sizes = [8, 128], strides = [1, 1]} : vector<512x128xf32> to vector<8x128xf32>
      %mul3A_272 = arith.constant 64 : i32
      %mul3A_273 = arith.muli %mul3A_111, %mul3A_272 : i32
      %add3A_274 = arith.constant 13 : i32
      %add3A_275 = arith.addi %mul3A_273, %add3A_274 : i32
      %lt3A_276 = arith.cmpf olt, %slice3A_271, %select_n3A_268 : vector<8x128xf32>
      %select_n3A_277 = arith.select %lt3A_276, %slice3A_271, %select_n3A_268 : vector<8x128xi1>, vector<8x128xf32>
      %broadcast_in_dim3A_278 = vector.broadcast %add3A_275 : i32 to vector<8x128xi32>
      %select_n3A_279 = arith.select %lt3A_276, %broadcast_in_dim3A_278, %select_n3A_270 : vector<8x128xi1>, vector<8x128xi32>
      %slice3A_280 = vector.extract_strided_slice %mul3A_154 {offsets = [112, 0], sizes = [8, 128], strides = [1, 1]} : vector<512x128xf32> to vector<8x128xf32>
      %mul3A_281 = arith.constant 64 : i32
      %mul3A_282 = arith.muli %mul3A_111, %mul3A_281 : i32
      %add3A_283 = arith.constant 14 : i32
      %add3A_284 = arith.addi %mul3A_282, %add3A_283 : i32
      %lt3A_285 = arith.cmpf olt, %slice3A_280, %select_n3A_277 : vector<8x128xf32>
      %select_n3A_286 = arith.select %lt3A_285, %slice3A_280, %select_n3A_277 : vector<8x128xi1>, vector<8x128xf32>
      %broadcast_in_dim3A_287 = vector.broadcast %add3A_284 : i32 to vector<8x128xi32>
      %select_n3A_288 = arith.select %lt3A_285, %broadcast_in_dim3A_287, %select_n3A_279 : vector<8x128xi1>, vector<8x128xi32>
      %slice3A_289 = vector.extract_strided_slice %mul3A_154 {offsets = [120, 0], sizes = [8, 128], strides = [1, 1]} : vector<512x128xf32> to vector<8x128xf32>
      %mul3A_290 = arith.constant 64 : i32
      %mul3A_291 = arith.muli %mul3A_111, %mul3A_290 : i32
      %add3A_292 = arith.constant 15 : i32
      %add3A_293 = arith.addi %mul3A_291, %add3A_292 : i32
      %lt3A_294 = arith.cmpf olt, %slice3A_289, %select_n3A_286 : vector<8x128xf32>
      %select_n3A_295 = arith.select %lt3A_294, %slice3A_289, %select_n3A_286 : vector<8x128xi1>, vector<8x128xf32>
      %broadcast_in_dim3A_296 = vector.broadcast %add3A_293 : i32 to vector<8x128xi32>
      %select_n3A_297 = arith.select %lt3A_294, %broadcast_in_dim3A_296, %select_n3A_288 : vector<8x128xi1>, vector<8x128xi32>
      %slice3A_298 = vector.extract_strided_slice %mul3A_154 {offsets = [128, 0], sizes = [8, 128], strides = [1, 1]} : vector<512x128xf32> to vector<8x128xf32>
      %mul3A_299 = arith.constant 64 : i32
      %mul3A_300 = arith.muli %mul3A_111, %mul3A_299 : i32
      %add3A_301 = arith.constant 16 : i32
      %add3A_302 = arith.addi %mul3A_300, %add3A_301 : i32
      %lt3A_303 = arith.cmpf olt, %slice3A_298, %select_n3A_295 : vector<8x128xf32>
      %select_n3A_304 = arith.select %lt3A_303, %slice3A_298, %select_n3A_295 : vector<8x128xi1>, vector<8x128xf32>
      %broadcast_in_dim3A_305 = vector.broadcast %add3A_302 : i32 to vector<8x128xi32>
      %select_n3A_306 = arith.select %lt3A_303, %broadcast_in_dim3A_305, %select_n3A_297 : vector<8x128xi1>, vector<8x128xi32>
      %slice3A_307 = vector.extract_strided_slice %mul3A_154 {offsets = [136, 0], sizes = [8, 128], strides = [1, 1]} : vector<512x128xf32> to vector<8x128xf32>
      %mul3A_308 = arith.constant 64 : i32
      %mul3A_309 = arith.muli %mul3A_111, %mul3A_308 : i32
      %add3A_310 = arith.constant 17 : i32
      %add3A_311 = arith.addi %mul3A_309, %add3A_310 : i32
      %lt3A_312 = arith.cmpf olt, %slice3A_307, %select_n3A_304 : vector<8x128xf32>
      %select_n3A_313 = arith.select %lt3A_312, %slice3A_307, %select_n3A_304 : vector<8x128xi1>, vector<8x128xf32>
      %broadcast_in_dim3A_314 = vector.broadcast %add3A_311 : i32 to vector<8x128xi32>
      %select_n3A_315 = arith.select %lt3A_312, %broadcast_in_dim3A_314, %select_n3A_306 : vector<8x128xi1>, vector<8x128xi32>
      %slice3A_316 = vector.extract_strided_slice %mul3A_154 {offsets = [144, 0], sizes = [8, 128], strides = [1, 1]} : vector<512x128xf32> to vector<8x128xf32>
      %mul3A_317 = arith.constant 64 : i32
      %mul3A_318 = arith.muli %mul3A_111, %mul3A_317 : i32
      %add3A_319 = arith.constant 18 : i32
      %add3A_320 = arith.addi %mul3A_318, %add3A_319 : i32
      %lt3A_321 = arith.cmpf olt, %slice3A_316, %select_n3A_313 : vector<8x128xf32>
      %select_n3A_322 = arith.select %lt3A_321, %slice3A_316, %select_n3A_313 : vector<8x128xi1>, vector<8x128xf32>
      %broadcast_in_dim3A_323 = vector.broadcast %add3A_320 : i32 to vector<8x128xi32>
      %select_n3A_324 = arith.select %lt3A_321, %broadcast_in_dim3A_323, %select_n3A_315 : vector<8x128xi1>, vector<8x128xi32>
      %slice3A_325 = vector.extract_strided_slice %mul3A_154 {offsets = [152, 0], sizes = [8, 128], strides = [1, 1]} : vector<512x128xf32> to vector<8x128xf32>
      %mul3A_326 = arith.constant 64 : i32
      %mul3A_327 = arith.muli %mul3A_111, %mul3A_326 : i32
      %add3A_328 = arith.constant 19 : i32
      %add3A_329 = arith.addi %mul3A_327, %add3A_328 : i32
      %lt3A_330 = arith.cmpf olt, %slice3A_325, %select_n3A_322 : vector<8x128xf32>
      %select_n3A_331 = arith.select %lt3A_330, %slice3A_325, %select_n3A_322 : vector<8x128xi1>, vector<8x128xf32>
      %broadcast_in_dim3A_332 = vector.broadcast %add3A_329 : i32 to vector<8x128xi32>
      %select_n3A_333 = arith.select %lt3A_330, %broadcast_in_dim3A_332, %select_n3A_324 : vector<8x128xi1>, vector<8x128xi32>
      %slice3A_334 = vector.extract_strided_slice %mul3A_154 {offsets = [160, 0], sizes = [8, 128], strides = [1, 1]} : vector<512x128xf32> to vector<8x128xf32>
      %mul3A_335 = arith.constant 64 : i32
      %mul3A_336 = arith.muli %mul3A_111, %mul3A_335 : i32
      %add3A_337 = arith.constant 20 : i32
      %add3A_338 = arith.addi %mul3A_336, %add3A_337 : i32
      %lt3A_339 = arith.cmpf olt, %slice3A_334, %select_n3A_331 : vector<8x128xf32>
      %select_n3A_340 = arith.select %lt3A_339, %slice3A_334, %select_n3A_331 : vector<8x128xi1>, vector<8x128xf32>
      %broadcast_in_dim3A_341 = vector.broadcast %add3A_338 : i32 to vector<8x128xi32>
      %select_n3A_342 = arith.select %lt3A_339, %broadcast_in_dim3A_341, %select_n3A_333 : vector<8x128xi1>, vector<8x128xi32>
      %slice3A_343 = vector.extract_strided_slice %mul3A_154 {offsets = [168, 0], sizes = [8, 128], strides = [1, 1]} : vector<512x128xf32> to vector<8x128xf32>
      %mul3A_344 = arith.constant 64 : i32
      %mul3A_345 = arith.muli %mul3A_111, %mul3A_344 : i32
      %add3A_346 = arith.constant 21 : i32
      %add3A_347 = arith.addi %mul3A_345, %add3A_346 : i32
      %lt3A_348 = arith.cmpf olt, %slice3A_343, %select_n3A_340 : vector<8x128xf32>
      %select_n3A_349 = arith.select %lt3A_348, %slice3A_343, %select_n3A_340 : vector<8x128xi1>, vector<8x128xf32>
      %broadcast_in_dim3A_350 = vector.broadcast %add3A_347 : i32 to vector<8x128xi32>
      %select_n3A_351 = arith.select %lt3A_348, %broadcast_in_dim3A_350, %select_n3A_342 : vector<8x128xi1>, vector<8x128xi32>
      %slice3A_352 = vector.extract_strided_slice %mul3A_154 {offsets = [176, 0], sizes = [8, 128], strides = [1, 1]} : vector<512x128xf32> to vector<8x128xf32>
      %mul3A_353 = arith.constant 64 : i32
      %mul3A_354 = arith.muli %mul3A_111, %mul3A_353 : i32
      %add3A_355 = arith.constant 22 : i32
      %add3A_356 = arith.addi %mul3A_354, %add3A_355 : i32
      %lt3A_357 = arith.cmpf olt, %slice3A_352, %select_n3A_349 : vector<8x128xf32>
      %select_n3A_358 = arith.select %lt3A_357, %slice3A_352, %select_n3A_349 : vector<8x128xi1>, vector<8x128xf32>
      %broadcast_in_dim3A_359 = vector.broadcast %add3A_356 : i32 to vector<8x128xi32>
      %select_n3A_360 = arith.select %lt3A_357, %broadcast_in_dim3A_359, %select_n3A_351 : vector<8x128xi1>, vector<8x128xi32>
      %slice3A_361 = vector.extract_strided_slice %mul3A_154 {offsets = [184, 0], sizes = [8, 128], strides = [1, 1]} : vector<512x128xf32> to vector<8x128xf32>
      %mul3A_362 = arith.constant 64 : i32
      %mul3A_363 = arith.muli %mul3A_111, %mul3A_362 : i32
      %add3A_364 = arith.constant 23 : i32
      %add3A_365 = arith.addi %mul3A_363, %add3A_364 : i32
      %lt3A_366 = arith.cmpf olt, %slice3A_361, %select_n3A_358 : vector<8x128xf32>
      %select_n3A_367 = arith.select %lt3A_366, %slice3A_361, %select_n3A_358 : vector<8x128xi1>, vector<8x128xf32>
      %broadcast_in_dim3A_368 = vector.broadcast %add3A_365 : i32 to vector<8x128xi32>
      %select_n3A_369 = arith.select %lt3A_366, %broadcast_in_dim3A_368, %select_n3A_360 : vector<8x128xi1>, vector<8x128xi32>
      %slice3A_370 = vector.extract_strided_slice %mul3A_154 {offsets = [192, 0], sizes = [8, 128], strides = [1, 1]} : vector<512x128xf32> to vector<8x128xf32>
      %mul3A_371 = arith.constant 64 : i32
      %mul3A_372 = arith.muli %mul3A_111, %mul3A_371 : i32
      %add3A_373 = arith.constant 24 : i32
      %add3A_374 = arith.addi %mul3A_372, %add3A_373 : i32
      %lt3A_375 = arith.cmpf olt, %slice3A_370, %select_n3A_367 : vector<8x128xf32>
      %select_n3A_376 = arith.select %lt3A_375, %slice3A_370, %select_n3A_367 : vector<8x128xi1>, vector<8x128xf32>
      %broadcast_in_dim3A_377 = vector.broadcast %add3A_374 : i32 to vector<8x128xi32>
      %select_n3A_378 = arith.select %lt3A_375, %broadcast_in_dim3A_377, %select_n3A_369 : vector<8x128xi1>, vector<8x128xi32>
      %slice3A_379 = vector.extract_strided_slice %mul3A_154 {offsets = [200, 0], sizes = [8, 128], strides = [1, 1]} : vector<512x128xf32> to vector<8x128xf32>
      %mul3A_380 = arith.constant 64 : i32
      %mul3A_381 = arith.muli %mul3A_111, %mul3A_380 : i32
      %add3A_382 = arith.constant 25 : i32
      %add3A_383 = arith.addi %mul3A_381, %add3A_382 : i32
      %lt3A_384 = arith.cmpf olt, %slice3A_379, %select_n3A_376 : vector<8x128xf32>
      %select_n3A_385 = arith.select %lt3A_384, %slice3A_379, %select_n3A_376 : vector<8x128xi1>, vector<8x128xf32>
      %broadcast_in_dim3A_386 = vector.broadcast %add3A_383 : i32 to vector<8x128xi32>
      %select_n3A_387 = arith.select %lt3A_384, %broadcast_in_dim3A_386, %select_n3A_378 : vector<8x128xi1>, vector<8x128xi32>
      %slice3A_388 = vector.extract_strided_slice %mul3A_154 {offsets = [208, 0], sizes = [8, 128], strides = [1, 1]} : vector<512x128xf32> to vector<8x128xf32>
      %mul3A_389 = arith.constant 64 : i32
      %mul3A_390 = arith.muli %mul3A_111, %mul3A_389 : i32
      %add3A_391 = arith.constant 26 : i32
      %add3A_392 = arith.addi %mul3A_390, %add3A_391 : i32
      %lt3A_393 = arith.cmpf olt, %slice3A_388, %select_n3A_385 : vector<8x128xf32>
      %select_n3A_394 = arith.select %lt3A_393, %slice3A_388, %select_n3A_385 : vector<8x128xi1>, vector<8x128xf32>
      %broadcast_in_dim3A_395 = vector.broadcast %add3A_392 : i32 to vector<8x128xi32>
      %select_n3A_396 = arith.select %lt3A_393, %broadcast_in_dim3A_395, %select_n3A_387 : vector<8x128xi1>, vector<8x128xi32>
      %slice3A_397 = vector.extract_strided_slice %mul3A_154 {offsets = [216, 0], sizes = [8, 128], strides = [1, 1]} : vector<512x128xf32> to vector<8x128xf32>
      %mul3A_398 = arith.constant 64 : i32
      %mul3A_399 = arith.muli %mul3A_111, %mul3A_398 : i32
      %add3A_400 = arith.constant 27 : i32
      %add3A_401 = arith.addi %mul3A_399, %add3A_400 : i32
      %lt3A_402 = arith.cmpf olt, %slice3A_397, %select_n3A_394 : vector<8x128xf32>
      %select_n3A_403 = arith.select %lt3A_402, %slice3A_397, %select_n3A_394 : vector<8x128xi1>, vector<8x128xf32>
      %broadcast_in_dim3A_404 = vector.broadcast %add3A_401 : i32 to vector<8x128xi32>
      %select_n3A_405 = arith.select %lt3A_402, %broadcast_in_dim3A_404, %select_n3A_396 : vector<8x128xi1>, vector<8x128xi32>
      %slice3A_406 = vector.extract_strided_slice %mul3A_154 {offsets = [224, 0], sizes = [8, 128], strides = [1, 1]} : vector<512x128xf32> to vector<8x128xf32>
      %mul3A_407 = arith.constant 64 : i32
      %mul3A_408 = arith.muli %mul3A_111, %mul3A_407 : i32
      %add3A_409 = arith.constant 28 : i32
      %add3A_410 = arith.addi %mul3A_408, %add3A_409 : i32
      %lt3A_411 = arith.cmpf olt, %slice3A_406, %select_n3A_403 : vector<8x128xf32>
      %select_n3A_412 = arith.select %lt3A_411, %slice3A_406, %select_n3A_403 : vector<8x128xi1>, vector<8x128xf32>
      %broadcast_in_dim3A_413 = vector.broadcast %add3A_410 : i32 to vector<8x128xi32>
      %select_n3A_414 = arith.select %lt3A_411, %broadcast_in_dim3A_413, %select_n3A_405 : vector<8x128xi1>, vector<8x128xi32>
      %slice3A_415 = vector.extract_strided_slice %mul3A_154 {offsets = [232, 0], sizes = [8, 128], strides = [1, 1]} : vector<512x128xf32> to vector<8x128xf32>
      %mul3A_416 = arith.constant 64 : i32
      %mul3A_417 = arith.muli %mul3A_111, %mul3A_416 : i32
      %add3A_418 = arith.constant 29 : i32
      %add3A_419 = arith.addi %mul3A_417, %add3A_418 : i32
      %lt3A_420 = arith.cmpf olt, %slice3A_415, %select_n3A_412 : vector<8x128xf32>
      %select_n3A_421 = arith.select %lt3A_420, %slice3A_415, %select_n3A_412 : vector<8x128xi1>, vector<8x128xf32>
      %broadcast_in_dim3A_422 = vector.broadcast %add3A_419 : i32 to vector<8x128xi32>
      %select_n3A_423 = arith.select %lt3A_420, %broadcast_in_dim3A_422, %select_n3A_414 : vector<8x128xi1>, vector<8x128xi32>
      %slice3A_424 = vector.extract_strided_slice %mul3A_154 {offsets = [240, 0], sizes = [8, 128], strides = [1, 1]} : vector<512x128xf32> to vector<8x128xf32>
      %mul3A_425 = arith.constant 64 : i32
      %mul3A_426 = arith.muli %mul3A_111, %mul3A_425 : i32
      %add3A_427 = arith.constant 30 : i32
      %add3A_428 = arith.addi %mul3A_426, %add3A_427 : i32
      %lt3A_429 = arith.cmpf olt, %slice3A_424, %select_n3A_421 : vector<8x128xf32>
      %select_n3A_430 = arith.select %lt3A_429, %slice3A_424, %select_n3A_421 : vector<8x128xi1>, vector<8x128xf32>
      %broadcast_in_dim3A_431 = vector.broadcast %add3A_428 : i32 to vector<8x128xi32>
      %select_n3A_432 = arith.select %lt3A_429, %broadcast_in_dim3A_431, %select_n3A_423 : vector<8x128xi1>, vector<8x128xi32>
      %slice3A_433 = vector.extract_strided_slice %mul3A_154 {offsets = [248, 0], sizes = [8, 128], strides = [1, 1]} : vector<512x128xf32> to vector<8x128xf32>
      %mul3A_434 = arith.constant 64 : i32
      %mul3A_435 = arith.muli %mul3A_111, %mul3A_434 : i32
      %add3A_436 = arith.constant 31 : i32
      %add3A_437 = arith.addi %mul3A_435, %add3A_436 : i32
      %lt3A_438 = arith.cmpf olt, %slice3A_433, %select_n3A_430 : vector<8x128xf32>
      %select_n3A_439 = arith.select %lt3A_438, %slice3A_433, %select_n3A_430 : vector<8x128xi1>, vector<8x128xf32>
      %broadcast_in_dim3A_440 = vector.broadcast %add3A_437 : i32 to vector<8x128xi32>
      %select_n3A_441 = arith.select %lt3A_438, %broadcast_in_dim3A_440, %select_n3A_432 : vector<8x128xi1>, vector<8x128xi32>
      %slice3A_442 = vector.extract_strided_slice %mul3A_154 {offsets = [256, 0], sizes = [8, 128], strides = [1, 1]} : vector<512x128xf32> to vector<8x128xf32>
      %mul3A_443 = arith.constant 64 : i32
      %mul3A_444 = arith.muli %mul3A_111, %mul3A_443 : i32
      %add3A_445 = arith.constant 32 : i32
      %add3A_446 = arith.addi %mul3A_444, %add3A_445 : i32
      %lt3A_447 = arith.cmpf olt, %slice3A_442, %select_n3A_439 : vector<8x128xf32>
      %select_n3A_448 = arith.select %lt3A_447, %slice3A_442, %select_n3A_439 : vector<8x128xi1>, vector<8x128xf32>
      %broadcast_in_dim3A_449 = vector.broadcast %add3A_446 : i32 to vector<8x128xi32>
      %select_n3A_450 = arith.select %lt3A_447, %broadcast_in_dim3A_449, %select_n3A_441 : vector<8x128xi1>, vector<8x128xi32>
      %slice3A_451 = vector.extract_strided_slice %mul3A_154 {offsets = [264, 0], sizes = [8, 128], strides = [1, 1]} : vector<512x128xf32> to vector<8x128xf32>
      %mul3A_452 = arith.constant 64 : i32
      %mul3A_453 = arith.muli %mul3A_111, %mul3A_452 : i32
      %add3A_454 = arith.constant 33 : i32
      %add3A_455 = arith.addi %mul3A_453, %add3A_454 : i32
      %lt3A_456 = arith.cmpf olt, %slice3A_451, %select_n3A_448 : vector<8x128xf32>
      %select_n3A_457 = arith.select %lt3A_456, %slice3A_451, %select_n3A_448 : vector<8x128xi1>, vector<8x128xf32>
      %broadcast_in_dim3A_458 = vector.broadcast %add3A_455 : i32 to vector<8x128xi32>
      %select_n3A_459 = arith.select %lt3A_456, %broadcast_in_dim3A_458, %select_n3A_450 : vector<8x128xi1>, vector<8x128xi32>
      %slice3A_460 = vector.extract_strided_slice %mul3A_154 {offsets = [272, 0], sizes = [8, 128], strides = [1, 1]} : vector<512x128xf32> to vector<8x128xf32>
      %mul3A_461 = arith.constant 64 : i32
      %mul3A_462 = arith.muli %mul3A_111, %mul3A_461 : i32
      %add3A_463 = arith.constant 34 : i32
      %add3A_464 = arith.addi %mul3A_462, %add3A_463 : i32
      %lt3A_465 = arith.cmpf olt, %slice3A_460, %select_n3A_457 : vector<8x128xf32>
      %select_n3A_466 = arith.select %lt3A_465, %slice3A_460, %select_n3A_457 : vector<8x128xi1>, vector<8x128xf32>
      %broadcast_in_dim3A_467 = vector.broadcast %add3A_464 : i32 to vector<8x128xi32>
      %select_n3A_468 = arith.select %lt3A_465, %broadcast_in_dim3A_467, %select_n3A_459 : vector<8x128xi1>, vector<8x128xi32>
      %slice3A_469 = vector.extract_strided_slice %mul3A_154 {offsets = [280, 0], sizes = [8, 128], strides = [1, 1]} : vector<512x128xf32> to vector<8x128xf32>
      %mul3A_470 = arith.constant 64 : i32
      %mul3A_471 = arith.muli %mul3A_111, %mul3A_470 : i32
      %add3A_472 = arith.constant 35 : i32
      %add3A_473 = arith.addi %mul3A_471, %add3A_472 : i32
      %lt3A_474 = arith.cmpf olt, %slice3A_469, %select_n3A_466 : vector<8x128xf32>
      %select_n3A_475 = arith.select %lt3A_474, %slice3A_469, %select_n3A_466 : vector<8x128xi1>, vector<8x128xf32>
      %broadcast_in_dim3A_476 = vector.broadcast %add3A_473 : i32 to vector<8x128xi32>
      %select_n3A_477 = arith.select %lt3A_474, %broadcast_in_dim3A_476, %select_n3A_468 : vector<8x128xi1>, vector<8x128xi32>
      %slice3A_478 = vector.extract_strided_slice %mul3A_154 {offsets = [288, 0], sizes = [8, 128], strides = [1, 1]} : vector<512x128xf32> to vector<8x128xf32>
      %mul3A_479 = arith.constant 64 : i32
      %mul3A_480 = arith.muli %mul3A_111, %mul3A_479 : i32
      %add3A_481 = arith.constant 36 : i32
      %add3A_482 = arith.addi %mul3A_480, %add3A_481 : i32
      %lt3A_483 = arith.cmpf olt, %slice3A_478, %select_n3A_475 : vector<8x128xf32>
      %select_n3A_484 = arith.select %lt3A_483, %slice3A_478, %select_n3A_475 : vector<8x128xi1>, vector<8x128xf32>
      %broadcast_in_dim3A_485 = vector.broadcast %add3A_482 : i32 to vector<8x128xi32>
      %select_n3A_486 = arith.select %lt3A_483, %broadcast_in_dim3A_485, %select_n3A_477 : vector<8x128xi1>, vector<8x128xi32>
      %slice3A_487 = vector.extract_strided_slice %mul3A_154 {offsets = [296, 0], sizes = [8, 128], strides = [1, 1]} : vector<512x128xf32> to vector<8x128xf32>
      %mul3A_488 = arith.constant 64 : i32
      %mul3A_489 = arith.muli %mul3A_111, %mul3A_488 : i32
      %add3A_490 = arith.constant 37 : i32
      %add3A_491 = arith.addi %mul3A_489, %add3A_490 : i32
      %lt3A_492 = arith.cmpf olt, %slice3A_487, %select_n3A_484 : vector<8x128xf32>
      %select_n3A_493 = arith.select %lt3A_492, %slice3A_487, %select_n3A_484 : vector<8x128xi1>, vector<8x128xf32>
      %broadcast_in_dim3A_494 = vector.broadcast %add3A_491 : i32 to vector<8x128xi32>
      %select_n3A_495 = arith.select %lt3A_492, %broadcast_in_dim3A_494, %select_n3A_486 : vector<8x128xi1>, vector<8x128xi32>
      %slice3A_496 = vector.extract_strided_slice %mul3A_154 {offsets = [304, 0], sizes = [8, 128], strides = [1, 1]} : vector<512x128xf32> to vector<8x128xf32>
      %mul3A_497 = arith.constant 64 : i32
      %mul3A_498 = arith.muli %mul3A_111, %mul3A_497 : i32
      %add3A_499 = arith.constant 38 : i32
      %add3A_500 = arith.addi %mul3A_498, %add3A_499 : i32
      %lt3A_501 = arith.cmpf olt, %slice3A_496, %select_n3A_493 : vector<8x128xf32>
      %select_n3A_502 = arith.select %lt3A_501, %slice3A_496, %select_n3A_493 : vector<8x128xi1>, vector<8x128xf32>
      %broadcast_in_dim3A_503 = vector.broadcast %add3A_500 : i32 to vector<8x128xi32>
      %select_n3A_504 = arith.select %lt3A_501, %broadcast_in_dim3A_503, %select_n3A_495 : vector<8x128xi1>, vector<8x128xi32>
      %slice3A_505 = vector.extract_strided_slice %mul3A_154 {offsets = [312, 0], sizes = [8, 128], strides = [1, 1]} : vector<512x128xf32> to vector<8x128xf32>
      %mul3A_506 = arith.constant 64 : i32
      %mul3A_507 = arith.muli %mul3A_111, %mul3A_506 : i32
      %add3A_508 = arith.constant 39 : i32
      %add3A_509 = arith.addi %mul3A_507, %add3A_508 : i32
      %lt3A_510 = arith.cmpf olt, %slice3A_505, %select_n3A_502 : vector<8x128xf32>
      %select_n3A_511 = arith.select %lt3A_510, %slice3A_505, %select_n3A_502 : vector<8x128xi1>, vector<8x128xf32>
      %broadcast_in_dim3A_512 = vector.broadcast %add3A_509 : i32 to vector<8x128xi32>
      %select_n3A_513 = arith.select %lt3A_510, %broadcast_in_dim3A_512, %select_n3A_504 : vector<8x128xi1>, vector<8x128xi32>
      %slice3A_514 = vector.extract_strided_slice %mul3A_154 {offsets = [320, 0], sizes = [8, 128], strides = [1, 1]} : vector<512x128xf32> to vector<8x128xf32>
      %mul3A_515 = arith.constant 64 : i32
      %mul3A_516 = arith.muli %mul3A_111, %mul3A_515 : i32
      %add3A_517 = arith.constant 40 : i32
      %add3A_518 = arith.addi %mul3A_516, %add3A_517 : i32
      %lt3A_519 = arith.cmpf olt, %slice3A_514, %select_n3A_511 : vector<8x128xf32>
      %select_n3A_520 = arith.select %lt3A_519, %slice3A_514, %select_n3A_511 : vector<8x128xi1>, vector<8x128xf32>
      %broadcast_in_dim3A_521 = vector.broadcast %add3A_518 : i32 to vector<8x128xi32>
      %select_n3A_522 = arith.select %lt3A_519, %broadcast_in_dim3A_521, %select_n3A_513 : vector<8x128xi1>, vector<8x128xi32>
      %slice3A_523 = vector.extract_strided_slice %mul3A_154 {offsets = [328, 0], sizes = [8, 128], strides = [1, 1]} : vector<512x128xf32> to vector<8x128xf32>
      %mul3A_524 = arith.constant 64 : i32
      %mul3A_525 = arith.muli %mul3A_111, %mul3A_524 : i32
      %add3A_526 = arith.constant 41 : i32
      %add3A_527 = arith.addi %mul3A_525, %add3A_526 : i32
      %lt3A_528 = arith.cmpf olt, %slice3A_523, %select_n3A_520 : vector<8x128xf32>
      %select_n3A_529 = arith.select %lt3A_528, %slice3A_523, %select_n3A_520 : vector<8x128xi1>, vector<8x128xf32>
      %broadcast_in_dim3A_530 = vector.broadcast %add3A_527 : i32 to vector<8x128xi32>
      %select_n3A_531 = arith.select %lt3A_528, %broadcast_in_dim3A_530, %select_n3A_522 : vector<8x128xi1>, vector<8x128xi32>
      %slice3A_532 = vector.extract_strided_slice %mul3A_154 {offsets = [336, 0], sizes = [8, 128], strides = [1, 1]} : vector<512x128xf32> to vector<8x128xf32>
      %mul3A_533 = arith.constant 64 : i32
      %mul3A_534 = arith.muli %mul3A_111, %mul3A_533 : i32
      %add3A_535 = arith.constant 42 : i32
      %add3A_536 = arith.addi %mul3A_534, %add3A_535 : i32
      %lt3A_537 = arith.cmpf olt, %slice3A_532, %select_n3A_529 : vector<8x128xf32>
      %select_n3A_538 = arith.select %lt3A_537, %slice3A_532, %select_n3A_529 : vector<8x128xi1>, vector<8x128xf32>
      %broadcast_in_dim3A_539 = vector.broadcast %add3A_536 : i32 to vector<8x128xi32>
      %select_n3A_540 = arith.select %lt3A_537, %broadcast_in_dim3A_539, %select_n3A_531 : vector<8x128xi1>, vector<8x128xi32>
      %slice3A_541 = vector.extract_strided_slice %mul3A_154 {offsets = [344, 0], sizes = [8, 128], strides = [1, 1]} : vector<512x128xf32> to vector<8x128xf32>
      %mul3A_542 = arith.constant 64 : i32
      %mul3A_543 = arith.muli %mul3A_111, %mul3A_542 : i32
      %add3A_544 = arith.constant 43 : i32
      %add3A_545 = arith.addi %mul3A_543, %add3A_544 : i32
      %lt3A_546 = arith.cmpf olt, %slice3A_541, %select_n3A_538 : vector<8x128xf32>
      %select_n3A_547 = arith.select %lt3A_546, %slice3A_541, %select_n3A_538 : vector<8x128xi1>, vector<8x128xf32>
      %broadcast_in_dim3A_548 = vector.broadcast %add3A_545 : i32 to vector<8x128xi32>
      %select_n3A_549 = arith.select %lt3A_546, %broadcast_in_dim3A_548, %select_n3A_540 : vector<8x128xi1>, vector<8x128xi32>
      %slice3A_550 = vector.extract_strided_slice %mul3A_154 {offsets = [352, 0], sizes = [8, 128], strides = [1, 1]} : vector<512x128xf32> to vector<8x128xf32>
      %mul3A_551 = arith.constant 64 : i32
      %mul3A_552 = arith.muli %mul3A_111, %mul3A_551 : i32
      %add3A_553 = arith.constant 44 : i32
      %add3A_554 = arith.addi %mul3A_552, %add3A_553 : i32
      %lt3A_555 = arith.cmpf olt, %slice3A_550, %select_n3A_547 : vector<8x128xf32>
      %select_n3A_556 = arith.select %lt3A_555, %slice3A_550, %select_n3A_547 : vector<8x128xi1>, vector<8x128xf32>
      %broadcast_in_dim3A_557 = vector.broadcast %add3A_554 : i32 to vector<8x128xi32>
      %select_n3A_558 = arith.select %lt3A_555, %broadcast_in_dim3A_557, %select_n3A_549 : vector<8x128xi1>, vector<8x128xi32>
      %slice3A_559 = vector.extract_strided_slice %mul3A_154 {offsets = [360, 0], sizes = [8, 128], strides = [1, 1]} : vector<512x128xf32> to vector<8x128xf32>
      %mul3A_560 = arith.constant 64 : i32
      %mul3A_561 = arith.muli %mul3A_111, %mul3A_560 : i32
      %add3A_562 = arith.constant 45 : i32
      %add3A_563 = arith.addi %mul3A_561, %add3A_562 : i32
      %lt3A_564 = arith.cmpf olt, %slice3A_559, %select_n3A_556 : vector<8x128xf32>
      %select_n3A_565 = arith.select %lt3A_564, %slice3A_559, %select_n3A_556 : vector<8x128xi1>, vector<8x128xf32>
      %broadcast_in_dim3A_566 = vector.broadcast %add3A_563 : i32 to vector<8x128xi32>
      %select_n3A_567 = arith.select %lt3A_564, %broadcast_in_dim3A_566, %select_n3A_558 : vector<8x128xi1>, vector<8x128xi32>
      %slice3A_568 = vector.extract_strided_slice %mul3A_154 {offsets = [368, 0], sizes = [8, 128], strides = [1, 1]} : vector<512x128xf32> to vector<8x128xf32>
      %mul3A_569 = arith.constant 64 : i32
      %mul3A_570 = arith.muli %mul3A_111, %mul3A_569 : i32
      %add3A_571 = arith.constant 46 : i32
      %add3A_572 = arith.addi %mul3A_570, %add3A_571 : i32
      %lt3A_573 = arith.cmpf olt, %slice3A_568, %select_n3A_565 : vector<8x128xf32>
      %select_n3A_574 = arith.select %lt3A_573, %slice3A_568, %select_n3A_565 : vector<8x128xi1>, vector<8x128xf32>
      %broadcast_in_dim3A_575 = vector.broadcast %add3A_572 : i32 to vector<8x128xi32>
      %select_n3A_576 = arith.select %lt3A_573, %broadcast_in_dim3A_575, %select_n3A_567 : vector<8x128xi1>, vector<8x128xi32>
      %slice3A_577 = vector.extract_strided_slice %mul3A_154 {offsets = [376, 0], sizes = [8, 128], strides = [1, 1]} : vector<512x128xf32> to vector<8x128xf32>
      %mul3A_578 = arith.constant 64 : i32
      %mul3A_579 = arith.muli %mul3A_111, %mul3A_578 : i32
      %add3A_580 = arith.constant 47 : i32
      %add3A_581 = arith.addi %mul3A_579, %add3A_580 : i32
      %lt3A_582 = arith.cmpf olt, %slice3A_577, %select_n3A_574 : vector<8x128xf32>
      %select_n3A_583 = arith.select %lt3A_582, %slice3A_577, %select_n3A_574 : vector<8x128xi1>, vector<8x128xf32>
      %broadcast_in_dim3A_584 = vector.broadcast %add3A_581 : i32 to vector<8x128xi32>
      %select_n3A_585 = arith.select %lt3A_582, %broadcast_in_dim3A_584, %select_n3A_576 : vector<8x128xi1>, vector<8x128xi32>
      %slice3A_586 = vector.extract_strided_slice %mul3A_154 {offsets = [384, 0], sizes = [8, 128], strides = [1, 1]} : vector<512x128xf32> to vector<8x128xf32>
      %mul3A_587 = arith.constant 64 : i32
      %mul3A_588 = arith.muli %mul3A_111, %mul3A_587 : i32
      %add3A_589 = arith.constant 48 : i32
      %add3A_590 = arith.addi %mul3A_588, %add3A_589 : i32
      %lt3A_591 = arith.cmpf olt, %slice3A_586, %select_n3A_583 : vector<8x128xf32>
      %select_n3A_592 = arith.select %lt3A_591, %slice3A_586, %select_n3A_583 : vector<8x128xi1>, vector<8x128xf32>
      %broadcast_in_dim3A_593 = vector.broadcast %add3A_590 : i32 to vector<8x128xi32>
      %select_n3A_594 = arith.select %lt3A_591, %broadcast_in_dim3A_593, %select_n3A_585 : vector<8x128xi1>, vector<8x128xi32>
      %slice3A_595 = vector.extract_strided_slice %mul3A_154 {offsets = [392, 0], sizes = [8, 128], strides = [1, 1]} : vector<512x128xf32> to vector<8x128xf32>
      %mul3A_596 = arith.constant 64 : i32
      %mul3A_597 = arith.muli %mul3A_111, %mul3A_596 : i32
      %add3A_598 = arith.constant 49 : i32
      %add3A_599 = arith.addi %mul3A_597, %add3A_598 : i32
      %lt3A_600 = arith.cmpf olt, %slice3A_595, %select_n3A_592 : vector<8x128xf32>
      %select_n3A_601 = arith.select %lt3A_600, %slice3A_595, %select_n3A_592 : vector<8x128xi1>, vector<8x128xf32>
      %broadcast_in_dim3A_602 = vector.broadcast %add3A_599 : i32 to vector<8x128xi32>
      %select_n3A_603 = arith.select %lt3A_600, %broadcast_in_dim3A_602, %select_n3A_594 : vector<8x128xi1>, vector<8x128xi32>
      %slice3A_604 = vector.extract_strided_slice %mul3A_154 {offsets = [400, 0], sizes = [8, 128], strides = [1, 1]} : vector<512x128xf32> to vector<8x128xf32>
      %mul3A_605 = arith.constant 64 : i32
      %mul3A_606 = arith.muli %mul3A_111, %mul3A_605 : i32
      %add3A_607 = arith.constant 50 : i32
      %add3A_608 = arith.addi %mul3A_606, %add3A_607 : i32
      %lt3A_609 = arith.cmpf olt, %slice3A_604, %select_n3A_601 : vector<8x128xf32>
      %select_n3A_610 = arith.select %lt3A_609, %slice3A_604, %select_n3A_601 : vector<8x128xi1>, vector<8x128xf32>
      %broadcast_in_dim3A_611 = vector.broadcast %add3A_608 : i32 to vector<8x128xi32>
      %select_n3A_612 = arith.select %lt3A_609, %broadcast_in_dim3A_611, %select_n3A_603 : vector<8x128xi1>, vector<8x128xi32>
      %slice3A_613 = vector.extract_strided_slice %mul3A_154 {offsets = [408, 0], sizes = [8, 128], strides = [1, 1]} : vector<512x128xf32> to vector<8x128xf32>
      %mul3A_614 = arith.constant 64 : i32
      %mul3A_615 = arith.muli %mul3A_111, %mul3A_614 : i32
      %add3A_616 = arith.constant 51 : i32
      %add3A_617 = arith.addi %mul3A_615, %add3A_616 : i32
      %lt3A_618 = arith.cmpf olt, %slice3A_613, %select_n3A_610 : vector<8x128xf32>
      %select_n3A_619 = arith.select %lt3A_618, %slice3A_613, %select_n3A_610 : vector<8x128xi1>, vector<8x128xf32>
      %broadcast_in_dim3A_620 = vector.broadcast %add3A_617 : i32 to vector<8x128xi32>
      %select_n3A_621 = arith.select %lt3A_618, %broadcast_in_dim3A_620, %select_n3A_612 : vector<8x128xi1>, vector<8x128xi32>
      %slice3A_622 = vector.extract_strided_slice %mul3A_154 {offsets = [416, 0], sizes = [8, 128], strides = [1, 1]} : vector<512x128xf32> to vector<8x128xf32>
      %mul3A_623 = arith.constant 64 : i32
      %mul3A_624 = arith.muli %mul3A_111, %mul3A_623 : i32
      %add3A_625 = arith.constant 52 : i32
      %add3A_626 = arith.addi %mul3A_624, %add3A_625 : i32
      %lt3A_627 = arith.cmpf olt, %slice3A_622, %select_n3A_619 : vector<8x128xf32>
      %select_n3A_628 = arith.select %lt3A_627, %slice3A_622, %select_n3A_619 : vector<8x128xi1>, vector<8x128xf32>
      %broadcast_in_dim3A_629 = vector.broadcast %add3A_626 : i32 to vector<8x128xi32>
      %select_n3A_630 = arith.select %lt3A_627, %broadcast_in_dim3A_629, %select_n3A_621 : vector<8x128xi1>, vector<8x128xi32>
      %slice3A_631 = vector.extract_strided_slice %mul3A_154 {offsets = [424, 0], sizes = [8, 128], strides = [1, 1]} : vector<512x128xf32> to vector<8x128xf32>
      %mul3A_632 = arith.constant 64 : i32
      %mul3A_633 = arith.muli %mul3A_111, %mul3A_632 : i32
      %add3A_634 = arith.constant 53 : i32
      %add3A_635 = arith.addi %mul3A_633, %add3A_634 : i32
      %lt3A_636 = arith.cmpf olt, %slice3A_631, %select_n3A_628 : vector<8x128xf32>
      %select_n3A_637 = arith.select %lt3A_636, %slice3A_631, %select_n3A_628 : vector<8x128xi1>, vector<8x128xf32>
      %broadcast_in_dim3A_638 = vector.broadcast %add3A_635 : i32 to vector<8x128xi32>
      %select_n3A_639 = arith.select %lt3A_636, %broadcast_in_dim3A_638, %select_n3A_630 : vector<8x128xi1>, vector<8x128xi32>
      %slice3A_640 = vector.extract_strided_slice %mul3A_154 {offsets = [432, 0], sizes = [8, 128], strides = [1, 1]} : vector<512x128xf32> to vector<8x128xf32>
      %mul3A_641 = arith.constant 64 : i32
      %mul3A_642 = arith.muli %mul3A_111, %mul3A_641 : i32
      %add3A_643 = arith.constant 54 : i32
      %add3A_644 = arith.addi %mul3A_642, %add3A_643 : i32
      %lt3A_645 = arith.cmpf olt, %slice3A_640, %select_n3A_637 : vector<8x128xf32>
      %select_n3A_646 = arith.select %lt3A_645, %slice3A_640, %select_n3A_637 : vector<8x128xi1>, vector<8x128xf32>
      %broadcast_in_dim3A_647 = vector.broadcast %add3A_644 : i32 to vector<8x128xi32>
      %select_n3A_648 = arith.select %lt3A_645, %broadcast_in_dim3A_647, %select_n3A_639 : vector<8x128xi1>, vector<8x128xi32>
      %slice3A_649 = vector.extract_strided_slice %mul3A_154 {offsets = [440, 0], sizes = [8, 128], strides = [1, 1]} : vector<512x128xf32> to vector<8x128xf32>
      %mul3A_650 = arith.constant 64 : i32
      %mul3A_651 = arith.muli %mul3A_111, %mul3A_650 : i32
      %add3A_652 = arith.constant 55 : i32
      %add3A_653 = arith.addi %mul3A_651, %add3A_652 : i32
      %lt3A_654 = arith.cmpf olt, %slice3A_649, %select_n3A_646 : vector<8x128xf32>
      %select_n3A_655 = arith.select %lt3A_654, %slice3A_649, %select_n3A_646 : vector<8x128xi1>, vector<8x128xf32>
      %broadcast_in_dim3A_656 = vector.broadcast %add3A_653 : i32 to vector<8x128xi32>
      %select_n3A_657 = arith.select %lt3A_654, %broadcast_in_dim3A_656, %select_n3A_648 : vector<8x128xi1>, vector<8x128xi32>
      %slice3A_658 = vector.extract_strided_slice %mul3A_154 {offsets = [448, 0], sizes = [8, 128], strides = [1, 1]} : vector<512x128xf32> to vector<8x128xf32>
      %mul3A_659 = arith.constant 64 : i32
      %mul3A_660 = arith.muli %mul3A_111, %mul3A_659 : i32
      %add3A_661 = arith.constant 56 : i32
      %add3A_662 = arith.addi %mul3A_660, %add3A_661 : i32
      %lt3A_663 = arith.cmpf olt, %slice3A_658, %select_n3A_655 : vector<8x128xf32>
      %select_n3A_664 = arith.select %lt3A_663, %slice3A_658, %select_n3A_655 : vector<8x128xi1>, vector<8x128xf32>
      %broadcast_in_dim3A_665 = vector.broadcast %add3A_662 : i32 to vector<8x128xi32>
      %select_n3A_666 = arith.select %lt3A_663, %broadcast_in_dim3A_665, %select_n3A_657 : vector<8x128xi1>, vector<8x128xi32>
      %slice3A_667 = vector.extract_strided_slice %mul3A_154 {offsets = [456, 0], sizes = [8, 128], strides = [1, 1]} : vector<512x128xf32> to vector<8x128xf32>
      %mul3A_668 = arith.constant 64 : i32
      %mul3A_669 = arith.muli %mul3A_111, %mul3A_668 : i32
      %add3A_670 = arith.constant 57 : i32
      %add3A_671 = arith.addi %mul3A_669, %add3A_670 : i32
      %lt3A_672 = arith.cmpf olt, %slice3A_667, %select_n3A_664 : vector<8x128xf32>
      %select_n3A_673 = arith.select %lt3A_672, %slice3A_667, %select_n3A_664 : vector<8x128xi1>, vector<8x128xf32>
      %broadcast_in_dim3A_674 = vector.broadcast %add3A_671 : i32 to vector<8x128xi32>
      %select_n3A_675 = arith.select %lt3A_672, %broadcast_in_dim3A_674, %select_n3A_666 : vector<8x128xi1>, vector<8x128xi32>
      %slice3A_676 = vector.extract_strided_slice %mul3A_154 {offsets = [464, 0], sizes = [8, 128], strides = [1, 1]} : vector<512x128xf32> to vector<8x128xf32>
      %mul3A_677 = arith.constant 64 : i32
      %mul3A_678 = arith.muli %mul3A_111, %mul3A_677 : i32
      %add3A_679 = arith.constant 58 : i32
      %add3A_680 = arith.addi %mul3A_678, %add3A_679 : i32
      %lt3A_681 = arith.cmpf olt, %slice3A_676, %select_n3A_673 : vector<8x128xf32>
      %select_n3A_682 = arith.select %lt3A_681, %slice3A_676, %select_n3A_673 : vector<8x128xi1>, vector<8x128xf32>
      %broadcast_in_dim3A_683 = vector.broadcast %add3A_680 : i32 to vector<8x128xi32>
      %select_n3A_684 = arith.select %lt3A_681, %broadcast_in_dim3A_683, %select_n3A_675 : vector<8x128xi1>, vector<8x128xi32>
      %slice3A_685 = vector.extract_strided_slice %mul3A_154 {offsets = [472, 0], sizes = [8, 128], strides = [1, 1]} : vector<512x128xf32> to vector<8x128xf32>
      %mul3A_686 = arith.constant 64 : i32
      %mul3A_687 = arith.muli %mul3A_111, %mul3A_686 : i32
      %add3A_688 = arith.constant 59 : i32
      %add3A_689 = arith.addi %mul3A_687, %add3A_688 : i32
      %lt3A_690 = arith.cmpf olt, %slice3A_685, %select_n3A_682 : vector<8x128xf32>
      %select_n3A_691 = arith.select %lt3A_690, %slice3A_685, %select_n3A_682 : vector<8x128xi1>, vector<8x128xf32>
      %broadcast_in_dim3A_692 = vector.broadcast %add3A_689 : i32 to vector<8x128xi32>
      %select_n3A_693 = arith.select %lt3A_690, %broadcast_in_dim3A_692, %select_n3A_684 : vector<8x128xi1>, vector<8x128xi32>
      %slice3A_694 = vector.extract_strided_slice %mul3A_154 {offsets = [480, 0], sizes = [8, 128], strides = [1, 1]} : vector<512x128xf32> to vector<8x128xf32>
      %mul3A_695 = arith.constant 64 : i32
      %mul3A_696 = arith.muli %mul3A_111, %mul3A_695 : i32
      %add3A_697 = arith.constant 60 : i32
      %add3A_698 = arith.addi %mul3A_696, %add3A_697 : i32
      %lt3A_699 = arith.cmpf olt, %slice3A_694, %select_n3A_691 : vector<8x128xf32>
      %select_n3A_700 = arith.select %lt3A_699, %slice3A_694, %select_n3A_691 : vector<8x128xi1>, vector<8x128xf32>
      %broadcast_in_dim3A_701 = vector.broadcast %add3A_698 : i32 to vector<8x128xi32>
      %select_n3A_702 = arith.select %lt3A_699, %broadcast_in_dim3A_701, %select_n3A_693 : vector<8x128xi1>, vector<8x128xi32>
      %slice3A_703 = vector.extract_strided_slice %mul3A_154 {offsets = [488, 0], sizes = [8, 128], strides = [1, 1]} : vector<512x128xf32> to vector<8x128xf32>
      %mul3A_704 = arith.constant 64 : i32
      %mul3A_705 = arith.muli %mul3A_111, %mul3A_704 : i32
      %add3A_706 = arith.constant 61 : i32
      %add3A_707 = arith.addi %mul3A_705, %add3A_706 : i32
      %lt3A_708 = arith.cmpf olt, %slice3A_703, %select_n3A_700 : vector<8x128xf32>
      %select_n3A_709 = arith.select %lt3A_708, %slice3A_703, %select_n3A_700 : vector<8x128xi1>, vector<8x128xf32>
      %broadcast_in_dim3A_710 = vector.broadcast %add3A_707 : i32 to vector<8x128xi32>
      %select_n3A_711 = arith.select %lt3A_708, %broadcast_in_dim3A_710, %select_n3A_702 : vector<8x128xi1>, vector<8x128xi32>
      %slice3A_712 = vector.extract_strided_slice %mul3A_154 {offsets = [496, 0], sizes = [8, 128], strides = [1, 1]} : vector<512x128xf32> to vector<8x128xf32>
      %mul3A_713 = arith.constant 64 : i32
      %mul3A_714 = arith.muli %mul3A_111, %mul3A_713 : i32
      %add3A_715 = arith.constant 62 : i32
      %add3A_716 = arith.addi %mul3A_714, %add3A_715 : i32
      %lt3A_717 = arith.cmpf olt, %slice3A_712, %select_n3A_709 : vector<8x128xf32>
      %select_n3A_718 = arith.select %lt3A_717, %slice3A_712, %select_n3A_709 : vector<8x128xi1>, vector<8x128xf32>
      %broadcast_in_dim3A_719 = vector.broadcast %add3A_716 : i32 to vector<8x128xi32>
      %select_n3A_720 = arith.select %lt3A_717, %broadcast_in_dim3A_719, %select_n3A_711 : vector<8x128xi1>, vector<8x128xi32>
      %slice3A_721 = vector.extract_strided_slice %mul3A_154 {offsets = [504, 0], sizes = [8, 128], strides = [1, 1]} : vector<512x128xf32> to vector<8x128xf32>
      %mul3A_722 = arith.constant 64 : i32
      %mul3A_723 = arith.muli %mul3A_111, %mul3A_722 : i32
      %add3A_724 = arith.constant 63 : i32
      %add3A_725 = arith.addi %mul3A_723, %add3A_724 : i32
      %lt3A_726 = arith.cmpf olt, %slice3A_721, %select_n3A_718 : vector<8x128xf32>
      %select_n3A_727 = arith.select %lt3A_726, %slice3A_721, %select_n3A_718 : vector<8x128xi1>, vector<8x128xf32>
      %broadcast_in_dim3A_728 = vector.broadcast %add3A_725 : i32 to vector<8x128xi32>
      %select_n3A_729 = arith.select %lt3A_726, %broadcast_in_dim3A_728, %select_n3A_720 : vector<8x128xi1>, vector<8x128xi32>
      %add3A_730 = arith.constant 1 : i32
      %add3A_731 = arith.addi %mul3A_111, %add3A_730 : i32
      %mul3A_732 = arith.constant 65536 : i32
      %mul3A_733 = arith.muli %add3A_731, %mul3A_732 : i32
      %add3A_734 = arith.constant 458752 : i32
      %add3A_735 = arith.addi %add3A_734, %mul3A_733 : i32
      %multiple_of3A_736 = tpu.assume_multiple %add3A_735, 128 : i32
      %dma_wait3A_737 = arith.constant 2 : i32
      %dma_wait3A_738 = tpu.memref_slice %arg8[%dma_wait3A_737] : memref<4x!tpu.dma_semaphore, #tpu.memory_space<semaphore_mem>> -> memref<1x!tpu.dma_semaphore, #tpu.memory_space<semaphore_mem>>
      %dma_wait3A_739 = tpu.memref_squeeze %dma_wait3A_738 : memref<1x!tpu.dma_semaphore, #tpu.memory_space<semaphore_mem>> -> memref<!tpu.dma_semaphore, #tpu.memory_space<semaphore_mem>>
      %dma_wait3A_740 = tpu.memref_slice %arg0[%multiple_of3A_736] : memref<1000000xf32, #tpu.memory_space<any>> -> memref<65536xf32, #tpu.memory_space<any>>
      tpu.wait_dma2 semaphore(%dma_wait3A_739 : memref<!tpu.dma_semaphore, #tpu.memory_space<semaphore_mem>>) src(%dma_wait3A_740 : memref<65536xf32, #tpu.memory_space<any>>) dst(%arg6 : memref<65536xf32, #tpu.memory_space<vmem>>)
      %dma_wait3A_741 = arith.constant 3 : i32
      %dma_wait3A_742 = tpu.memref_slice %arg8[%dma_wait3A_741] : memref<4x!tpu.dma_semaphore, #tpu.memory_space<semaphore_mem>> -> memref<1x!tpu.dma_semaphore, #tpu.memory_space<semaphore_mem>>
      %dma_wait3A_743 = tpu.memref_squeeze %dma_wait3A_742 : memref<1x!tpu.dma_semaphore, #tpu.memory_space<semaphore_mem>> -> memref<!tpu.dma_semaphore, #tpu.memory_space<semaphore_mem>>
      %dma_wait3A_744 = tpu.memref_slice %arg1[%multiple_of3A_736] : memref<1000000xf32, #tpu.memory_space<any>> -> memref<65536xf32, #tpu.memory_space<any>>
      tpu.wait_dma2 semaphore(%dma_wait3A_743 : memref<!tpu.dma_semaphore, #tpu.memory_space<semaphore_mem>>) src(%dma_wait3A_744 : memref<65536xf32, #tpu.memory_space<any>>) dst(%arg7 : memref<65536xf32, #tpu.memory_space<vmem>>)
      %add3A_745 = arith.constant 2 : i32
      %add3A_746 = arith.addi %mul3A_111, %add3A_745 : i32
      %lt3A_747 = arith.constant 8 : i32
      %lt3A_748 = arith.cmpi slt, %add3A_746, %lt3A_747 : i32
      %convert_element_type3A = arith.extui %lt3A_748 : i1 to i32
      %cond3A = arith.constant 0 : i32
      %cond3A_749 = arith.cmpi ne, %convert_element_type3A, %cond3A : i32
      scf.if %cond3A_749 {
        %add3A_1343 = arith.constant 2 : i32
        %add3A_1344 = arith.addi %mul3A_111, %add3A_1343 : i32
        %mul3A_1345 = arith.constant 65536 : i32
        %mul3A_1346 = arith.muli %add3A_1344, %mul3A_1345 : i32
        %add3A_1347 = arith.constant 458752 : i32
        %add3A_1348 = arith.addi %add3A_1347, %mul3A_1346 : i32
        %multiple_of3A_1349 = tpu.assume_multiple %add3A_1348, 128 : i32
        %dma_start3A_1350 = arith.constant 0 : i32
        %dma_start3A_1351 = tpu.memref_slice %arg8[%dma_start3A_1350] : memref<4x!tpu.dma_semaphore, #tpu.memory_space<semaphore_mem>> -> memref<1x!tpu.dma_semaphore, #tpu.memory_space<semaphore_mem>>
        %dma_start3A_1352 = tpu.memref_squeeze %dma_start3A_1351 : memref<1x!tpu.dma_semaphore, #tpu.memory_space<semaphore_mem>> -> memref<!tpu.dma_semaphore, #tpu.memory_space<semaphore_mem>>
        %dma_start3A_1353 = tpu.memref_slice %arg0[%multiple_of3A_1349] : memref<1000000xf32, #tpu.memory_space<any>> -> memref<65536xf32, #tpu.memory_space<any>>
        tpu.enqueue_dma source(%dma_start3A_1353 : memref<65536xf32, #tpu.memory_space<any>>) target(%arg4 : memref<65536xf32, #tpu.memory_space<vmem>>) target_semaphore(%dma_start3A_1352 : memref<!tpu.dma_semaphore, #tpu.memory_space<semaphore_mem>>)
        %dma_start3A_1354 = arith.constant 1 : i32
        %dma_start3A_1355 = tpu.memref_slice %arg8[%dma_start3A_1354] : memref<4x!tpu.dma_semaphore, #tpu.memory_space<semaphore_mem>> -> memref<1x!tpu.dma_semaphore, #tpu.memory_space<semaphore_mem>>
        %dma_start3A_1356 = tpu.memref_squeeze %dma_start3A_1355 : memref<1x!tpu.dma_semaphore, #tpu.memory_space<semaphore_mem>> -> memref<!tpu.dma_semaphore, #tpu.memory_space<semaphore_mem>>
        %dma_start3A_1357 = tpu.memref_slice %arg1[%multiple_of3A_1349] : memref<1000000xf32, #tpu.memory_space<any>> -> memref<65536xf32, #tpu.memory_space<any>>
        tpu.enqueue_dma source(%dma_start3A_1357 : memref<65536xf32, #tpu.memory_space<any>>) target(%arg5 : memref<65536xf32, #tpu.memory_space<vmem>>) target_semaphore(%dma_start3A_1356 : memref<!tpu.dma_semaphore, #tpu.memory_space<semaphore_mem>>)
      } else {
      }
      %add3A_750 = arith.constant 1 : i32
      %add3A_751 = arith.addi %mul3A_111, %add3A_750 : i32
      %get3A_752 = arith.constant 0 : index
      %get3A_753 = vector.load %arg6[%get3A_752] : memref<65536xf32, #tpu.memory_space<vmem>>, vector<65536xf32>
      %reshape3A_754 = vector.shape_cast %get3A_753 : vector<65536xf32> to vector<512x128xf32>
      %get3A_755 = arith.constant 0 : index
      %get3A_756 = vector.load %arg7[%get3A_755] : memref<65536xf32, #tpu.memory_space<vmem>>, vector<65536xf32>
      %reshape3A_757 = vector.shape_cast %get3A_756 : vector<65536xf32> to vector<512x128xf32>
      %log3A_758 = math.log %reshape3A_757 : vector<512x128xf32>
      %sub3A_759 = arith.constant 0.000000e+00 : f32
      %sub3A_760 = vector.broadcast %sub3A_759 : f32 to vector<512x128xf32>
      %sub3A_761 = arith.subf %sub3A_760, %log3A_758 : vector<512x128xf32>
      %sub3A_762 = arith.constant 0.000000e+00 : f32
      %sub3A_763 = vector.broadcast %sub3A_762 : f32 to vector<512x128xf32>
      %sub3A_764 = arith.subf %sub3A_763, %reshape3A_754 : vector<512x128xf32>
      %exp3A_765 = math.exp %sub3A_764 : vector<512x128xf32>
      %mul3A_766 = arith.mulf %sub3A_761, %exp3A_765 : vector<512x128xf32>
      %slice3A_767 = vector.extract_strided_slice %mul3A_766 {offsets = [0, 0], sizes = [8, 128], strides = [1, 1]} : vector<512x128xf32> to vector<8x128xf32>
      %mul3A_768 = arith.constant 64 : i32
      %mul3A_769 = arith.muli %add3A_751, %mul3A_768 : i32
      %add3A_770 = arith.constant 0 : i32
      %add3A_771 = arith.addi %mul3A_769, %add3A_770 : i32
      %lt3A_772 = arith.cmpf olt, %slice3A_767, %select_n3A_727 : vector<8x128xf32>
      %select_n3A_773 = arith.select %lt3A_772, %slice3A_767, %select_n3A_727 : vector<8x128xi1>, vector<8x128xf32>
      %broadcast_in_dim3A_774 = vector.broadcast %add3A_771 : i32 to vector<8x128xi32>
      %select_n3A_775 = arith.select %lt3A_772, %broadcast_in_dim3A_774, %select_n3A_729 : vector<8x128xi1>, vector<8x128xi32>
      %slice3A_776 = vector.extract_strided_slice %mul3A_766 {offsets = [8, 0], sizes = [8, 128], strides = [1, 1]} : vector<512x128xf32> to vector<8x128xf32>
      %mul3A_777 = arith.constant 64 : i32
      %mul3A_778 = arith.muli %add3A_751, %mul3A_777 : i32
      %add3A_779 = arith.constant 1 : i32
      %add3A_780 = arith.addi %mul3A_778, %add3A_779 : i32
      %lt3A_781 = arith.cmpf olt, %slice3A_776, %select_n3A_773 : vector<8x128xf32>
      %select_n3A_782 = arith.select %lt3A_781, %slice3A_776, %select_n3A_773 : vector<8x128xi1>, vector<8x128xf32>
      %broadcast_in_dim3A_783 = vector.broadcast %add3A_780 : i32 to vector<8x128xi32>
      %select_n3A_784 = arith.select %lt3A_781, %broadcast_in_dim3A_783, %select_n3A_775 : vector<8x128xi1>, vector<8x128xi32>
      %slice3A_785 = vector.extract_strided_slice %mul3A_766 {offsets = [16, 0], sizes = [8, 128], strides = [1, 1]} : vector<512x128xf32> to vector<8x128xf32>
      %mul3A_786 = arith.constant 64 : i32
      %mul3A_787 = arith.muli %add3A_751, %mul3A_786 : i32
      %add3A_788 = arith.constant 2 : i32
      %add3A_789 = arith.addi %mul3A_787, %add3A_788 : i32
      %lt3A_790 = arith.cmpf olt, %slice3A_785, %select_n3A_782 : vector<8x128xf32>
      %select_n3A_791 = arith.select %lt3A_790, %slice3A_785, %select_n3A_782 : vector<8x128xi1>, vector<8x128xf32>
      %broadcast_in_dim3A_792 = vector.broadcast %add3A_789 : i32 to vector<8x128xi32>
      %select_n3A_793 = arith.select %lt3A_790, %broadcast_in_dim3A_792, %select_n3A_784 : vector<8x128xi1>, vector<8x128xi32>
      %slice3A_794 = vector.extract_strided_slice %mul3A_766 {offsets = [24, 0], sizes = [8, 128], strides = [1, 1]} : vector<512x128xf32> to vector<8x128xf32>
      %mul3A_795 = arith.constant 64 : i32
      %mul3A_796 = arith.muli %add3A_751, %mul3A_795 : i32
      %add3A_797 = arith.constant 3 : i32
      %add3A_798 = arith.addi %mul3A_796, %add3A_797 : i32
      %lt3A_799 = arith.cmpf olt, %slice3A_794, %select_n3A_791 : vector<8x128xf32>
      %select_n3A_800 = arith.select %lt3A_799, %slice3A_794, %select_n3A_791 : vector<8x128xi1>, vector<8x128xf32>
      %broadcast_in_dim3A_801 = vector.broadcast %add3A_798 : i32 to vector<8x128xi32>
      %select_n3A_802 = arith.select %lt3A_799, %broadcast_in_dim3A_801, %select_n3A_793 : vector<8x128xi1>, vector<8x128xi32>
      %slice3A_803 = vector.extract_strided_slice %mul3A_766 {offsets = [32, 0], sizes = [8, 128], strides = [1, 1]} : vector<512x128xf32> to vector<8x128xf32>
      %mul3A_804 = arith.constant 64 : i32
      %mul3A_805 = arith.muli %add3A_751, %mul3A_804 : i32
      %add3A_806 = arith.constant 4 : i32
      %add3A_807 = arith.addi %mul3A_805, %add3A_806 : i32
      %lt3A_808 = arith.cmpf olt, %slice3A_803, %select_n3A_800 : vector<8x128xf32>
      %select_n3A_809 = arith.select %lt3A_808, %slice3A_803, %select_n3A_800 : vector<8x128xi1>, vector<8x128xf32>
      %broadcast_in_dim3A_810 = vector.broadcast %add3A_807 : i32 to vector<8x128xi32>
      %select_n3A_811 = arith.select %lt3A_808, %broadcast_in_dim3A_810, %select_n3A_802 : vector<8x128xi1>, vector<8x128xi32>
      %slice3A_812 = vector.extract_strided_slice %mul3A_766 {offsets = [40, 0], sizes = [8, 128], strides = [1, 1]} : vector<512x128xf32> to vector<8x128xf32>
      %mul3A_813 = arith.constant 64 : i32
      %mul3A_814 = arith.muli %add3A_751, %mul3A_813 : i32
      %add3A_815 = arith.constant 5 : i32
      %add3A_816 = arith.addi %mul3A_814, %add3A_815 : i32
      %lt3A_817 = arith.cmpf olt, %slice3A_812, %select_n3A_809 : vector<8x128xf32>
      %select_n3A_818 = arith.select %lt3A_817, %slice3A_812, %select_n3A_809 : vector<8x128xi1>, vector<8x128xf32>
      %broadcast_in_dim3A_819 = vector.broadcast %add3A_816 : i32 to vector<8x128xi32>
      %select_n3A_820 = arith.select %lt3A_817, %broadcast_in_dim3A_819, %select_n3A_811 : vector<8x128xi1>, vector<8x128xi32>
      %slice3A_821 = vector.extract_strided_slice %mul3A_766 {offsets = [48, 0], sizes = [8, 128], strides = [1, 1]} : vector<512x128xf32> to vector<8x128xf32>
      %mul3A_822 = arith.constant 64 : i32
      %mul3A_823 = arith.muli %add3A_751, %mul3A_822 : i32
      %add3A_824 = arith.constant 6 : i32
      %add3A_825 = arith.addi %mul3A_823, %add3A_824 : i32
      %lt3A_826 = arith.cmpf olt, %slice3A_821, %select_n3A_818 : vector<8x128xf32>
      %select_n3A_827 = arith.select %lt3A_826, %slice3A_821, %select_n3A_818 : vector<8x128xi1>, vector<8x128xf32>
      %broadcast_in_dim3A_828 = vector.broadcast %add3A_825 : i32 to vector<8x128xi32>
      %select_n3A_829 = arith.select %lt3A_826, %broadcast_in_dim3A_828, %select_n3A_820 : vector<8x128xi1>, vector<8x128xi32>
      %slice3A_830 = vector.extract_strided_slice %mul3A_766 {offsets = [56, 0], sizes = [8, 128], strides = [1, 1]} : vector<512x128xf32> to vector<8x128xf32>
      %mul3A_831 = arith.constant 64 : i32
      %mul3A_832 = arith.muli %add3A_751, %mul3A_831 : i32
      %add3A_833 = arith.constant 7 : i32
      %add3A_834 = arith.addi %mul3A_832, %add3A_833 : i32
      %lt3A_835 = arith.cmpf olt, %slice3A_830, %select_n3A_827 : vector<8x128xf32>
      %select_n3A_836 = arith.select %lt3A_835, %slice3A_830, %select_n3A_827 : vector<8x128xi1>, vector<8x128xf32>
      %broadcast_in_dim3A_837 = vector.broadcast %add3A_834 : i32 to vector<8x128xi32>
      %select_n3A_838 = arith.select %lt3A_835, %broadcast_in_dim3A_837, %select_n3A_829 : vector<8x128xi1>, vector<8x128xi32>
      %slice3A_839 = vector.extract_strided_slice %mul3A_766 {offsets = [64, 0], sizes = [8, 128], strides = [1, 1]} : vector<512x128xf32> to vector<8x128xf32>
      %mul3A_840 = arith.constant 64 : i32
      %mul3A_841 = arith.muli %add3A_751, %mul3A_840 : i32
      %add3A_842 = arith.constant 8 : i32
      %add3A_843 = arith.addi %mul3A_841, %add3A_842 : i32
      %lt3A_844 = arith.cmpf olt, %slice3A_839, %select_n3A_836 : vector<8x128xf32>
      %select_n3A_845 = arith.select %lt3A_844, %slice3A_839, %select_n3A_836 : vector<8x128xi1>, vector<8x128xf32>
      %broadcast_in_dim3A_846 = vector.broadcast %add3A_843 : i32 to vector<8x128xi32>
      %select_n3A_847 = arith.select %lt3A_844, %broadcast_in_dim3A_846, %select_n3A_838 : vector<8x128xi1>, vector<8x128xi32>
      %slice3A_848 = vector.extract_strided_slice %mul3A_766 {offsets = [72, 0], sizes = [8, 128], strides = [1, 1]} : vector<512x128xf32> to vector<8x128xf32>
      %mul3A_849 = arith.constant 64 : i32
      %mul3A_850 = arith.muli %add3A_751, %mul3A_849 : i32
      %add3A_851 = arith.constant 9 : i32
      %add3A_852 = arith.addi %mul3A_850, %add3A_851 : i32
      %lt3A_853 = arith.cmpf olt, %slice3A_848, %select_n3A_845 : vector<8x128xf32>
      %select_n3A_854 = arith.select %lt3A_853, %slice3A_848, %select_n3A_845 : vector<8x128xi1>, vector<8x128xf32>
      %broadcast_in_dim3A_855 = vector.broadcast %add3A_852 : i32 to vector<8x128xi32>
      %select_n3A_856 = arith.select %lt3A_853, %broadcast_in_dim3A_855, %select_n3A_847 : vector<8x128xi1>, vector<8x128xi32>
      %slice3A_857 = vector.extract_strided_slice %mul3A_766 {offsets = [80, 0], sizes = [8, 128], strides = [1, 1]} : vector<512x128xf32> to vector<8x128xf32>
      %mul3A_858 = arith.constant 64 : i32
      %mul3A_859 = arith.muli %add3A_751, %mul3A_858 : i32
      %add3A_860 = arith.constant 10 : i32
      %add3A_861 = arith.addi %mul3A_859, %add3A_860 : i32
      %lt3A_862 = arith.cmpf olt, %slice3A_857, %select_n3A_854 : vector<8x128xf32>
      %select_n3A_863 = arith.select %lt3A_862, %slice3A_857, %select_n3A_854 : vector<8x128xi1>, vector<8x128xf32>
      %broadcast_in_dim3A_864 = vector.broadcast %add3A_861 : i32 to vector<8x128xi32>
      %select_n3A_865 = arith.select %lt3A_862, %broadcast_in_dim3A_864, %select_n3A_856 : vector<8x128xi1>, vector<8x128xi32>
      %slice3A_866 = vector.extract_strided_slice %mul3A_766 {offsets = [88, 0], sizes = [8, 128], strides = [1, 1]} : vector<512x128xf32> to vector<8x128xf32>
      %mul3A_867 = arith.constant 64 : i32
      %mul3A_868 = arith.muli %add3A_751, %mul3A_867 : i32
      %add3A_869 = arith.constant 11 : i32
      %add3A_870 = arith.addi %mul3A_868, %add3A_869 : i32
      %lt3A_871 = arith.cmpf olt, %slice3A_866, %select_n3A_863 : vector<8x128xf32>
      %select_n3A_872 = arith.select %lt3A_871, %slice3A_866, %select_n3A_863 : vector<8x128xi1>, vector<8x128xf32>
      %broadcast_in_dim3A_873 = vector.broadcast %add3A_870 : i32 to vector<8x128xi32>
      %select_n3A_874 = arith.select %lt3A_871, %broadcast_in_dim3A_873, %select_n3A_865 : vector<8x128xi1>, vector<8x128xi32>
      %slice3A_875 = vector.extract_strided_slice %mul3A_766 {offsets = [96, 0], sizes = [8, 128], strides = [1, 1]} : vector<512x128xf32> to vector<8x128xf32>
      %mul3A_876 = arith.constant 64 : i32
      %mul3A_877 = arith.muli %add3A_751, %mul3A_876 : i32
      %add3A_878 = arith.constant 12 : i32
      %add3A_879 = arith.addi %mul3A_877, %add3A_878 : i32
      %lt3A_880 = arith.cmpf olt, %slice3A_875, %select_n3A_872 : vector<8x128xf32>
      %select_n3A_881 = arith.select %lt3A_880, %slice3A_875, %select_n3A_872 : vector<8x128xi1>, vector<8x128xf32>
      %broadcast_in_dim3A_882 = vector.broadcast %add3A_879 : i32 to vector<8x128xi32>
      %select_n3A_883 = arith.select %lt3A_880, %broadcast_in_dim3A_882, %select_n3A_874 : vector<8x128xi1>, vector<8x128xi32>
      %slice3A_884 = vector.extract_strided_slice %mul3A_766 {offsets = [104, 0], sizes = [8, 128], strides = [1, 1]} : vector<512x128xf32> to vector<8x128xf32>
      %mul3A_885 = arith.constant 64 : i32
      %mul3A_886 = arith.muli %add3A_751, %mul3A_885 : i32
      %add3A_887 = arith.constant 13 : i32
      %add3A_888 = arith.addi %mul3A_886, %add3A_887 : i32
      %lt3A_889 = arith.cmpf olt, %slice3A_884, %select_n3A_881 : vector<8x128xf32>
      %select_n3A_890 = arith.select %lt3A_889, %slice3A_884, %select_n3A_881 : vector<8x128xi1>, vector<8x128xf32>
      %broadcast_in_dim3A_891 = vector.broadcast %add3A_888 : i32 to vector<8x128xi32>
      %select_n3A_892 = arith.select %lt3A_889, %broadcast_in_dim3A_891, %select_n3A_883 : vector<8x128xi1>, vector<8x128xi32>
      %slice3A_893 = vector.extract_strided_slice %mul3A_766 {offsets = [112, 0], sizes = [8, 128], strides = [1, 1]} : vector<512x128xf32> to vector<8x128xf32>
      %mul3A_894 = arith.constant 64 : i32
      %mul3A_895 = arith.muli %add3A_751, %mul3A_894 : i32
      %add3A_896 = arith.constant 14 : i32
      %add3A_897 = arith.addi %mul3A_895, %add3A_896 : i32
      %lt3A_898 = arith.cmpf olt, %slice3A_893, %select_n3A_890 : vector<8x128xf32>
      %select_n3A_899 = arith.select %lt3A_898, %slice3A_893, %select_n3A_890 : vector<8x128xi1>, vector<8x128xf32>
      %broadcast_in_dim3A_900 = vector.broadcast %add3A_897 : i32 to vector<8x128xi32>
      %select_n3A_901 = arith.select %lt3A_898, %broadcast_in_dim3A_900, %select_n3A_892 : vector<8x128xi1>, vector<8x128xi32>
      %slice3A_902 = vector.extract_strided_slice %mul3A_766 {offsets = [120, 0], sizes = [8, 128], strides = [1, 1]} : vector<512x128xf32> to vector<8x128xf32>
      %mul3A_903 = arith.constant 64 : i32
      %mul3A_904 = arith.muli %add3A_751, %mul3A_903 : i32
      %add3A_905 = arith.constant 15 : i32
      %add3A_906 = arith.addi %mul3A_904, %add3A_905 : i32
      %lt3A_907 = arith.cmpf olt, %slice3A_902, %select_n3A_899 : vector<8x128xf32>
      %select_n3A_908 = arith.select %lt3A_907, %slice3A_902, %select_n3A_899 : vector<8x128xi1>, vector<8x128xf32>
      %broadcast_in_dim3A_909 = vector.broadcast %add3A_906 : i32 to vector<8x128xi32>
      %select_n3A_910 = arith.select %lt3A_907, %broadcast_in_dim3A_909, %select_n3A_901 : vector<8x128xi1>, vector<8x128xi32>
      %slice3A_911 = vector.extract_strided_slice %mul3A_766 {offsets = [128, 0], sizes = [8, 128], strides = [1, 1]} : vector<512x128xf32> to vector<8x128xf32>
      %mul3A_912 = arith.constant 64 : i32
      %mul3A_913 = arith.muli %add3A_751, %mul3A_912 : i32
      %add3A_914 = arith.constant 16 : i32
      %add3A_915 = arith.addi %mul3A_913, %add3A_914 : i32
      %lt3A_916 = arith.cmpf olt, %slice3A_911, %select_n3A_908 : vector<8x128xf32>
      %select_n3A_917 = arith.select %lt3A_916, %slice3A_911, %select_n3A_908 : vector<8x128xi1>, vector<8x128xf32>
      %broadcast_in_dim3A_918 = vector.broadcast %add3A_915 : i32 to vector<8x128xi32>
      %select_n3A_919 = arith.select %lt3A_916, %broadcast_in_dim3A_918, %select_n3A_910 : vector<8x128xi1>, vector<8x128xi32>
      %slice3A_920 = vector.extract_strided_slice %mul3A_766 {offsets = [136, 0], sizes = [8, 128], strides = [1, 1]} : vector<512x128xf32> to vector<8x128xf32>
      %mul3A_921 = arith.constant 64 : i32
      %mul3A_922 = arith.muli %add3A_751, %mul3A_921 : i32
      %add3A_923 = arith.constant 17 : i32
      %add3A_924 = arith.addi %mul3A_922, %add3A_923 : i32
      %lt3A_925 = arith.cmpf olt, %slice3A_920, %select_n3A_917 : vector<8x128xf32>
      %select_n3A_926 = arith.select %lt3A_925, %slice3A_920, %select_n3A_917 : vector<8x128xi1>, vector<8x128xf32>
      %broadcast_in_dim3A_927 = vector.broadcast %add3A_924 : i32 to vector<8x128xi32>
      %select_n3A_928 = arith.select %lt3A_925, %broadcast_in_dim3A_927, %select_n3A_919 : vector<8x128xi1>, vector<8x128xi32>
      %slice3A_929 = vector.extract_strided_slice %mul3A_766 {offsets = [144, 0], sizes = [8, 128], strides = [1, 1]} : vector<512x128xf32> to vector<8x128xf32>
      %mul3A_930 = arith.constant 64 : i32
      %mul3A_931 = arith.muli %add3A_751, %mul3A_930 : i32
      %add3A_932 = arith.constant 18 : i32
      %add3A_933 = arith.addi %mul3A_931, %add3A_932 : i32
      %lt3A_934 = arith.cmpf olt, %slice3A_929, %select_n3A_926 : vector<8x128xf32>
      %select_n3A_935 = arith.select %lt3A_934, %slice3A_929, %select_n3A_926 : vector<8x128xi1>, vector<8x128xf32>
      %broadcast_in_dim3A_936 = vector.broadcast %add3A_933 : i32 to vector<8x128xi32>
      %select_n3A_937 = arith.select %lt3A_934, %broadcast_in_dim3A_936, %select_n3A_928 : vector<8x128xi1>, vector<8x128xi32>
      %slice3A_938 = vector.extract_strided_slice %mul3A_766 {offsets = [152, 0], sizes = [8, 128], strides = [1, 1]} : vector<512x128xf32> to vector<8x128xf32>
      %mul3A_939 = arith.constant 64 : i32
      %mul3A_940 = arith.muli %add3A_751, %mul3A_939 : i32
      %add3A_941 = arith.constant 19 : i32
      %add3A_942 = arith.addi %mul3A_940, %add3A_941 : i32
      %lt3A_943 = arith.cmpf olt, %slice3A_938, %select_n3A_935 : vector<8x128xf32>
      %select_n3A_944 = arith.select %lt3A_943, %slice3A_938, %select_n3A_935 : vector<8x128xi1>, vector<8x128xf32>
      %broadcast_in_dim3A_945 = vector.broadcast %add3A_942 : i32 to vector<8x128xi32>
      %select_n3A_946 = arith.select %lt3A_943, %broadcast_in_dim3A_945, %select_n3A_937 : vector<8x128xi1>, vector<8x128xi32>
      %slice3A_947 = vector.extract_strided_slice %mul3A_766 {offsets = [160, 0], sizes = [8, 128], strides = [1, 1]} : vector<512x128xf32> to vector<8x128xf32>
      %mul3A_948 = arith.constant 64 : i32
      %mul3A_949 = arith.muli %add3A_751, %mul3A_948 : i32
      %add3A_950 = arith.constant 20 : i32
      %add3A_951 = arith.addi %mul3A_949, %add3A_950 : i32
      %lt3A_952 = arith.cmpf olt, %slice3A_947, %select_n3A_944 : vector<8x128xf32>
      %select_n3A_953 = arith.select %lt3A_952, %slice3A_947, %select_n3A_944 : vector<8x128xi1>, vector<8x128xf32>
      %broadcast_in_dim3A_954 = vector.broadcast %add3A_951 : i32 to vector<8x128xi32>
      %select_n3A_955 = arith.select %lt3A_952, %broadcast_in_dim3A_954, %select_n3A_946 : vector<8x128xi1>, vector<8x128xi32>
      %slice3A_956 = vector.extract_strided_slice %mul3A_766 {offsets = [168, 0], sizes = [8, 128], strides = [1, 1]} : vector<512x128xf32> to vector<8x128xf32>
      %mul3A_957 = arith.constant 64 : i32
      %mul3A_958 = arith.muli %add3A_751, %mul3A_957 : i32
      %add3A_959 = arith.constant 21 : i32
      %add3A_960 = arith.addi %mul3A_958, %add3A_959 : i32
      %lt3A_961 = arith.cmpf olt, %slice3A_956, %select_n3A_953 : vector<8x128xf32>
      %select_n3A_962 = arith.select %lt3A_961, %slice3A_956, %select_n3A_953 : vector<8x128xi1>, vector<8x128xf32>
      %broadcast_in_dim3A_963 = vector.broadcast %add3A_960 : i32 to vector<8x128xi32>
      %select_n3A_964 = arith.select %lt3A_961, %broadcast_in_dim3A_963, %select_n3A_955 : vector<8x128xi1>, vector<8x128xi32>
      %slice3A_965 = vector.extract_strided_slice %mul3A_766 {offsets = [176, 0], sizes = [8, 128], strides = [1, 1]} : vector<512x128xf32> to vector<8x128xf32>
      %mul3A_966 = arith.constant 64 : i32
      %mul3A_967 = arith.muli %add3A_751, %mul3A_966 : i32
      %add3A_968 = arith.constant 22 : i32
      %add3A_969 = arith.addi %mul3A_967, %add3A_968 : i32
      %lt3A_970 = arith.cmpf olt, %slice3A_965, %select_n3A_962 : vector<8x128xf32>
      %select_n3A_971 = arith.select %lt3A_970, %slice3A_965, %select_n3A_962 : vector<8x128xi1>, vector<8x128xf32>
      %broadcast_in_dim3A_972 = vector.broadcast %add3A_969 : i32 to vector<8x128xi32>
      %select_n3A_973 = arith.select %lt3A_970, %broadcast_in_dim3A_972, %select_n3A_964 : vector<8x128xi1>, vector<8x128xi32>
      %slice3A_974 = vector.extract_strided_slice %mul3A_766 {offsets = [184, 0], sizes = [8, 128], strides = [1, 1]} : vector<512x128xf32> to vector<8x128xf32>
      %mul3A_975 = arith.constant 64 : i32
      %mul3A_976 = arith.muli %add3A_751, %mul3A_975 : i32
      %add3A_977 = arith.constant 23 : i32
      %add3A_978 = arith.addi %mul3A_976, %add3A_977 : i32
      %lt3A_979 = arith.cmpf olt, %slice3A_974, %select_n3A_971 : vector<8x128xf32>
      %select_n3A_980 = arith.select %lt3A_979, %slice3A_974, %select_n3A_971 : vector<8x128xi1>, vector<8x128xf32>
      %broadcast_in_dim3A_981 = vector.broadcast %add3A_978 : i32 to vector<8x128xi32>
      %select_n3A_982 = arith.select %lt3A_979, %broadcast_in_dim3A_981, %select_n3A_973 : vector<8x128xi1>, vector<8x128xi32>
      %slice3A_983 = vector.extract_strided_slice %mul3A_766 {offsets = [192, 0], sizes = [8, 128], strides = [1, 1]} : vector<512x128xf32> to vector<8x128xf32>
      %mul3A_984 = arith.constant 64 : i32
      %mul3A_985 = arith.muli %add3A_751, %mul3A_984 : i32
      %add3A_986 = arith.constant 24 : i32
      %add3A_987 = arith.addi %mul3A_985, %add3A_986 : i32
      %lt3A_988 = arith.cmpf olt, %slice3A_983, %select_n3A_980 : vector<8x128xf32>
      %select_n3A_989 = arith.select %lt3A_988, %slice3A_983, %select_n3A_980 : vector<8x128xi1>, vector<8x128xf32>
      %broadcast_in_dim3A_990 = vector.broadcast %add3A_987 : i32 to vector<8x128xi32>
      %select_n3A_991 = arith.select %lt3A_988, %broadcast_in_dim3A_990, %select_n3A_982 : vector<8x128xi1>, vector<8x128xi32>
      %slice3A_992 = vector.extract_strided_slice %mul3A_766 {offsets = [200, 0], sizes = [8, 128], strides = [1, 1]} : vector<512x128xf32> to vector<8x128xf32>
      %mul3A_993 = arith.constant 64 : i32
      %mul3A_994 = arith.muli %add3A_751, %mul3A_993 : i32
      %add3A_995 = arith.constant 25 : i32
      %add3A_996 = arith.addi %mul3A_994, %add3A_995 : i32
      %lt3A_997 = arith.cmpf olt, %slice3A_992, %select_n3A_989 : vector<8x128xf32>
      %select_n3A_998 = arith.select %lt3A_997, %slice3A_992, %select_n3A_989 : vector<8x128xi1>, vector<8x128xf32>
      %broadcast_in_dim3A_999 = vector.broadcast %add3A_996 : i32 to vector<8x128xi32>
      %select_n3A_1000 = arith.select %lt3A_997, %broadcast_in_dim3A_999, %select_n3A_991 : vector<8x128xi1>, vector<8x128xi32>
      %slice3A_1001 = vector.extract_strided_slice %mul3A_766 {offsets = [208, 0], sizes = [8, 128], strides = [1, 1]} : vector<512x128xf32> to vector<8x128xf32>
      %mul3A_1002 = arith.constant 64 : i32
      %mul3A_1003 = arith.muli %add3A_751, %mul3A_1002 : i32
      %add3A_1004 = arith.constant 26 : i32
      %add3A_1005 = arith.addi %mul3A_1003, %add3A_1004 : i32
      %lt3A_1006 = arith.cmpf olt, %slice3A_1001, %select_n3A_998 : vector<8x128xf32>
      %select_n3A_1007 = arith.select %lt3A_1006, %slice3A_1001, %select_n3A_998 : vector<8x128xi1>, vector<8x128xf32>
      %broadcast_in_dim3A_1008 = vector.broadcast %add3A_1005 : i32 to vector<8x128xi32>
      %select_n3A_1009 = arith.select %lt3A_1006, %broadcast_in_dim3A_1008, %select_n3A_1000 : vector<8x128xi1>, vector<8x128xi32>
      %slice3A_1010 = vector.extract_strided_slice %mul3A_766 {offsets = [216, 0], sizes = [8, 128], strides = [1, 1]} : vector<512x128xf32> to vector<8x128xf32>
      %mul3A_1011 = arith.constant 64 : i32
      %mul3A_1012 = arith.muli %add3A_751, %mul3A_1011 : i32
      %add3A_1013 = arith.constant 27 : i32
      %add3A_1014 = arith.addi %mul3A_1012, %add3A_1013 : i32
      %lt3A_1015 = arith.cmpf olt, %slice3A_1010, %select_n3A_1007 : vector<8x128xf32>
      %select_n3A_1016 = arith.select %lt3A_1015, %slice3A_1010, %select_n3A_1007 : vector<8x128xi1>, vector<8x128xf32>
      %broadcast_in_dim3A_1017 = vector.broadcast %add3A_1014 : i32 to vector<8x128xi32>
      %select_n3A_1018 = arith.select %lt3A_1015, %broadcast_in_dim3A_1017, %select_n3A_1009 : vector<8x128xi1>, vector<8x128xi32>
      %slice3A_1019 = vector.extract_strided_slice %mul3A_766 {offsets = [224, 0], sizes = [8, 128], strides = [1, 1]} : vector<512x128xf32> to vector<8x128xf32>
      %mul3A_1020 = arith.constant 64 : i32
      %mul3A_1021 = arith.muli %add3A_751, %mul3A_1020 : i32
      %add3A_1022 = arith.constant 28 : i32
      %add3A_1023 = arith.addi %mul3A_1021, %add3A_1022 : i32
      %lt3A_1024 = arith.cmpf olt, %slice3A_1019, %select_n3A_1016 : vector<8x128xf32>
      %select_n3A_1025 = arith.select %lt3A_1024, %slice3A_1019, %select_n3A_1016 : vector<8x128xi1>, vector<8x128xf32>
      %broadcast_in_dim3A_1026 = vector.broadcast %add3A_1023 : i32 to vector<8x128xi32>
      %select_n3A_1027 = arith.select %lt3A_1024, %broadcast_in_dim3A_1026, %select_n3A_1018 : vector<8x128xi1>, vector<8x128xi32>
      %slice3A_1028 = vector.extract_strided_slice %mul3A_766 {offsets = [232, 0], sizes = [8, 128], strides = [1, 1]} : vector<512x128xf32> to vector<8x128xf32>
      %mul3A_1029 = arith.constant 64 : i32
      %mul3A_1030 = arith.muli %add3A_751, %mul3A_1029 : i32
      %add3A_1031 = arith.constant 29 : i32
      %add3A_1032 = arith.addi %mul3A_1030, %add3A_1031 : i32
      %lt3A_1033 = arith.cmpf olt, %slice3A_1028, %select_n3A_1025 : vector<8x128xf32>
      %select_n3A_1034 = arith.select %lt3A_1033, %slice3A_1028, %select_n3A_1025 : vector<8x128xi1>, vector<8x128xf32>
      %broadcast_in_dim3A_1035 = vector.broadcast %add3A_1032 : i32 to vector<8x128xi32>
      %select_n3A_1036 = arith.select %lt3A_1033, %broadcast_in_dim3A_1035, %select_n3A_1027 : vector<8x128xi1>, vector<8x128xi32>
      %slice3A_1037 = vector.extract_strided_slice %mul3A_766 {offsets = [240, 0], sizes = [8, 128], strides = [1, 1]} : vector<512x128xf32> to vector<8x128xf32>
      %mul3A_1038 = arith.constant 64 : i32
      %mul3A_1039 = arith.muli %add3A_751, %mul3A_1038 : i32
      %add3A_1040 = arith.constant 30 : i32
      %add3A_1041 = arith.addi %mul3A_1039, %add3A_1040 : i32
      %lt3A_1042 = arith.cmpf olt, %slice3A_1037, %select_n3A_1034 : vector<8x128xf32>
      %select_n3A_1043 = arith.select %lt3A_1042, %slice3A_1037, %select_n3A_1034 : vector<8x128xi1>, vector<8x128xf32>
      %broadcast_in_dim3A_1044 = vector.broadcast %add3A_1041 : i32 to vector<8x128xi32>
      %select_n3A_1045 = arith.select %lt3A_1042, %broadcast_in_dim3A_1044, %select_n3A_1036 : vector<8x128xi1>, vector<8x128xi32>
      %slice3A_1046 = vector.extract_strided_slice %mul3A_766 {offsets = [248, 0], sizes = [8, 128], strides = [1, 1]} : vector<512x128xf32> to vector<8x128xf32>
      %mul3A_1047 = arith.constant 64 : i32
      %mul3A_1048 = arith.muli %add3A_751, %mul3A_1047 : i32
      %add3A_1049 = arith.constant 31 : i32
      %add3A_1050 = arith.addi %mul3A_1048, %add3A_1049 : i32
      %lt3A_1051 = arith.cmpf olt, %slice3A_1046, %select_n3A_1043 : vector<8x128xf32>
      %select_n3A_1052 = arith.select %lt3A_1051, %slice3A_1046, %select_n3A_1043 : vector<8x128xi1>, vector<8x128xf32>
      %broadcast_in_dim3A_1053 = vector.broadcast %add3A_1050 : i32 to vector<8x128xi32>
      %select_n3A_1054 = arith.select %lt3A_1051, %broadcast_in_dim3A_1053, %select_n3A_1045 : vector<8x128xi1>, vector<8x128xi32>
      %slice3A_1055 = vector.extract_strided_slice %mul3A_766 {offsets = [256, 0], sizes = [8, 128], strides = [1, 1]} : vector<512x128xf32> to vector<8x128xf32>
      %mul3A_1056 = arith.constant 64 : i32
      %mul3A_1057 = arith.muli %add3A_751, %mul3A_1056 : i32
      %add3A_1058 = arith.constant 32 : i32
      %add3A_1059 = arith.addi %mul3A_1057, %add3A_1058 : i32
      %lt3A_1060 = arith.cmpf olt, %slice3A_1055, %select_n3A_1052 : vector<8x128xf32>
      %select_n3A_1061 = arith.select %lt3A_1060, %slice3A_1055, %select_n3A_1052 : vector<8x128xi1>, vector<8x128xf32>
      %broadcast_in_dim3A_1062 = vector.broadcast %add3A_1059 : i32 to vector<8x128xi32>
      %select_n3A_1063 = arith.select %lt3A_1060, %broadcast_in_dim3A_1062, %select_n3A_1054 : vector<8x128xi1>, vector<8x128xi32>
      %slice3A_1064 = vector.extract_strided_slice %mul3A_766 {offsets = [264, 0], sizes = [8, 128], strides = [1, 1]} : vector<512x128xf32> to vector<8x128xf32>
      %mul3A_1065 = arith.constant 64 : i32
      %mul3A_1066 = arith.muli %add3A_751, %mul3A_1065 : i32
      %add3A_1067 = arith.constant 33 : i32
      %add3A_1068 = arith.addi %mul3A_1066, %add3A_1067 : i32
      %lt3A_1069 = arith.cmpf olt, %slice3A_1064, %select_n3A_1061 : vector<8x128xf32>
      %select_n3A_1070 = arith.select %lt3A_1069, %slice3A_1064, %select_n3A_1061 : vector<8x128xi1>, vector<8x128xf32>
      %broadcast_in_dim3A_1071 = vector.broadcast %add3A_1068 : i32 to vector<8x128xi32>
      %select_n3A_1072 = arith.select %lt3A_1069, %broadcast_in_dim3A_1071, %select_n3A_1063 : vector<8x128xi1>, vector<8x128xi32>
      %slice3A_1073 = vector.extract_strided_slice %mul3A_766 {offsets = [272, 0], sizes = [8, 128], strides = [1, 1]} : vector<512x128xf32> to vector<8x128xf32>
      %mul3A_1074 = arith.constant 64 : i32
      %mul3A_1075 = arith.muli %add3A_751, %mul3A_1074 : i32
      %add3A_1076 = arith.constant 34 : i32
      %add3A_1077 = arith.addi %mul3A_1075, %add3A_1076 : i32
      %lt3A_1078 = arith.cmpf olt, %slice3A_1073, %select_n3A_1070 : vector<8x128xf32>
      %select_n3A_1079 = arith.select %lt3A_1078, %slice3A_1073, %select_n3A_1070 : vector<8x128xi1>, vector<8x128xf32>
      %broadcast_in_dim3A_1080 = vector.broadcast %add3A_1077 : i32 to vector<8x128xi32>
      %select_n3A_1081 = arith.select %lt3A_1078, %broadcast_in_dim3A_1080, %select_n3A_1072 : vector<8x128xi1>, vector<8x128xi32>
      %slice3A_1082 = vector.extract_strided_slice %mul3A_766 {offsets = [280, 0], sizes = [8, 128], strides = [1, 1]} : vector<512x128xf32> to vector<8x128xf32>
      %mul3A_1083 = arith.constant 64 : i32
      %mul3A_1084 = arith.muli %add3A_751, %mul3A_1083 : i32
      %add3A_1085 = arith.constant 35 : i32
      %add3A_1086 = arith.addi %mul3A_1084, %add3A_1085 : i32
      %lt3A_1087 = arith.cmpf olt, %slice3A_1082, %select_n3A_1079 : vector<8x128xf32>
      %select_n3A_1088 = arith.select %lt3A_1087, %slice3A_1082, %select_n3A_1079 : vector<8x128xi1>, vector<8x128xf32>
      %broadcast_in_dim3A_1089 = vector.broadcast %add3A_1086 : i32 to vector<8x128xi32>
      %select_n3A_1090 = arith.select %lt3A_1087, %broadcast_in_dim3A_1089, %select_n3A_1081 : vector<8x128xi1>, vector<8x128xi32>
      %slice3A_1091 = vector.extract_strided_slice %mul3A_766 {offsets = [288, 0], sizes = [8, 128], strides = [1, 1]} : vector<512x128xf32> to vector<8x128xf32>
      %mul3A_1092 = arith.constant 64 : i32
      %mul3A_1093 = arith.muli %add3A_751, %mul3A_1092 : i32
      %add3A_1094 = arith.constant 36 : i32
      %add3A_1095 = arith.addi %mul3A_1093, %add3A_1094 : i32
      %lt3A_1096 = arith.cmpf olt, %slice3A_1091, %select_n3A_1088 : vector<8x128xf32>
      %select_n3A_1097 = arith.select %lt3A_1096, %slice3A_1091, %select_n3A_1088 : vector<8x128xi1>, vector<8x128xf32>
      %broadcast_in_dim3A_1098 = vector.broadcast %add3A_1095 : i32 to vector<8x128xi32>
      %select_n3A_1099 = arith.select %lt3A_1096, %broadcast_in_dim3A_1098, %select_n3A_1090 : vector<8x128xi1>, vector<8x128xi32>
      %slice3A_1100 = vector.extract_strided_slice %mul3A_766 {offsets = [296, 0], sizes = [8, 128], strides = [1, 1]} : vector<512x128xf32> to vector<8x128xf32>
      %mul3A_1101 = arith.constant 64 : i32
      %mul3A_1102 = arith.muli %add3A_751, %mul3A_1101 : i32
      %add3A_1103 = arith.constant 37 : i32
      %add3A_1104 = arith.addi %mul3A_1102, %add3A_1103 : i32
      %lt3A_1105 = arith.cmpf olt, %slice3A_1100, %select_n3A_1097 : vector<8x128xf32>
      %select_n3A_1106 = arith.select %lt3A_1105, %slice3A_1100, %select_n3A_1097 : vector<8x128xi1>, vector<8x128xf32>
      %broadcast_in_dim3A_1107 = vector.broadcast %add3A_1104 : i32 to vector<8x128xi32>
      %select_n3A_1108 = arith.select %lt3A_1105, %broadcast_in_dim3A_1107, %select_n3A_1099 : vector<8x128xi1>, vector<8x128xi32>
      %slice3A_1109 = vector.extract_strided_slice %mul3A_766 {offsets = [304, 0], sizes = [8, 128], strides = [1, 1]} : vector<512x128xf32> to vector<8x128xf32>
      %mul3A_1110 = arith.constant 64 : i32
      %mul3A_1111 = arith.muli %add3A_751, %mul3A_1110 : i32
      %add3A_1112 = arith.constant 38 : i32
      %add3A_1113 = arith.addi %mul3A_1111, %add3A_1112 : i32
      %lt3A_1114 = arith.cmpf olt, %slice3A_1109, %select_n3A_1106 : vector<8x128xf32>
      %select_n3A_1115 = arith.select %lt3A_1114, %slice3A_1109, %select_n3A_1106 : vector<8x128xi1>, vector<8x128xf32>
      %broadcast_in_dim3A_1116 = vector.broadcast %add3A_1113 : i32 to vector<8x128xi32>
      %select_n3A_1117 = arith.select %lt3A_1114, %broadcast_in_dim3A_1116, %select_n3A_1108 : vector<8x128xi1>, vector<8x128xi32>
      %slice3A_1118 = vector.extract_strided_slice %mul3A_766 {offsets = [312, 0], sizes = [8, 128], strides = [1, 1]} : vector<512x128xf32> to vector<8x128xf32>
      %mul3A_1119 = arith.constant 64 : i32
      %mul3A_1120 = arith.muli %add3A_751, %mul3A_1119 : i32
      %add3A_1121 = arith.constant 39 : i32
      %add3A_1122 = arith.addi %mul3A_1120, %add3A_1121 : i32
      %lt3A_1123 = arith.cmpf olt, %slice3A_1118, %select_n3A_1115 : vector<8x128xf32>
      %select_n3A_1124 = arith.select %lt3A_1123, %slice3A_1118, %select_n3A_1115 : vector<8x128xi1>, vector<8x128xf32>
      %broadcast_in_dim3A_1125 = vector.broadcast %add3A_1122 : i32 to vector<8x128xi32>
      %select_n3A_1126 = arith.select %lt3A_1123, %broadcast_in_dim3A_1125, %select_n3A_1117 : vector<8x128xi1>, vector<8x128xi32>
      %slice3A_1127 = vector.extract_strided_slice %mul3A_766 {offsets = [320, 0], sizes = [8, 128], strides = [1, 1]} : vector<512x128xf32> to vector<8x128xf32>
      %mul3A_1128 = arith.constant 64 : i32
      %mul3A_1129 = arith.muli %add3A_751, %mul3A_1128 : i32
      %add3A_1130 = arith.constant 40 : i32
      %add3A_1131 = arith.addi %mul3A_1129, %add3A_1130 : i32
      %lt3A_1132 = arith.cmpf olt, %slice3A_1127, %select_n3A_1124 : vector<8x128xf32>
      %select_n3A_1133 = arith.select %lt3A_1132, %slice3A_1127, %select_n3A_1124 : vector<8x128xi1>, vector<8x128xf32>
      %broadcast_in_dim3A_1134 = vector.broadcast %add3A_1131 : i32 to vector<8x128xi32>
      %select_n3A_1135 = arith.select %lt3A_1132, %broadcast_in_dim3A_1134, %select_n3A_1126 : vector<8x128xi1>, vector<8x128xi32>
      %slice3A_1136 = vector.extract_strided_slice %mul3A_766 {offsets = [328, 0], sizes = [8, 128], strides = [1, 1]} : vector<512x128xf32> to vector<8x128xf32>
      %mul3A_1137 = arith.constant 64 : i32
      %mul3A_1138 = arith.muli %add3A_751, %mul3A_1137 : i32
      %add3A_1139 = arith.constant 41 : i32
      %add3A_1140 = arith.addi %mul3A_1138, %add3A_1139 : i32
      %lt3A_1141 = arith.cmpf olt, %slice3A_1136, %select_n3A_1133 : vector<8x128xf32>
      %select_n3A_1142 = arith.select %lt3A_1141, %slice3A_1136, %select_n3A_1133 : vector<8x128xi1>, vector<8x128xf32>
      %broadcast_in_dim3A_1143 = vector.broadcast %add3A_1140 : i32 to vector<8x128xi32>
      %select_n3A_1144 = arith.select %lt3A_1141, %broadcast_in_dim3A_1143, %select_n3A_1135 : vector<8x128xi1>, vector<8x128xi32>
      %slice3A_1145 = vector.extract_strided_slice %mul3A_766 {offsets = [336, 0], sizes = [8, 128], strides = [1, 1]} : vector<512x128xf32> to vector<8x128xf32>
      %mul3A_1146 = arith.constant 64 : i32
      %mul3A_1147 = arith.muli %add3A_751, %mul3A_1146 : i32
      %add3A_1148 = arith.constant 42 : i32
      %add3A_1149 = arith.addi %mul3A_1147, %add3A_1148 : i32
      %lt3A_1150 = arith.cmpf olt, %slice3A_1145, %select_n3A_1142 : vector<8x128xf32>
      %select_n3A_1151 = arith.select %lt3A_1150, %slice3A_1145, %select_n3A_1142 : vector<8x128xi1>, vector<8x128xf32>
      %broadcast_in_dim3A_1152 = vector.broadcast %add3A_1149 : i32 to vector<8x128xi32>
      %select_n3A_1153 = arith.select %lt3A_1150, %broadcast_in_dim3A_1152, %select_n3A_1144 : vector<8x128xi1>, vector<8x128xi32>
      %slice3A_1154 = vector.extract_strided_slice %mul3A_766 {offsets = [344, 0], sizes = [8, 128], strides = [1, 1]} : vector<512x128xf32> to vector<8x128xf32>
      %mul3A_1155 = arith.constant 64 : i32
      %mul3A_1156 = arith.muli %add3A_751, %mul3A_1155 : i32
      %add3A_1157 = arith.constant 43 : i32
      %add3A_1158 = arith.addi %mul3A_1156, %add3A_1157 : i32
      %lt3A_1159 = arith.cmpf olt, %slice3A_1154, %select_n3A_1151 : vector<8x128xf32>
      %select_n3A_1160 = arith.select %lt3A_1159, %slice3A_1154, %select_n3A_1151 : vector<8x128xi1>, vector<8x128xf32>
      %broadcast_in_dim3A_1161 = vector.broadcast %add3A_1158 : i32 to vector<8x128xi32>
      %select_n3A_1162 = arith.select %lt3A_1159, %broadcast_in_dim3A_1161, %select_n3A_1153 : vector<8x128xi1>, vector<8x128xi32>
      %slice3A_1163 = vector.extract_strided_slice %mul3A_766 {offsets = [352, 0], sizes = [8, 128], strides = [1, 1]} : vector<512x128xf32> to vector<8x128xf32>
      %mul3A_1164 = arith.constant 64 : i32
      %mul3A_1165 = arith.muli %add3A_751, %mul3A_1164 : i32
      %add3A_1166 = arith.constant 44 : i32
      %add3A_1167 = arith.addi %mul3A_1165, %add3A_1166 : i32
      %lt3A_1168 = arith.cmpf olt, %slice3A_1163, %select_n3A_1160 : vector<8x128xf32>
      %select_n3A_1169 = arith.select %lt3A_1168, %slice3A_1163, %select_n3A_1160 : vector<8x128xi1>, vector<8x128xf32>
      %broadcast_in_dim3A_1170 = vector.broadcast %add3A_1167 : i32 to vector<8x128xi32>
      %select_n3A_1171 = arith.select %lt3A_1168, %broadcast_in_dim3A_1170, %select_n3A_1162 : vector<8x128xi1>, vector<8x128xi32>
      %slice3A_1172 = vector.extract_strided_slice %mul3A_766 {offsets = [360, 0], sizes = [8, 128], strides = [1, 1]} : vector<512x128xf32> to vector<8x128xf32>
      %mul3A_1173 = arith.constant 64 : i32
      %mul3A_1174 = arith.muli %add3A_751, %mul3A_1173 : i32
      %add3A_1175 = arith.constant 45 : i32
      %add3A_1176 = arith.addi %mul3A_1174, %add3A_1175 : i32
      %lt3A_1177 = arith.cmpf olt, %slice3A_1172, %select_n3A_1169 : vector<8x128xf32>
      %select_n3A_1178 = arith.select %lt3A_1177, %slice3A_1172, %select_n3A_1169 : vector<8x128xi1>, vector<8x128xf32>
      %broadcast_in_dim3A_1179 = vector.broadcast %add3A_1176 : i32 to vector<8x128xi32>
      %select_n3A_1180 = arith.select %lt3A_1177, %broadcast_in_dim3A_1179, %select_n3A_1171 : vector<8x128xi1>, vector<8x128xi32>
      %slice3A_1181 = vector.extract_strided_slice %mul3A_766 {offsets = [368, 0], sizes = [8, 128], strides = [1, 1]} : vector<512x128xf32> to vector<8x128xf32>
      %mul3A_1182 = arith.constant 64 : i32
      %mul3A_1183 = arith.muli %add3A_751, %mul3A_1182 : i32
      %add3A_1184 = arith.constant 46 : i32
      %add3A_1185 = arith.addi %mul3A_1183, %add3A_1184 : i32
      %lt3A_1186 = arith.cmpf olt, %slice3A_1181, %select_n3A_1178 : vector<8x128xf32>
      %select_n3A_1187 = arith.select %lt3A_1186, %slice3A_1181, %select_n3A_1178 : vector<8x128xi1>, vector<8x128xf32>
      %broadcast_in_dim3A_1188 = vector.broadcast %add3A_1185 : i32 to vector<8x128xi32>
      %select_n3A_1189 = arith.select %lt3A_1186, %broadcast_in_dim3A_1188, %select_n3A_1180 : vector<8x128xi1>, vector<8x128xi32>
      %slice3A_1190 = vector.extract_strided_slice %mul3A_766 {offsets = [376, 0], sizes = [8, 128], strides = [1, 1]} : vector<512x128xf32> to vector<8x128xf32>
      %mul3A_1191 = arith.constant 64 : i32
      %mul3A_1192 = arith.muli %add3A_751, %mul3A_1191 : i32
      %add3A_1193 = arith.constant 47 : i32
      %add3A_1194 = arith.addi %mul3A_1192, %add3A_1193 : i32
      %lt3A_1195 = arith.cmpf olt, %slice3A_1190, %select_n3A_1187 : vector<8x128xf32>
      %select_n3A_1196 = arith.select %lt3A_1195, %slice3A_1190, %select_n3A_1187 : vector<8x128xi1>, vector<8x128xf32>
      %broadcast_in_dim3A_1197 = vector.broadcast %add3A_1194 : i32 to vector<8x128xi32>
      %select_n3A_1198 = arith.select %lt3A_1195, %broadcast_in_dim3A_1197, %select_n3A_1189 : vector<8x128xi1>, vector<8x128xi32>
      %slice3A_1199 = vector.extract_strided_slice %mul3A_766 {offsets = [384, 0], sizes = [8, 128], strides = [1, 1]} : vector<512x128xf32> to vector<8x128xf32>
      %mul3A_1200 = arith.constant 64 : i32
      %mul3A_1201 = arith.muli %add3A_751, %mul3A_1200 : i32
      %add3A_1202 = arith.constant 48 : i32
      %add3A_1203 = arith.addi %mul3A_1201, %add3A_1202 : i32
      %lt3A_1204 = arith.cmpf olt, %slice3A_1199, %select_n3A_1196 : vector<8x128xf32>
      %select_n3A_1205 = arith.select %lt3A_1204, %slice3A_1199, %select_n3A_1196 : vector<8x128xi1>, vector<8x128xf32>
      %broadcast_in_dim3A_1206 = vector.broadcast %add3A_1203 : i32 to vector<8x128xi32>
      %select_n3A_1207 = arith.select %lt3A_1204, %broadcast_in_dim3A_1206, %select_n3A_1198 : vector<8x128xi1>, vector<8x128xi32>
      %slice3A_1208 = vector.extract_strided_slice %mul3A_766 {offsets = [392, 0], sizes = [8, 128], strides = [1, 1]} : vector<512x128xf32> to vector<8x128xf32>
      %mul3A_1209 = arith.constant 64 : i32
      %mul3A_1210 = arith.muli %add3A_751, %mul3A_1209 : i32
      %add3A_1211 = arith.constant 49 : i32
      %add3A_1212 = arith.addi %mul3A_1210, %add3A_1211 : i32
      %lt3A_1213 = arith.cmpf olt, %slice3A_1208, %select_n3A_1205 : vector<8x128xf32>
      %select_n3A_1214 = arith.select %lt3A_1213, %slice3A_1208, %select_n3A_1205 : vector<8x128xi1>, vector<8x128xf32>
      %broadcast_in_dim3A_1215 = vector.broadcast %add3A_1212 : i32 to vector<8x128xi32>
      %select_n3A_1216 = arith.select %lt3A_1213, %broadcast_in_dim3A_1215, %select_n3A_1207 : vector<8x128xi1>, vector<8x128xi32>
      %slice3A_1217 = vector.extract_strided_slice %mul3A_766 {offsets = [400, 0], sizes = [8, 128], strides = [1, 1]} : vector<512x128xf32> to vector<8x128xf32>
      %mul3A_1218 = arith.constant 64 : i32
      %mul3A_1219 = arith.muli %add3A_751, %mul3A_1218 : i32
      %add3A_1220 = arith.constant 50 : i32
      %add3A_1221 = arith.addi %mul3A_1219, %add3A_1220 : i32
      %lt3A_1222 = arith.cmpf olt, %slice3A_1217, %select_n3A_1214 : vector<8x128xf32>
      %select_n3A_1223 = arith.select %lt3A_1222, %slice3A_1217, %select_n3A_1214 : vector<8x128xi1>, vector<8x128xf32>
      %broadcast_in_dim3A_1224 = vector.broadcast %add3A_1221 : i32 to vector<8x128xi32>
      %select_n3A_1225 = arith.select %lt3A_1222, %broadcast_in_dim3A_1224, %select_n3A_1216 : vector<8x128xi1>, vector<8x128xi32>
      %slice3A_1226 = vector.extract_strided_slice %mul3A_766 {offsets = [408, 0], sizes = [8, 128], strides = [1, 1]} : vector<512x128xf32> to vector<8x128xf32>
      %mul3A_1227 = arith.constant 64 : i32
      %mul3A_1228 = arith.muli %add3A_751, %mul3A_1227 : i32
      %add3A_1229 = arith.constant 51 : i32
      %add3A_1230 = arith.addi %mul3A_1228, %add3A_1229 : i32
      %lt3A_1231 = arith.cmpf olt, %slice3A_1226, %select_n3A_1223 : vector<8x128xf32>
      %select_n3A_1232 = arith.select %lt3A_1231, %slice3A_1226, %select_n3A_1223 : vector<8x128xi1>, vector<8x128xf32>
      %broadcast_in_dim3A_1233 = vector.broadcast %add3A_1230 : i32 to vector<8x128xi32>
      %select_n3A_1234 = arith.select %lt3A_1231, %broadcast_in_dim3A_1233, %select_n3A_1225 : vector<8x128xi1>, vector<8x128xi32>
      %slice3A_1235 = vector.extract_strided_slice %mul3A_766 {offsets = [416, 0], sizes = [8, 128], strides = [1, 1]} : vector<512x128xf32> to vector<8x128xf32>
      %mul3A_1236 = arith.constant 64 : i32
      %mul3A_1237 = arith.muli %add3A_751, %mul3A_1236 : i32
      %add3A_1238 = arith.constant 52 : i32
      %add3A_1239 = arith.addi %mul3A_1237, %add3A_1238 : i32
      %lt3A_1240 = arith.cmpf olt, %slice3A_1235, %select_n3A_1232 : vector<8x128xf32>
      %select_n3A_1241 = arith.select %lt3A_1240, %slice3A_1235, %select_n3A_1232 : vector<8x128xi1>, vector<8x128xf32>
      %broadcast_in_dim3A_1242 = vector.broadcast %add3A_1239 : i32 to vector<8x128xi32>
      %select_n3A_1243 = arith.select %lt3A_1240, %broadcast_in_dim3A_1242, %select_n3A_1234 : vector<8x128xi1>, vector<8x128xi32>
      %slice3A_1244 = vector.extract_strided_slice %mul3A_766 {offsets = [424, 0], sizes = [8, 128], strides = [1, 1]} : vector<512x128xf32> to vector<8x128xf32>
      %mul3A_1245 = arith.constant 64 : i32
      %mul3A_1246 = arith.muli %add3A_751, %mul3A_1245 : i32
      %add3A_1247 = arith.constant 53 : i32
      %add3A_1248 = arith.addi %mul3A_1246, %add3A_1247 : i32
      %lt3A_1249 = arith.cmpf olt, %slice3A_1244, %select_n3A_1241 : vector<8x128xf32>
      %select_n3A_1250 = arith.select %lt3A_1249, %slice3A_1244, %select_n3A_1241 : vector<8x128xi1>, vector<8x128xf32>
      %broadcast_in_dim3A_1251 = vector.broadcast %add3A_1248 : i32 to vector<8x128xi32>
      %select_n3A_1252 = arith.select %lt3A_1249, %broadcast_in_dim3A_1251, %select_n3A_1243 : vector<8x128xi1>, vector<8x128xi32>
      %slice3A_1253 = vector.extract_strided_slice %mul3A_766 {offsets = [432, 0], sizes = [8, 128], strides = [1, 1]} : vector<512x128xf32> to vector<8x128xf32>
      %mul3A_1254 = arith.constant 64 : i32
      %mul3A_1255 = arith.muli %add3A_751, %mul3A_1254 : i32
      %add3A_1256 = arith.constant 54 : i32
      %add3A_1257 = arith.addi %mul3A_1255, %add3A_1256 : i32
      %lt3A_1258 = arith.cmpf olt, %slice3A_1253, %select_n3A_1250 : vector<8x128xf32>
      %select_n3A_1259 = arith.select %lt3A_1258, %slice3A_1253, %select_n3A_1250 : vector<8x128xi1>, vector<8x128xf32>
      %broadcast_in_dim3A_1260 = vector.broadcast %add3A_1257 : i32 to vector<8x128xi32>
      %select_n3A_1261 = arith.select %lt3A_1258, %broadcast_in_dim3A_1260, %select_n3A_1252 : vector<8x128xi1>, vector<8x128xi32>
      %slice3A_1262 = vector.extract_strided_slice %mul3A_766 {offsets = [440, 0], sizes = [8, 128], strides = [1, 1]} : vector<512x128xf32> to vector<8x128xf32>
      %mul3A_1263 = arith.constant 64 : i32
      %mul3A_1264 = arith.muli %add3A_751, %mul3A_1263 : i32
      %add3A_1265 = arith.constant 55 : i32
      %add3A_1266 = arith.addi %mul3A_1264, %add3A_1265 : i32
      %lt3A_1267 = arith.cmpf olt, %slice3A_1262, %select_n3A_1259 : vector<8x128xf32>
      %select_n3A_1268 = arith.select %lt3A_1267, %slice3A_1262, %select_n3A_1259 : vector<8x128xi1>, vector<8x128xf32>
      %broadcast_in_dim3A_1269 = vector.broadcast %add3A_1266 : i32 to vector<8x128xi32>
      %select_n3A_1270 = arith.select %lt3A_1267, %broadcast_in_dim3A_1269, %select_n3A_1261 : vector<8x128xi1>, vector<8x128xi32>
      %slice3A_1271 = vector.extract_strided_slice %mul3A_766 {offsets = [448, 0], sizes = [8, 128], strides = [1, 1]} : vector<512x128xf32> to vector<8x128xf32>
      %mul3A_1272 = arith.constant 64 : i32
      %mul3A_1273 = arith.muli %add3A_751, %mul3A_1272 : i32
      %add3A_1274 = arith.constant 56 : i32
      %add3A_1275 = arith.addi %mul3A_1273, %add3A_1274 : i32
      %lt3A_1276 = arith.cmpf olt, %slice3A_1271, %select_n3A_1268 : vector<8x128xf32>
      %select_n3A_1277 = arith.select %lt3A_1276, %slice3A_1271, %select_n3A_1268 : vector<8x128xi1>, vector<8x128xf32>
      %broadcast_in_dim3A_1278 = vector.broadcast %add3A_1275 : i32 to vector<8x128xi32>
      %select_n3A_1279 = arith.select %lt3A_1276, %broadcast_in_dim3A_1278, %select_n3A_1270 : vector<8x128xi1>, vector<8x128xi32>
      %slice3A_1280 = vector.extract_strided_slice %mul3A_766 {offsets = [456, 0], sizes = [8, 128], strides = [1, 1]} : vector<512x128xf32> to vector<8x128xf32>
      %mul3A_1281 = arith.constant 64 : i32
      %mul3A_1282 = arith.muli %add3A_751, %mul3A_1281 : i32
      %add3A_1283 = arith.constant 57 : i32
      %add3A_1284 = arith.addi %mul3A_1282, %add3A_1283 : i32
      %lt3A_1285 = arith.cmpf olt, %slice3A_1280, %select_n3A_1277 : vector<8x128xf32>
      %select_n3A_1286 = arith.select %lt3A_1285, %slice3A_1280, %select_n3A_1277 : vector<8x128xi1>, vector<8x128xf32>
      %broadcast_in_dim3A_1287 = vector.broadcast %add3A_1284 : i32 to vector<8x128xi32>
      %select_n3A_1288 = arith.select %lt3A_1285, %broadcast_in_dim3A_1287, %select_n3A_1279 : vector<8x128xi1>, vector<8x128xi32>
      %slice3A_1289 = vector.extract_strided_slice %mul3A_766 {offsets = [464, 0], sizes = [8, 128], strides = [1, 1]} : vector<512x128xf32> to vector<8x128xf32>
      %mul3A_1290 = arith.constant 64 : i32
      %mul3A_1291 = arith.muli %add3A_751, %mul3A_1290 : i32
      %add3A_1292 = arith.constant 58 : i32
      %add3A_1293 = arith.addi %mul3A_1291, %add3A_1292 : i32
      %lt3A_1294 = arith.cmpf olt, %slice3A_1289, %select_n3A_1286 : vector<8x128xf32>
      %select_n3A_1295 = arith.select %lt3A_1294, %slice3A_1289, %select_n3A_1286 : vector<8x128xi1>, vector<8x128xf32>
      %broadcast_in_dim3A_1296 = vector.broadcast %add3A_1293 : i32 to vector<8x128xi32>
      %select_n3A_1297 = arith.select %lt3A_1294, %broadcast_in_dim3A_1296, %select_n3A_1288 : vector<8x128xi1>, vector<8x128xi32>
      %slice3A_1298 = vector.extract_strided_slice %mul3A_766 {offsets = [472, 0], sizes = [8, 128], strides = [1, 1]} : vector<512x128xf32> to vector<8x128xf32>
      %mul3A_1299 = arith.constant 64 : i32
      %mul3A_1300 = arith.muli %add3A_751, %mul3A_1299 : i32
      %add3A_1301 = arith.constant 59 : i32
      %add3A_1302 = arith.addi %mul3A_1300, %add3A_1301 : i32
      %lt3A_1303 = arith.cmpf olt, %slice3A_1298, %select_n3A_1295 : vector<8x128xf32>
      %select_n3A_1304 = arith.select %lt3A_1303, %slice3A_1298, %select_n3A_1295 : vector<8x128xi1>, vector<8x128xf32>
      %broadcast_in_dim3A_1305 = vector.broadcast %add3A_1302 : i32 to vector<8x128xi32>
      %select_n3A_1306 = arith.select %lt3A_1303, %broadcast_in_dim3A_1305, %select_n3A_1297 : vector<8x128xi1>, vector<8x128xi32>
      %slice3A_1307 = vector.extract_strided_slice %mul3A_766 {offsets = [480, 0], sizes = [8, 128], strides = [1, 1]} : vector<512x128xf32> to vector<8x128xf32>
      %mul3A_1308 = arith.constant 64 : i32
      %mul3A_1309 = arith.muli %add3A_751, %mul3A_1308 : i32
      %add3A_1310 = arith.constant 60 : i32
      %add3A_1311 = arith.addi %mul3A_1309, %add3A_1310 : i32
      %lt3A_1312 = arith.cmpf olt, %slice3A_1307, %select_n3A_1304 : vector<8x128xf32>
      %select_n3A_1313 = arith.select %lt3A_1312, %slice3A_1307, %select_n3A_1304 : vector<8x128xi1>, vector<8x128xf32>
      %broadcast_in_dim3A_1314 = vector.broadcast %add3A_1311 : i32 to vector<8x128xi32>
      %select_n3A_1315 = arith.select %lt3A_1312, %broadcast_in_dim3A_1314, %select_n3A_1306 : vector<8x128xi1>, vector<8x128xi32>
      %slice3A_1316 = vector.extract_strided_slice %mul3A_766 {offsets = [488, 0], sizes = [8, 128], strides = [1, 1]} : vector<512x128xf32> to vector<8x128xf32>
      %mul3A_1317 = arith.constant 64 : i32
      %mul3A_1318 = arith.muli %add3A_751, %mul3A_1317 : i32
      %add3A_1319 = arith.constant 61 : i32
      %add3A_1320 = arith.addi %mul3A_1318, %add3A_1319 : i32
      %lt3A_1321 = arith.cmpf olt, %slice3A_1316, %select_n3A_1313 : vector<8x128xf32>
      %select_n3A_1322 = arith.select %lt3A_1321, %slice3A_1316, %select_n3A_1313 : vector<8x128xi1>, vector<8x128xf32>
      %broadcast_in_dim3A_1323 = vector.broadcast %add3A_1320 : i32 to vector<8x128xi32>
      %select_n3A_1324 = arith.select %lt3A_1321, %broadcast_in_dim3A_1323, %select_n3A_1315 : vector<8x128xi1>, vector<8x128xi32>
      %slice3A_1325 = vector.extract_strided_slice %mul3A_766 {offsets = [496, 0], sizes = [8, 128], strides = [1, 1]} : vector<512x128xf32> to vector<8x128xf32>
      %mul3A_1326 = arith.constant 64 : i32
      %mul3A_1327 = arith.muli %add3A_751, %mul3A_1326 : i32
      %add3A_1328 = arith.constant 62 : i32
      %add3A_1329 = arith.addi %mul3A_1327, %add3A_1328 : i32
      %lt3A_1330 = arith.cmpf olt, %slice3A_1325, %select_n3A_1322 : vector<8x128xf32>
      %select_n3A_1331 = arith.select %lt3A_1330, %slice3A_1325, %select_n3A_1322 : vector<8x128xi1>, vector<8x128xf32>
      %broadcast_in_dim3A_1332 = vector.broadcast %add3A_1329 : i32 to vector<8x128xi32>
      %select_n3A_1333 = arith.select %lt3A_1330, %broadcast_in_dim3A_1332, %select_n3A_1324 : vector<8x128xi1>, vector<8x128xi32>
      %slice3A_1334 = vector.extract_strided_slice %mul3A_766 {offsets = [504, 0], sizes = [8, 128], strides = [1, 1]} : vector<512x128xf32> to vector<8x128xf32>
      %mul3A_1335 = arith.constant 64 : i32
      %mul3A_1336 = arith.muli %add3A_751, %mul3A_1335 : i32
      %add3A_1337 = arith.constant 63 : i32
      %add3A_1338 = arith.addi %mul3A_1336, %add3A_1337 : i32
      %lt3A_1339 = arith.cmpf olt, %slice3A_1334, %select_n3A_1331 : vector<8x128xf32>
      %select_n3A_1340 = arith.select %lt3A_1339, %slice3A_1334, %select_n3A_1331 : vector<8x128xi1>, vector<8x128xf32>
      %broadcast_in_dim3A_1341 = vector.broadcast %add3A_1338 : i32 to vector<8x128xi32>
      %select_n3A_1342 = arith.select %lt3A_1339, %broadcast_in_dim3A_1341, %select_n3A_1333 : vector<8x128xi1>, vector<8x128xi32>
      scf.yield %select_n3A_1340, %select_n3A_1342 : vector<8x128xf32>, vector<8x128xi32>
    }
    %scan3A_15 = arith.constant 4 : i32
    %mul3A = arith.constant 1024 : i32
    %mul3A_16 = vector.broadcast %mul3A : i32 to vector<8x128xi32>
    %mul3A_17 = arith.muli %scan3A_14#1, %mul3A_16 : vector<8x128xi32>
    %add3A = arith.constant 458752 : i32
    %add3A_18 = vector.broadcast %add3A : i32 to vector<8x128xi32>
    %add3A_19 = arith.addi %add3A_18, %mul3A_17 : vector<8x128xi32>
    %iota3A = tpu.iota {dimensions = array<i32: 0>} : vector<8x128xi32>
    %mul3A_20 = arith.constant 128 : i32
    %mul3A_21 = vector.broadcast %mul3A_20 : i32 to vector<8x128xi32>
    %mul3A_22 = arith.muli %iota3A, %mul3A_21 : vector<8x128xi32>
    %add3A_23 = arith.addi %add3A_19, %mul3A_22 : vector<8x128xi32>
    %iota3A_24 = tpu.iota {dimensions = array<i32: 1>} : vector<8x128xi32>
    %add3A_25 = arith.addi %add3A_23, %iota3A_24 : vector<8x128xi32>
    %reduce_min3A = vector.shape_cast %scan3A_14#0 : vector<8x128xf32> to vector<1x8x128xf32>
    %reduce_min3A_26 = arith.constant dense<0x7F800000> : vector<1xf32>
    %reduce_min3A_27 = vector.multi_reduction <minimumf>, %reduce_min3A, %reduce_min3A_26 [1, 2] : vector<1x8x128xf32> to vector<1xf32>
    %reduce_min3A_28 = vector.shape_cast %reduce_min3A_27 : vector<1xf32> to vector<1x1x1xf32>
    %reduce_min3A_29 = vector.extract %reduce_min3A_28[0, 0, 0] : f32 from vector<1x1x1xf32>
    %eq3A = vector.broadcast %reduce_min3A_29 : f32 to vector<8x128xf32>
    %eq3A_30 = arith.cmpf oeq, %scan3A_14#0, %eq3A : vector<8x128xf32>
    %jit3A = arith.constant 2147483647 : i32
    %broadcast_in_dim3A_31 = vector.broadcast %jit3A : i32 to vector<8x128xi32>
    %select_n3A = arith.select %eq3A_30, %add3A_25, %broadcast_in_dim3A_31 : vector<8x128xi1>, vector<8x128xi32>
    %reduce_min3A_32 = vector.shape_cast %select_n3A : vector<8x128xi32> to vector<1x8x128xi32>
    %reduce_min3A_33 = arith.constant dense<2147483647> : vector<1xi32>
    %reduce_min3A_34 = vector.multi_reduction <minsi>, %reduce_min3A_32, %reduce_min3A_33 [1, 2] : vector<1x8x128xi32> to vector<1xi32>
    %reduce_min3A_35 = vector.shape_cast %reduce_min3A_34 : vector<1xi32> to vector<1x1x1xi32>
    %reduce_min3A_36 = vector.extract %reduce_min3A_35[0, 0, 0] : i32 from vector<1x1x1xi32>
    %dma_start3A_37 = arith.constant 0 : i32
    %dma_start3A_38 = tpu.memref_slice %arg8[%dma_start3A_37] : memref<4x!tpu.dma_semaphore, #tpu.memory_space<semaphore_mem>> -> memref<1x!tpu.dma_semaphore, #tpu.memory_space<semaphore_mem>>
    %dma_start3A_39 = tpu.memref_squeeze %dma_start3A_38 : memref<1x!tpu.dma_semaphore, #tpu.memory_space<semaphore_mem>> -> memref<!tpu.dma_semaphore, #tpu.memory_space<semaphore_mem>>
    %dma_start3A_40 = arith.constant 0 : i32
    %dma_start3A_41 = tpu.memref_slice %arg4[%dma_start3A_40] : memref<65536xf32, #tpu.memory_space<vmem>> -> memref<16896xf32, #tpu.memory_space<vmem>>
    %dma_start3A_42 = arith.constant 983040 : i32
    %dma_start3A_43 = tpu.memref_slice %arg0[%dma_start3A_42] : memref<1000000xf32, #tpu.memory_space<any>> -> memref<16896xf32, #tpu.memory_space<any>>
    tpu.enqueue_dma source(%dma_start3A_43 : memref<16896xf32, #tpu.memory_space<any>>) target(%dma_start3A_41 : memref<16896xf32, #tpu.memory_space<vmem>>) target_semaphore(%dma_start3A_39 : memref<!tpu.dma_semaphore, #tpu.memory_space<semaphore_mem>>)
    %dma_start3A_44 = arith.constant 1 : i32
    %dma_start3A_45 = tpu.memref_slice %arg8[%dma_start3A_44] : memref<4x!tpu.dma_semaphore, #tpu.memory_space<semaphore_mem>> -> memref<1x!tpu.dma_semaphore, #tpu.memory_space<semaphore_mem>>
    %dma_start3A_46 = tpu.memref_squeeze %dma_start3A_45 : memref<1x!tpu.dma_semaphore, #tpu.memory_space<semaphore_mem>> -> memref<!tpu.dma_semaphore, #tpu.memory_space<semaphore_mem>>
    %dma_start3A_47 = arith.constant 0 : i32
    %dma_start3A_48 = tpu.memref_slice %arg5[%dma_start3A_47] : memref<65536xf32, #tpu.memory_space<vmem>> -> memref<16896xf32, #tpu.memory_space<vmem>>
    %dma_start3A_49 = arith.constant 983040 : i32
    %dma_start3A_50 = tpu.memref_slice %arg1[%dma_start3A_49] : memref<1000000xf32, #tpu.memory_space<any>> -> memref<16896xf32, #tpu.memory_space<any>>
    tpu.enqueue_dma source(%dma_start3A_50 : memref<16896xf32, #tpu.memory_space<any>>) target(%dma_start3A_48 : memref<16896xf32, #tpu.memory_space<vmem>>) target_semaphore(%dma_start3A_46 : memref<!tpu.dma_semaphore, #tpu.memory_space<semaphore_mem>>)
    %dma_wait3A = arith.constant 0 : i32
    %dma_wait3A_51 = tpu.memref_slice %arg8[%dma_wait3A] : memref<4x!tpu.dma_semaphore, #tpu.memory_space<semaphore_mem>> -> memref<1x!tpu.dma_semaphore, #tpu.memory_space<semaphore_mem>>
    %dma_wait3A_52 = tpu.memref_squeeze %dma_wait3A_51 : memref<1x!tpu.dma_semaphore, #tpu.memory_space<semaphore_mem>> -> memref<!tpu.dma_semaphore, #tpu.memory_space<semaphore_mem>>
    %dma_wait3A_53 = arith.constant 0 : i32
    %dma_wait3A_54 = tpu.memref_slice %arg4[%dma_wait3A_53] : memref<65536xf32, #tpu.memory_space<vmem>> -> memref<16896xf32, #tpu.memory_space<vmem>>
    %dma_wait3A_55 = arith.constant 983040 : i32
    %dma_wait3A_56 = tpu.memref_slice %arg0[%dma_wait3A_55] : memref<1000000xf32, #tpu.memory_space<any>> -> memref<16896xf32, #tpu.memory_space<any>>
    tpu.wait_dma2 semaphore(%dma_wait3A_52 : memref<!tpu.dma_semaphore, #tpu.memory_space<semaphore_mem>>) src(%dma_wait3A_56 : memref<16896xf32, #tpu.memory_space<any>>) dst(%dma_wait3A_54 : memref<16896xf32, #tpu.memory_space<vmem>>)
    %dma_wait3A_57 = arith.constant 1 : i32
    %dma_wait3A_58 = tpu.memref_slice %arg8[%dma_wait3A_57] : memref<4x!tpu.dma_semaphore, #tpu.memory_space<semaphore_mem>> -> memref<1x!tpu.dma_semaphore, #tpu.memory_space<semaphore_mem>>
    %dma_wait3A_59 = tpu.memref_squeeze %dma_wait3A_58 : memref<1x!tpu.dma_semaphore, #tpu.memory_space<semaphore_mem>> -> memref<!tpu.dma_semaphore, #tpu.memory_space<semaphore_mem>>
    %dma_wait3A_60 = arith.constant 0 : i32
    %dma_wait3A_61 = tpu.memref_slice %arg5[%dma_wait3A_60] : memref<65536xf32, #tpu.memory_space<vmem>> -> memref<16896xf32, #tpu.memory_space<vmem>>
    %dma_wait3A_62 = arith.constant 983040 : i32
    %dma_wait3A_63 = tpu.memref_slice %arg1[%dma_wait3A_62] : memref<1000000xf32, #tpu.memory_space<any>> -> memref<16896xf32, #tpu.memory_space<any>>
    tpu.wait_dma2 semaphore(%dma_wait3A_59 : memref<!tpu.dma_semaphore, #tpu.memory_space<semaphore_mem>>) src(%dma_wait3A_63 : memref<16896xf32, #tpu.memory_space<any>>) dst(%dma_wait3A_61 : memref<16896xf32, #tpu.memory_space<vmem>>)
    %get3A = arith.constant 0 : index
    %get3A_64 = vector.load %arg4[%get3A] : memref<65536xf32, #tpu.memory_space<vmem>>, vector<16896xf32>
    %reshape3A = vector.shape_cast %get3A_64 : vector<16896xf32> to vector<132x128xf32>
    %get3A_65 = arith.constant 0 : index
    %get3A_66 = vector.load %arg5[%get3A_65] : memref<65536xf32, #tpu.memory_space<vmem>>, vector<16896xf32>
    %reshape3A_67 = vector.shape_cast %get3A_66 : vector<16896xf32> to vector<132x128xf32>
    %log3A = math.log %reshape3A_67 : vector<132x128xf32>
    %sub3A = arith.constant 0.000000e+00 : f32
    %sub3A_68 = vector.broadcast %sub3A : f32 to vector<132x128xf32>
    %sub3A_69 = arith.subf %sub3A_68, %log3A : vector<132x128xf32>
    %sub3A_70 = arith.constant 0.000000e+00 : f32
    %sub3A_71 = vector.broadcast %sub3A_70 : f32 to vector<132x128xf32>
    %sub3A_72 = arith.subf %sub3A_71, %reshape3A : vector<132x128xf32>
    %exp3A = math.exp %sub3A_72 : vector<132x128xf32>
    %mul3A_73 = arith.mulf %sub3A_69, %exp3A : vector<132x128xf32>
    %iota3A_74 = tpu.iota {dimensions = array<i32: 0>} : vector<132x128xi32>
    %mul3A_75 = arith.constant 128 : i32
    %mul3A_76 = vector.broadcast %mul3A_75 : i32 to vector<132x128xi32>
    %mul3A_77 = arith.muli %iota3A_74, %mul3A_76 : vector<132x128xi32>
    %iota3A_78 = tpu.iota {dimensions = array<i32: 1>} : vector<132x128xi32>
    %add3A_79 = arith.addi %mul3A_77, %iota3A_78 : vector<132x128xi32>
    %add3A_80 = arith.constant 983040 : i32
    %add3A_81 = vector.broadcast %add3A_80 : i32 to vector<132x128xi32>
    %add3A_82 = arith.addi %add3A_79, %add3A_81 : vector<132x128xi32>
    %reduce_min3A_83 = vector.shape_cast %mul3A_73 : vector<132x128xf32> to vector<1x132x128xf32>
    %reduce_min3A_84 = arith.constant dense<0x7F800000> : vector<1xf32>
    %reduce_min3A_85 = vector.multi_reduction <minimumf>, %reduce_min3A_83, %reduce_min3A_84 [1, 2] : vector<1x132x128xf32> to vector<1xf32>
    %reduce_min3A_86 = vector.shape_cast %reduce_min3A_85 : vector<1xf32> to vector<1x1x1xf32>
    %reduce_min3A_87 = vector.extract %reduce_min3A_86[0, 0, 0] : f32 from vector<1x1x1xf32>
    %eq3A_88 = vector.broadcast %reduce_min3A_87 : f32 to vector<132x128xf32>
    %eq3A_89 = arith.cmpf oeq, %mul3A_73, %eq3A_88 : vector<132x128xf32>
    %jit3A_90 = arith.constant 2147483647 : i32
    %broadcast_in_dim3A_91 = vector.broadcast %jit3A_90 : i32 to vector<132x128xi32>
    %select_n3A_92 = arith.select %eq3A_89, %add3A_82, %broadcast_in_dim3A_91 : vector<132x128xi1>, vector<132x128xi32>
    %reduce_min3A_93 = vector.shape_cast %select_n3A_92 : vector<132x128xi32> to vector<1x132x128xi32>
    %reduce_min3A_94 = arith.constant dense<2147483647> : vector<1xi32>
    %reduce_min3A_95 = vector.multi_reduction <minsi>, %reduce_min3A_93, %reduce_min3A_94 [1, 2] : vector<1x132x128xi32> to vector<1xi32>
    %reduce_min3A_96 = vector.shape_cast %reduce_min3A_95 : vector<1xi32> to vector<1x1x1xi32>
    %reduce_min3A_97 = vector.extract %reduce_min3A_96[0, 0, 0] : i32 from vector<1x1x1xi32>
    %lt3A = arith.cmpf olt, %reduce_min3A_87, %reduce_min3A_29 : f32
    %eq3A_98 = arith.cmpf oeq, %reduce_min3A_87, %reduce_min3A_29 : f32
    %lt3A_99 = arith.cmpi slt, %reduce_min3A_97, %reduce_min3A_36 : i32
    %and3A = arith.andi %eq3A_98, %lt3A_99 : i1
    %or3A = arith.ori %lt3A, %and3A : i1
    %select_n3A_100 = arith.select %or3A, %reduce_min3A_87, %reduce_min3A_29 : f32
    %swap3A = arith.constant 0 : index
    %swap3A_101 = arith.constant 0 : index
    %swap3A_102 = memref.load %arg2[%swap3A, %swap3A_101] : memref<1x1xf32, #tpu.memory_space<smem>>
    memref.store %select_n3A_100, %arg2[%swap3A, %swap3A_101] : memref<1x1xf32, #tpu.memory_space<smem>>
    %select_n3A_103 = arith.select %or3A, %reduce_min3A_97, %reduce_min3A_36 : i32
    %swap3A_104 = arith.constant 0 : index
    %swap3A_105 = arith.constant 0 : index
    %swap3A_106 = memref.load %arg3[%swap3A_104, %swap3A_105] : memref<1x1xi32, #tpu.memory_space<smem>>
    memref.store %select_n3A_103, %arg3[%swap3A_104, %swap3A_105] : memref<1x1xi32, #tpu.memory_space<smem>>
    return
  }
}

</mosaic_0001>

<sc_bundles>
// kernel: kernel.5.cloned.1.call-start
scs
__scs_entry_jumppad:
0x0: {  	(pc) =	sbr.rel $0x88, $3  }
0x1: {  	(tag) =	ssettag $0x0;
	lr =	simm.s32 $0x1  }
0x2: {  	[smem:$0x3F9F] =	sst lr;
	_ =	strace $0xD0000000  }
0x3: {  	_ = 	snop  }
0x4: {  	_ = 	snop  }
0x5: {  	_ = 	snop  }
0x6: {  	_ = 	snop  }
0x7: {  	_ = 	snop  }
__scs_overlays_trampoline_lowered:
0x8: {  	[smem:$0x3FAE] =	sst s0  }
0x9: {  	[smem:$0x3FAF] =	sst s1  }
0xa: {  	[smem:$0x3FB0] =	sst s2  }
0xb: {  	[smem:$0x3FB1] =	sst s3  }
0xc: {  	[smem:$0x3FB2] =	sst s4  }
0xd: {  	[smem:$0x3FB3] =	sst s5  }
0xe: {  	[smem:$0x3FB4] =	sst s6  }
0xf: {  	[smem:$0x3FB5] =	sst s7  }
0x10: {  	[smem:$0x3FB6] =	sst s8  }
0x11: {  	[smem:$0x3FB7] =	sst s9;
	s0 =	simm.s32 @!p0 $0x0  }
0x12: {  	s1 =	sld [smem:$0x3F9D];
	s0 =	simm.s32 @p0 $0x1  }
0x13: {  	[smem:$0x3FB8] =	sst s0;
	s0 =	simm.s32 @!p1 $0x0  }
0x14: {  	s2 =	sld [smem:$0x3F9C];
	s0 =	simm.s32 @p1 $0x1  }
0x15: {  	[smem:$0x3FB9] =	sst s0;
	s0 =	simm.s32 @!p2 $0x0  }
0x16: {  	s3 =	sld [smem:$0x3FDB];
	s0 =	simm.s32 @p2 $0x1  }
0x17: {  	s4 =	simm.s32 $0x1BF5;
	[smem:$0x3FBB] =	sst s0  }
0x18: {  	s0 =	sld [smem:$0x3F9E];
	_ =	swait.ge [sflag:s4], $0x0  }
0x19: {  	s7 =	sld [smem:$0x3F9F]  }
0x1a: {  	s8 =	sadd.s32 $0xFFFFE003, lr  }
0x1b: {  	s9 =	sadd.s32 $0xFFFFFEF7, lr;
	s5 =	simm.s32 $0xFFFFFFFF;
	p2 =	slt.u32 s8, $0xFFFFF086  }
0x1c: {  	p1 =	slt.u32 s9, $0xF7A;
	s5 =	simm.s32 @!p2 $0x0  }
0x1d: {  	s5 =	simm.s32 @p1 $0x1;
	p0 =	seq.s32 s7, s2  }
0x1e: {  	s7 =	smul.u32 @!p0 $0xF7A, s2;
	p2 =	seq.s32 @!p0 s5, $0x0  }
0x1f: {  	s9 =	smul.u32 $0xF7A, s1;
	s8 =	simm.s32 @!p0 $0x1BF5;
	p2 =	por !p2, p0  }
0x20: {  	[sflag:s8] =	ssyncset.s32 @!p0 $0xFFFFF086;
	s6 =	sadd.s32 @!p0 s3, s7;
	s7 =	simm.s32 @!p0 $0x108  }
0x21: {  	s3 =	sadd.s32 s3, s9;
	s6 =	sadd.s32 @!p0 $0x88, s6;
	s7 =	simm.s32 @p2 $0x1082  }
0x22: {  	[simem:s7], [sflag:s8] =	dma.local @!p0 [hbm:s6], $0xF7A  }
0x23: {  	s9 =	sor.u32 $0xD0000000, s2;
	s6 =	simm.s32 $0x108;
	_ =	swait.ge @!p0 [sflag:s8], $0x0  }
0x24: {  	s3 =	sadd.s32 $0x88, s3;
	s6 =	simm.s32 @!p1 $0x1082;
	[sflag:s4] =	ssyncset.s32 $0xFFFFF086  }
0x25: {  	[simem:s6], [sflag:s4] =	dma.local [hbm:s3], $0xF7A  }
0x26: {  	[smem:$0x3F9F] =	sst s1;
	(tag) =	ssettag s2;
	_ =	strace s9  }
0x27: {  	s1 =	sld [smem:$0x3FAF]  }
0x28: {  	s2 =	sld [smem:$0x3FB0]  }
0x29: {  	s4 =	sld [smem:$0x3FB2]  }
0x2a: {  	p0 =	seq.s32 s5, $0x0;
	s5 =	sld [smem:$0x3FB3]  }
0x2b: {  	s6 =	sld [smem:$0x3FB4]  }
0x2c: {  	s7 =	sld [smem:$0x3FB5]  }
0x2d: {  	s3 =	simm.s32 $0x108;
	s8 =	sld [smem:$0x3FB6]  }
0x2e: {  	s3 =	simm.s32 @!p0 $0x1082;
	s9 =	sld [smem:$0x3FB7]  }
0x2f: {  	lr =	sadd.s32 s0, s3;
	s0 =	sld [smem:$0x3FAE]  }
0x30: {  	s3 =	sld [smem:$0x3FB1]  }
0x31: {  	[smem:$0x3FBA] =	sst s10  }
0x32: {  	s10 =	sld [smem:$0x3FB8];
	_ =	sdelay $0x3  }
0x33: {  	p0 =	seq.s32 s10, $0x1;
	s10 =	sld [smem:$0x3FBA];
	_ =	sdelay $0x3  }
0x34: {  	[smem:$0x3FBA] =	sst s10  }
0x35: {  	s10 =	sld [smem:$0x3FB9];
	_ =	sdelay $0x3  }
0x36: {  	p1 =	seq.s32 s10, $0x1;
	s10 =	sld [smem:$0x3FBA];
	_ =	sdelay $0x3  }
0x37: {  	[smem:$0x3FBA] =	sst s10  }
0x38: {  	s10 =	sld [smem:$0x3FBB]  }
0x39: {  	_ = 	snop;
	(pc) =	sbr.ind lr, $3  }
0x3a: {  	_ = 	snop  }
0x3b: {  	_ = 	snop  }
0x3c: {  	p2 =	seq.s32 s10, $0x1;
	s10 =	sld [smem:$0x3FBA]  }
0x3d: {  	_ =	shalt  }
0x3e: {  	_ =	shalt  }
0x3f: {  	_ =	shalt  }
0x40: {  	_ =	shalt  }
0x41: {  	_ =	shalt  }
0x42: {  	_ =	shalt  }
0x43: {  	_ =	shalt  }
0x44: {  	_ =	shalt  }
0x45: {  	_ =	shalt  }
0x46: {  	_ =	shalt  }
0x47: {  	_ =	shalt  }
0x48: {  	_ =	shalt  }
0x49: {  	_ =	shalt  }
0x4a: {  	_ =	shalt  }
0x4b: {  	_ =	shalt  }
0x4c: {  	_ =	shalt  }
0x4d: {  	_ =	shalt  }
0x4e: {  	_ =	shalt  }
0x4f: {  	_ =	shalt  }
0x50: {  	_ =	shalt  }
0x51: {  	_ =	shalt  }
0x52: {  	_ =	shalt  }
0x53: {  	_ =	shalt  }
0x54: {  	_ =	shalt  }
0x55: {  	_ =	shalt  }
0x56: {  	_ =	shalt  }
0x57: {  	_ =	shalt  }
0x58: {  	_ =	shalt  }
0x59: {  	_ =	shalt  }
0x5a: {  	_ =	shalt  }
0x5b: {  	_ =	shalt  }
0x5c: {  	_ =	shalt  }
0x5d: {  	_ =	shalt  }
0x5e: {  	_ =	shalt  }
0x5f: {  	_ =	shalt  }
0x60: {  	_ =	shalt  }
0x61: {  	_ =	shalt  }
0x62: {  	_ =	shalt  }
0x63: {  	_ =	shalt  }
0x64: {  	_ =	shalt  }
0x65: {  	_ =	shalt  }
0x66: {  	_ =	shalt  }
0x67: {  	_ =	shalt  }
0x68: {  	_ =	shalt  }
0x69: {  	_ =	shalt  }
0x6a: {  	_ =	shalt  }
0x6b: {  	_ =	shalt  }
0x6c: {  	_ =	shalt  }
0x6d: {  	_ =	shalt  }
0x6e: {  	_ =	shalt  }
0x6f: {  	_ =	shalt  }
0x70: {  	_ =	shalt  }
0x71: {  	_ =	shalt  }
0x72: {  	_ =	shalt  }
0x73: {  	_ =	shalt  }
0x74: {  	_ =	shalt  }
0x75: {  	_ =	shalt  }
0x76: {  	_ =	shalt  }
0x77: {  	_ =	shalt  }
0x78: {  	_ =	shalt  }
0x79: {  	_ =	shalt  }
0x7a: {  	_ =	shalt  }
0x7b: {  	_ =	shalt  }
0x7c: {  	_ =	shalt  }
0x7d: {  	_ =	shalt  }
0x7e: {  	_ =	shalt  }
0x7f: {  	_ =	shalt  }
0x80: {  	_ =	shalt  }
0x81: {  	_ =	shalt  }
0x82: {  	_ =	shalt  }
0x83: {  	_ =	shalt  }
0x84: {  	_ =	shalt  }
0x85: {  	_ =	shalt  }
0x86: {  	_ =	shalt  }
0x87: {  	_ =	shalt  }
.Lfunc_end0:
.L_simem_size_0:
called_computation_lowered:
.L_overlay_start_0:
0x88: {  	s2 =	sld [smem:$0x3FD9]  }
0x89: {  	s3 =	sld [smem:$0x3FFE];
	_ =	sdelay $0x1  }
0x8a: {  	s1 =	srdreg.scid  }
0x8b: {  	s0 =	sand.u32 $0x1, s1  }
0x8c: {  	s17 =	sshll.u32 s0, $0xA;
	s2 =	sadd.s32 s3, s2  }
0x8d: {  	s2 =	sadd.s32 s2, s17  }
0x8e: {  	[smem:$0x3FC6] =	sst s2  }
0x8f: {  	_ = 	snop  }
0x90: {  	s2 =	sld [smem:$0x3FC9]  }
0x91: {  	s18 =	sld [smem:$0x3FC8];
	(tm) =	ssettm $0x1  }
0x92: {  	s4 =	sld [smem:$0x3FFB];
	_ =	sdelay $0x3  }
0x93: {  	_ =	strace s4  }
0x94: {  	s4 =	sld [smem:$0x3FFC];
	_ =	sdelay $0x3  }
0x95: {  	_ =	strace s4  }
0x96: {  	s4 =	sld [smem:$0x3FFD];
	_ =	sdelay $0x3  }
0x97: {  	_ =	strace s4  }
0x98: {  	_ =	strace $0x8FFFFFFF  }
0x99: {  	s19 =	sld [smem:$0x3FDB];
	_ =	sdelay $0x1  }
0x9a: {  	s5 =	simm.s32 $_scs_section_size  }
0x9b: {  	s6 =	simm.s32 $_size__tile_overlayer_lowered;
	s7 =	simm.s32 $_tile_overlayer_lowered  }
0x9c: {  	s22 =	simm.s32 $0x1BFF;
	s21 =	sshll.u32 s7, $0x1;
	s4 =	sadd.s32 s5, s19  }
0x9d: {  	s8 =	simm.s32 $0x0;
	s20 =	sshll.u32 s6, $0x1;
	s6 =	sadd.s32 s21, s4  }
0x9e: {  	[timem:s8], [sflag:s22] =	dma.local [hbm:s6], s20  }
0x9f: {  	_ =	swait.ge [sflag:s22], s20  }
0xa0: {  	s5 =	ssub.s32 $0x0, s20;
	[sflag:s22] =	ssyncset.done $0x0  }
0xa1: {  	[sflag:s22] =	ssyncadd.s32 s5;
	_ =	sdelay $0x1  }
0xa2: {  	s23 =	simm.s32 $0x1B8B  }
0xa3: {  	_ =	swait.ge [sflag:s23], $0x1  }
0xa4: {  	[sflag:s23] =	ssyncset.done $0x0  }
0xa5: {  	s25 =	simm.s32 $0x1B8E;
	s24 =	sld [smem:$0x3FFE];
	[sflag:s23] =	ssyncadd.s32 $0xFFFFFFFF  }
0xa6: {  	s26 =	simm.s32 $execute0_lowered;
	[smem:$0x3FD2] =	sst s25  }
0xa7: {  	s6 =	sshll.u32 s26, $0x1;
	_ =	strace $0x80000046;
	[dreg:$0x1] =	wrdreg $0xFFFFFFFF  }
0xa8: {  	s28 =	simm.s32 $_size_execute0_lowered;
	s4 =	sadd.s32 s4, s6;
	[dreg:$0x0] =	wrdreg $0x0  }
0xa9: {  	s6 =	sshll.u32 s28, $0x1;
	[dreg:$0x2] =	wrdreg s4  }
0xaa: {  	[dreg:$0x3] =	wrdreg s6  }
0xab: {  	[dreg:$0x4] =	wrdreg $0xC0  }
0xac: {  	_ =	task [dreg:s8], $0x5FFFF  }
0xad: {  	[dreg:$0x1] =	wrdreg $0xFFFFFFFF  }
0xae: {  	[dreg:$0x0] =	wrdreg $0x60  }
0xaf: {  	[dreg:$0x2] =	wrdreg s2  }
0xb0: {  	[dreg:$0x3] =	wrdreg s18  }
0xb1: {  	[dreg:$0x4] =	wrdreg s24  }
0xb2: {  	[dreg:$0x5] =	wrdreg $0x9  }
0xb3: {  	_ =	task.clear_ibuf [dreg:s8], $0x6FFFF;
	_ =	strace $0x90000046  }
0xb4: {  	s29 =	simm.s32 $0x9;
	_ =	strace $0x80000048  }
0xb5: {  	_ =	swait.ge [sflag:s29], $0x1  }
0xb6: {  	[sflag:s29] =	ssyncadd.s32 $0xFFFFFFFF  }
0xb7: {  	_ =	strace $0x90000048  }
0xb8: {  	_ =	sfence  }
0xb9: {  	s30 =	sld [smem:$0x0];
	_ =	sdelay $0x2  }
0xba: {  	s31 =	sshll.u32 s1, $0xD;
	s1 =	sshrl.u32 s1, $0x2  }
0xbb: {  	s3 =	sand.u32 $0x4000, s31;
	s1 =	sadd.s32 s1, s30  }
0xbc: {  	s0 =	sor.u32 s3, s0;
	s1 =	sshll.u32 s1, $0x11  }
0xbd: {  	s0 =	sor.u32 s1, s0  }
0xbe: {  	s0 =	sadd.s32 $0x8F2B, s0  }
0xbf: {  	[sflag:s0] =	ssyncadd.remote.s32 $0x1  }
0xc0: {  	_ =	sfence.sel $0xFFFF  }
0xc1: {  	[dreg:$0x0] =	wrdreg $0xFFFFFFFF;
	(pc) =	sbr.abs _section_cstart, $3  }
0xc2: {  	[dreg:$0x1] =	wrdreg $0xFFFFFFFF  }
0xc3: {  	_ =	task.clear_ibuf [dreg:s8], $0x2FFFF;
	_ =	strace $0x9FFFFFFF  }
0xc4: {  	(tm) =	ssettm $0x7FFFFFFF  }
0xc5: {  	_ =	shalt  }
tec
execute0_lowered:
.L_overlay_start_1:
0x0: {  	(tag) =	ssettag $0x1  }
0x1: {  	s1 =	rddreg [dreg:$0x0]  }
0x2: {  	s8 =	rddreg [dreg:$0x1];
	s2 =	srdreg.scid  }
0x3: {  	s0 =	stileid.u32;
	s3 =	rddreg [dreg:$0x2];
	s13 =	simm.s32 $0x1C00  }
0x4: {  	s14 =	simm.s32 $0x5480;
	s15 =	simm.s32 $0x3800;
	s16 =	simm.s32 $0x7080  }
0x5: {  	s17 =	simm.s32 $0x1;
	s18 =	simm.s32 $0x2;
	s19 =	simm.s32 $0x3  }
0x6: {  	s20 =	simm.s32 $0x4;
	s21 =	simm.s32 $0x5;
	s22 =	simm.s32 $0x6  }
0x7: {  	s23 =	simm.s32 $0x7100;
	s25 =	simm.s32 $0x7180;
	s26 =	simm.s32 $0x0  }
0x8: {  	s4 =	sand.u32 $0x1, s2;
	s5 =	sshll.u32 s0, $0x1;
	s2 =	simm.s32 $0x0  }
0x9: {  	s5 =	sor.u32 s4, s5;
	[smem:$0x7FF] =	sst s2;
	s4 =	ssub.s32 $0x2, s4  }
0xa: {  	s24 =	smul.u32 $0x3800, s5;
	s5 =	sshll.u32 s5, $0x1;
	s6 =	sshrl.u32 s4, $0x1  }
0xb: {  	_ =	strace $0x80000047;
	s10 =	sadd.s32 s5, s3;
	s11 =	ssub.s32 s4, s6  }
0xc: {  	s7 =	sshrl.u32 s24, $0x3;
	s9 =	sadd.s32 $0x1200, s10;
	s10 =	sadd.s32 $0x1400, s10  }
0xd: {  	s11 =	smax.u32 s11, $0x1;
	v0 =	vmov s24;
	s24 =	simm.s32 $0x7;
	s31 =	sadd.s32 $0x380, s7  }
0xe: {  	s3 =	sadd.s32 s1, s7;
	s4 =	sadd.s32 s8, s7;
	s7 =	sadd.s32 $0x1E840, s1  }
0xf: {  	v1 =	vlaneseq.u32;
	s5 =	sadd.s32 s1, s31;
	s6 =	sadd.s32 s8, s31;
	s8 =	sadd.s32 $0x1E840, s8  }
.LBB2_1:
0x10: {  	[tilespmem:s2], [sflag:$0x1] =	stream.linear.gather [hbm4b:s3+s2], $0x1C00, $0x38;
	[tilespmem:$0x7200] =	vst v63  }
0x11: {  	s0 =	simm.s32 $0x3880  }
0x12: {  	[tilespmem:s0], [sflag:$0x2] =	stream.linear.gather [hbm4b:s4+s2], $0x1C00, $0x38;
	[tilespmem:$0x7200] =	vst v63  }
0x13: {  	_ = 	snop  }
0x14: {  	[tilespmem:s13], [sflag:$0x3] =	stream.linear.gather [hbm4b:s5+s2], $0x1C00, $0x38;
	[tilespmem:$0x7200] =	vst v63  }
0x15: {  	_ = 	snop  }
0x16: {  	[tilespmem:s14], [sflag:$0x4] =	stream.linear.gather [hbm4b:s6+s2], $0x1C00, $0x38;
	[tilespmem:$0x7200] =	vst v63  }
0x17: {  	_ = 	snop  }
0x18: {  	[tilespmem:s15], [sflag:$0x5] =	stream.linear.gather [hbm4b:s7+s2], $0x40, $0x38;
	[tilespmem:$0x7200] =	vst v63  }
0x19: {  	_ = 	snop  }
0x1a: {  	[tilespmem:s16], [sflag:$0x6] =	stream.linear.gather [hbm4b:s8+s2], $0x40, $0x38;
	[tilespmem:$0x7200] =	vst v63  }
0x1b: {  	_ =	swait.ge [sflag:s17], $0x1C00  }
0x1c: {  	[sflag:s17] =	ssyncset.done $0x0  }
0x1d: {  	[sflag:s17] =	ssyncadd.s32 $0xFFFFE400  }
0x1e: {  	_ =	swait.ge [sflag:s18], $0x1C00  }
0x1f: {  	[sflag:s18] =	ssyncset.done $0x0  }
0x20: {  	s1 =	simm.s32 $0x38A0;
	[sflag:s18] =	ssyncadd.s32 $0xFFFFE400  }
0x21: {  	v2 =	vld [tilespmem:s1+$0xFFFFFFE0]  }
0x22: {  	v3 =	vld [tilespmem:s1+$0xFFFFFFF0]  }
0x23: {  	v4 =	vld [tilespmem:s1+$0x0]  }
0x24: {  	v5 =	vld [tilespmem:s1+$0x10];
	_ =	sdelay $0x3  }
0x25: {  	v6 =	vadd.s32 $0xC0CAFB0D, v2;
	v7 =	vadd.s32 $0xC0CAFB0D, v3  }
0x26: {  	v8 =	vadd.s32 $0xC0CAFB0D, v4;
	v9 =	vadd.s32 $0xC0CAFB0D, v5;
	v10 =	vshra.s32 v6, $0x17  }
0x27: {  	v11 =	vshra.s32 v7, $0x17;
	v12 =	vshra.s32 v8, $0x17;
	v13 =	vshra.s32 v9, $0x17  }
0x28: {  	v6 =	vand.u32 $0xFF800000, v6;
	v7 =	vand.u32 $0xFF800000, v7;
	v8 =	vand.u32 $0xFF800000, v8  }
0x29: {  	s30 =	simm.s32 $0x20;
	v9 =	vand.u32 $0xFF800000, v9;
	v10 =	vcvt.s32.f32 v10;
	v11 =	vcvt.s32.f32 v11  }
0x2a: {  	v14 =	vld [tilespmem:s30+$0xFFFFFFE0];
	v15 =	vcvt.s32.f32 v12;
	v2 =	vsub.s32 v2, v6;
	v3 =	vsub.s32 v3, v7  }
0x2b: {  	v4 =	vsub.s32 v4, v8;
	v5 =	vsub.s32 v5, v9;
	v6 =	vadd.f32 $-1.000000000e+00, v2  }
0x2c: {  	v13 =	vcvt.s32.f32 v13;
	v7 =	vadd.f32 $-1.000000000e+00, v3;
	v8 =	vadd.f32 $-1.000000000e+00, v4  }
0x2d: {  	v2 =	vld [tilespmem:s30+$0x0];
	v16 =	vadd.f32 $-1.000000000e+00, v5;
	v21 =	vmul.f32 $6.931471820e-01, v10;
	v11 =	vmul.f32 $6.931471820e-01, v11  }
0x2e: {  	v9 =	vld [tilespmem:s30+$0x10];
	v3 =	vmul.f32 $1.193119440e-01, v6;
	v5 =	vmul.f32 $1.193119440e-01, v7  }
0x2f: {  	v4 =	vsub.f32 $0.0e+00, v14;
	v14 =	vmul.f32 $1.193119440e-01, v8;
	v17 =	vmul.f32 $1.193119440e-01, v16  }
0x30: {  	v15 =	vmul.f32 $6.931471820e-01, v15;
	v3 =	vadd.f32 $-1.868096440e-01, v3;
	v5 =	vadd.f32 $-1.868096440e-01, v5  }
0x31: {  	v13 =	vmul.f32 $6.931471820e-01, v13;
	v14 =	vadd.f32 $-1.868096440e-01, v14;
	v17 =	vadd.f32 $-1.868096440e-01, v17  }
0x32: {  	v12 =	vld [tilespmem:s30+$0xFFFFFFF0];
	v2 =	vsub.f32 $0.0e+00, v2;
	v3 =	vmul.f32 v3, v6;
	v5 =	vmul.f32 v5, v7  }
0x33: {  	v9 =	vsub.f32 $0.0e+00, v9;
	v14 =	vmul.f32 v14, v8;
	v17 =	vmul.f32 v17, v16  }
0x34: {  	v18 =	vmul.f32 $1.442695020e+00, v2;
	v3 =	vadd.f32 $2.049179520e-01, v3;
	v5 =	vadd.f32 $2.049179520e-01, v5  }
0x35: {  	v2 =	vadd.f32 $2.049179520e-01, v14;
	v14 =	vadd.f32 $2.049179520e-01, v17;
	v17 =	vmul.f32 $1.442695020e+00, v9  }
0x36: {  	v3 =	vmul.f32 v3, v6;
	v5 =	vmul.f32 v5, v7  }
0x37: {  	v12 =	vsub.f32 $0.0e+00, v12;
	v2 =	vmul.f32 v2, v8;
	v9 =	vmul.f32 v14, v16  }
0x38: {  	v4 =	vmul.f32 $1.442695020e+00, v4;
	v3 =	vadd.f32 $-2.490826990e-01, v3;
	v5 =	vadd.f32 $-2.490826990e-01, v5  }
0x39: {  	v12 =	vmul.f32 $1.442695020e+00, v12;
	v2 =	vadd.f32 $-2.490826990e-01, v2;
	v9 =	vadd.f32 $-2.490826990e-01, v9  }
0x3a: {  	v3 =	vmul.f32 v3, v6;
	v5 =	vmul.f32 v5, v7  }
0x3b: {  	v2 =	vmul.f32 v2, v8;
	v9 =	vmul.f32 v9, v16  }
0x3c: {  	(erf) = vpow2.f32 v4;
	v3 =	vadd.f32 $3.331467210e-01, v3;
	v5 =	vadd.f32 $3.331467210e-01, v5  }
0x3d: {  	(erf) = vpow2.f32 v12;
	v4 =	vadd.f32 $3.331467210e-01, v2;
	v9 =	vadd.f32 $3.331467210e-01, v9  }
0x3e: {  	v10 =	vmul.f32 v3, v6;
	v5 =	vmul.f32 v5, v7  }
0x3f: {  	v4 =	vmul.f32 v4, v8;
	v12 =	vmul.f32 v9, v16  }
0x40: {  	s31 =	simm.s32 $0x38E0;
	(erf) = vpow2.f32 v18;
	v14 =	vadd.f32 $-5.000114440e-01, v10;
	v5 =	vadd.f32 $-5.000114440e-01, v5  }
0x41: {  	(erf) = vpow2.f32 v17;
	v9 =	vld [tilespmem:s31+$0xFFFFFFE0];
	v18 =	vadd.f32 $-5.000114440e-01, v4;
	v19 =	vadd.f32 $-5.000114440e-01, v12  }
0x42: {  	v2 =	vimm.f32 $+Inf;
	v10 =	vld [tilespmem:s31+$0xFFFFFFF0];
	v17 =	vmul.f32 v14, v6;
	v20 =	vmul.f32 v5, v7  }
0x43: {  	s12 =	simm.s32 $0x0;
	v3 =	vimm.s32 $0x0;
	v12 =	vld [tilespmem:s31+$0x0];
	v18 =	vmul.f32 v18, v8;
	v19 =	vmul.f32 v19, v16  }
0x44: {  	s28 =	simm.s32 $0x2;
	v4 =	vmov s12;
	v17 =	vadd.f32 $1.000000950e+00, v17;
	v20 =	vadd.f32 $1.000000950e+00, v20  }
0x45: {  	v5 =	vmov s28;
	v14 =	vld [tilespmem:s31+$0x10];
	v22 =	vadd.f32 $1.000000950e+00, v18;
	v23 =	vadd.f32 $1.000000950e+00, v19  }
0x46: {  	v18 =	vadd.s32 $0xC0CAFB0D, v9;
	v6 =	vmul.f32 v17, v6;
	v7 =	vmul.f32 v20, v7  }
0x47: {  	v19 =	vadd.s32 $0xC0CAFB0D, v10;
	v8 =	vmul.f32 v22, v8;
	v16 =	vmul.f32 v23, v16  }
0x48: {  	v20 =	vadd.s32 $0xC0CAFB0D, v12;
	v6 =	vadd.f32 v6, v21;
	v7 =	vadd.f32 v7, v11  }
0x49: {  	v17 =	vshra.s32 v18, $0x17;
	v11 =	vpop (erf);
	v8 =	vadd.f32 v8, v15;
	v13 =	vadd.f32 v16, v13  }
0x4a: {  	v21 =	vadd.s32 $0xC0CAFB0D, v14;
	v22 =	vpop (erf);
	v6 =	vsub.f32 $0.0e+00, v6;
	v7 =	vsub.f32 $0.0e+00, v7  }
0x4b: {  	v15 =	vshra.s32 v19, $0x17;
	v23 =	vpop (erf);
	v8 =	vsub.f32 $0.0e+00, v8;
	v24 =	vsub.f32 $0.0e+00, v13  }
0x4c: {  	v16 =	vshra.s32 v20, $0x17;
	v25 =	vpop (erf);
	v6 =	vmul.f32 v6, v11;
	v7 =	vmul.f32 v7, v22  }
0x4d: {  	s29 =	simm.s32 $0x3;
	s1 =	simm.s32 $0xB;
	s28 =	simm.s32 $0x7;
	v13 =	vshra.s32 v21, $0x17;
	v8 =	vmul.f32 v8, v23;
	v11 =	vmul.f32 v24, v25  }
.LBB2_2:
0x4e: {  	p0 =	sne.s32 s1, $0x1BF;
	v18 =	vand.u32 $0xFF800000, v18;
	v19 =	vand.u32 $0xFF800000, v19;
	v20 =	vand.u32 $0xFF800000, v20  }
0x4f: {  	v21 =	vand.u32 $0xFF800000, v21;
	vm3 =	vlt.f32 v7, v6;
	vm1 =	vlt.f32 v11, v8  }
0x50: {  	v17 =	vcvt.s32.f32 v17;
	s30 =	sadd.s32 $0x40, s30;
	v6 =	vsel vm3, v7, v6;
	v7 =	vsel vm1, v11, v8  }
0x51: {  	v11 =	vcvt.s32.f32 v15;
	v15 =	vcvt.s32.f32 v16;
	v8 =	vld [tilespmem:s30+$0xFFFFFFE0];
	vm0 =	vlt.f32 v7, v6  }
0x52: {  	v9 =	vsub.s32 v9, v18;
	v10 =	vsub.s32 v10, v19;
	v16 =	vld [tilespmem:s30+$0xFFFFFFF0];
	v6 =	vsel vm0, v7, v6  }
0x53: {  	v7 =	vsub.s32 v12, v20;
	v12 =	vsub.s32 v14, v21;
	vm2 =	vlt.f32 v6, v2  }
0x54: {  	v19 =	vadd.f32 $-1.000000000e+00, v9;
	v20 =	vadd.f32 $-1.000000000e+00, v10;
	v2 =	vsel vm2, v6, v2  }
0x55: {  	v13 =	vcvt.s32.f32 v13;
	v7 =	vadd.f32 $-1.000000000e+00, v7;
	v21 =	vadd.f32 $-1.000000000e+00, v12;
	v6 =	vld [tilespmem:s30+$0x0]  }
0x56: {  	v9 =	vmul.f32 $1.193119440e-01, v19;
	v10 =	vmul.f32 $1.193119440e-01, v20;
	v8 =	vsub.f32 $0.0e+00, v8;
	v12 =	vld [tilespmem:s30+$0x10]  }
0x57: {  	v18 =	vmul.f32 $1.193119440e-01, v21;
	v14 =	vsub.f32 $0.0e+00, v16;
	v16 =	vmul.f32 $1.193119440e-01, v7  }
0x58: {  	v9 =	vadd.f32 $-1.868096440e-01, v9;
	v10 =	vadd.f32 $-1.868096440e-01, v10;
	v8 =	vmul.f32 $1.442695020e+00, v8  }
0x59: {  	v18 =	vadd.f32 $-1.868096440e-01, v18;
	v14 =	vmul.f32 $1.442695020e+00, v14;
	v16 =	vadd.f32 $-1.868096440e-01, v16  }
0x5a: {  	v9 =	vmul.f32 v9, v19;
	v10 =	vmul.f32 v10, v20;
	v6 =	vsub.f32 $0.0e+00, v6  }
0x5b: {  	v18 =	vmul.f32 v18, v21;
	v16 =	vmul.f32 v16, v7;
	v12 =	vsub.f32 $0.0e+00, v12  }
0x5c: {  	v9 =	vadd.f32 $2.049179520e-01, v9;
	v10 =	vadd.f32 $2.049179520e-01, v10;
	v6 =	vmul.f32 $1.442695020e+00, v6  }
0x5d: {  	s0 =	sadd.s32 $0xFFFFFFFE, s29;
	v18 =	vadd.f32 $2.049179520e-01, v18;
	v16 =	vadd.f32 $2.049179520e-01, v16;
	v12 =	vmul.f32 $1.442695020e+00, v12  }
0x5e: {  	v4 =	vsel vm3, s0, v4;
	v9 =	vmul.f32 v9, v19;
	v10 =	vmul.f32 v10, v20  }
0x5f: {  	v5 =	vsel vm1, s29, v5;
	s29 =	smov.u32 s28;
	s28 =	smov.u32 s1;
	v18 =	vmul.f32 v18, v21;
	v16 =	vmul.f32 v16, v7  }
0x60: {  	v17 =	vmul.f32 $6.931471820e-01, v17;
	v9 =	vadd.f32 $-2.490826990e-01, v9;
	v10 =	vadd.f32 $-2.490826990e-01, v10  }
0x61: {  	v11 =	vmul.f32 $6.931471820e-01, v11;
	v18 =	vadd.f32 $-2.490826990e-01, v18;
	v16 =	vadd.f32 $-2.490826990e-01, v16  }
0x62: {  	v4 =	vsel vm0, v5, v4;
	v9 =	vmul.f32 v9, v19;
	v10 =	vmul.f32 v10, v20  }
0x63: {  	v3 =	vsel vm2, v4, v3;
	v5 =	vmul.f32 v16, v7;
	v16 =	vmul.f32 v18, v21  }
0x64: {  	v4 =	vadd.f32 $3.331467210e-01, v9;
	v9 =	vadd.f32 $3.331467210e-01, v10;
	(erf) = vpow2.f32 v8  }
0x65: {  	v5 =	vadd.f32 $3.331467210e-01, v5;
	v8 =	vadd.f32 $3.331467210e-01, v16;
	(erf) = vpow2.f32 v14  }
0x66: {  	v4 =	vmul.f32 v4, v19;
	v9 =	vmul.f32 v9, v20  }
0x67: {  	v5 =	vmul.f32 v5, v7;
	v8 =	vmul.f32 v8, v21  }
0x68: {  	s31 =	sadd.s32 $0x40, s31;
	v4 =	vadd.f32 $-5.000114440e-01, v4;
	v14 =	vadd.f32 $-5.000114440e-01, v9;
	(erf) = vpow2.f32 v6  }
0x69: {  	s0 =	sadd.s32 $0xFFFFFFFD, s29;
	v9 =	vld [tilespmem:s31+$0xFFFFFFE0];
	v5 =	vadd.f32 $-5.000114440e-01, v5;
	v6 =	vadd.f32 $-5.000114440e-01, v8;
	(erf) = vpow2.f32 v12  }
0x6a: {  	s12 =	sadd.s32 $0xFFFFFFFF, s29;
	v16 =	vmul.f32 v14, v20;
	v8 =	vmul.f32 v4, v19;
	v4 =	vmov s0;
	v10 =	vld [tilespmem:s31+$0xFFFFFFF0]  }
0x6b: {  	v12 =	vld [tilespmem:s31+$0x0];
	v18 =	vmul.f32 v5, v7;
	v6 =	vmul.f32 v6, v21;
	v5 =	vmov s12  }
0x6c: {  	v15 =	vmul.f32 $6.931471820e-01, v15;
	v16 =	vadd.f32 $1.000000950e+00, v16;
	v8 =	vadd.f32 $1.000000950e+00, v8;
	v14 =	vld [tilespmem:s31+$0x10]  }
0x6d: {  	v13 =	vmul.f32 $6.931471820e-01, v13;
	v22 =	vadd.f32 $1.000000950e+00, v18;
	v6 =	vadd.f32 $1.000000950e+00, v6;
	v23 =	vpop (erf)  }
0x6e: {  	v16 =	vmul.f32 v16, v20;
	v8 =	vmul.f32 v8, v19;
	v18 =	vadd.s32 $0xC0CAFB0D, v9;
	v24 =	vpop (erf)  }
0x6f: {  	v19 =	vadd.s32 $0xC0CAFB0D, v10;
	v7 =	vmul.f32 v22, v7;
	v6 =	vmul.f32 v6, v21  }
0x70: {  	v11 =	vadd.f32 v16, v11;
	v8 =	vadd.f32 v8, v17;
	v20 =	vadd.s32 $0xC0CAFB0D, v12  }
.Ltmp0:
0x71: {  	v21 =	vadd.s32 $0xC0CAFB0D, v14;
	v7 =	vadd.f32 v7, v15;
	v6 =	vadd.f32 v6, v13;
	v22 =	vpop (erf);
	(pc) =	sbr.rel @p0 .LBB2_2-.Ltmp0, $4  }
0x72: {  	v17 =	vshra.s32 v18, $0x17;
	v11 =	vsub.f32 $0.0e+00, v11;
	v8 =	vsub.f32 $0.0e+00, v8;
	v25 =	vpop (erf)  }
0x73: {  	v15 =	vshra.s32 v19, $0x17;
	v26 =	vsub.f32 $0.0e+00, v7;
	v27 =	vsub.f32 $0.0e+00, v6  }
0x74: {  	v16 =	vshra.s32 v20, $0x17;
	v6 =	vmul.f32 v8, v23;
	v7 =	vmul.f32 v11, v24  }
0x75: {  	s1 =	sadd.s32 $0x4, s1;
	v13 =	vshra.s32 v21, $0x17;
	v8 =	vmul.f32 v26, v22;
	v11 =	vmul.f32 v27, v25  }
0x76: {  	v18 =	vand.u32 $0xFF800000, v18  }
0x77: {  	v9 =	vsub.s32 v9, v18  }
0x78: {  	v9 =	vadd.f32 $-1.000000000e+00, v9  }
0x79: {  	s0 =	sadd.s32 $0x40, s30  }
0x7a: {  	v18 =	vld [tilespmem:s0+$0xFFFFFFE0];
	v22 =	vmul.f32 $1.193119440e-01, v9  }
0x7b: {  	v19 =	vand.u32 $0xFF800000, v19  }
0x7c: {  	v10 =	vsub.s32 v10, v19;
	v19 =	vadd.f32 $-1.868096440e-01, v22  }
0x7d: {  	v20 =	vand.u32 $0xFF800000, v20;
	v23 =	vld [tilespmem:s0+$0xFFFFFFF0]  }
0x7e: {  	v12 =	vsub.s32 v12, v20;
	v10 =	vadd.f32 $-1.000000000e+00, v10;
	v19 =	vmul.f32 v19, v9  }
0x7f: {  	v21 =	vand.u32 $0xFF800000, v21;
	v20 =	vld [tilespmem:s0+$0x0];
	v12 =	vadd.f32 $-1.000000000e+00, v12;
	v18 =	vsub.f32 $0.0e+00, v18  }
0x80: {  	v14 =	vsub.s32 v14, v21;
	v21 =	vmul.f32 $1.193119440e-01, v10;
	v19 =	vadd.f32 $2.049179520e-01, v19  }
0x81: {  	v14 =	vadd.f32 $-1.000000000e+00, v14;
	v24 =	vmul.f32 $1.193119440e-01, v12;
	v18 =	vmul.f32 $1.442695020e+00, v18  }
0x82: {  	v22 =	vld [tilespmem:s0+$0x10];
	v23 =	vsub.f32 $0.0e+00, v23;
	v21 =	vadd.f32 $-1.868096440e-01, v21;
	v19 =	vmul.f32 v19, v9  }
0x83: {  	v24 =	vadd.f32 $-1.868096440e-01, v24;
	(erf) = vpow2.f32 v18;
	v18 =	vmul.f32 $1.193119440e-01, v14  }
0x84: {  	v20 =	vsub.f32 $0.0e+00, v20;
	v21 =	vmul.f32 v21, v10;
	v19 =	vadd.f32 $-2.490826990e-01, v19  }
0x85: {  	v23 =	vmul.f32 $1.442695020e+00, v23;
	v24 =	vmul.f32 v24, v12;
	v18 =	vadd.f32 $-1.868096440e-01, v18  }
0x86: {  	v20 =	vmul.f32 $1.442695020e+00, v20;
	v21 =	vadd.f32 $2.049179520e-01, v21;
	v19 =	vmul.f32 v19, v9  }
0x87: {  	v24 =	vadd.f32 $2.049179520e-01, v24;
	v22 =	vsub.f32 $0.0e+00, v22;
	v18 =	vmul.f32 v18, v14  }
0x88: {  	(erf) = vpow2.f32 v23;
	v21 =	vmul.f32 v21, v10;
	v19 =	vadd.f32 $3.331467210e-01, v19  }
0x89: {  	v23 =	vmul.f32 v24, v12;
	v22 =	vmul.f32 $1.442695020e+00, v22;
	v18 =	vadd.f32 $2.049179520e-01, v18  }
0x8a: {  	(erf) = vpow2.f32 v20;
	v19 =	vmul.f32 v19, v9  }
0x8b: {  	(erf) = vpow2.f32 v22;
	v18 =	vmul.f32 v18, v14  }
0x8c: {  	v20 =	vadd.f32 $-2.490826990e-01, v21;
	v19 =	vadd.f32 $-5.000114440e-01, v19  }
0x8d: {  	v21 =	vadd.f32 $-2.490826990e-01, v23;
	v18 =	vadd.f32 $-2.490826990e-01, v18  }
0x8e: {  	v20 =	vmul.f32 v20, v10;
	v19 =	vmul.f32 v19, v9  }
0x8f: {  	v21 =	vmul.f32 v21, v12;
	v18 =	vmul.f32 v18, v14  }
0x90: {  	v20 =	vadd.f32 $3.331467210e-01, v20;
	v19 =	vadd.f32 $1.000000950e+00, v19  }
0x91: {  	v21 =	vadd.f32 $3.331467210e-01, v21;
	v22 =	vpop (erf);
	v18 =	vadd.f32 $3.331467210e-01, v18  }
0x92: {  	v17 =	vcvt.s32.f32 v17;
	v20 =	vmul.f32 v20, v10;
	v23 =	vpop (erf)  }
0x93: {  	v21 =	vmul.f32 v21, v12;
	v62 =	vpop (erf);
	v18 =	vmul.f32 v18, v14  }
0x94: {  	v15 =	vcvt.s32.f32 v15;
	v20 =	vadd.f32 $-5.000114440e-01, v20;
	v9 =	vmul.f32 v19, v9;
	v19 =	vpop (erf)  }
0x95: {  	v16 =	vcvt.s32.f32 v16;
	v21 =	vadd.f32 $-5.000114440e-01, v21;
	v18 =	vadd.f32 $-5.000114440e-01, v18;
	_ =	swait.ge [sflag:s19], $0x1C00  }
0x96: {  	v13 =	vcvt.s32.f32 v13;
	v20 =	vmul.f32 v20, v10;
	[sflag:s19] =	ssyncset.done $0x0  }
0x97: {  	v21 =	vmul.f32 v21, v12;
	v18 =	vmul.f32 v18, v14;
	[sflag:s19] =	ssyncadd.s32 $0xFFFFE400  }
0x98: {  	v17 =	vmul.f32 $6.931471820e-01, v17;
	v15 =	vmul.f32 $6.931471820e-01, v15;
	v20 =	vadd.f32 $1.000000950e+00, v20;
	_ =	swait.ge [sflag:s20], $0x1C00  }
0x99: {  	v16 =	vmul.f32 $6.931471820e-01, v16;
	v21 =	vadd.f32 $1.000000950e+00, v21;
	v18 =	vadd.f32 $1.000000950e+00, v18;
	[sflag:s20] =	ssyncset.done $0x0  }
0x9a: {  	v13 =	vmul.f32 $6.931471820e-01, v13;
	v10 =	vmul.f32 v20, v10;
	[sflag:s20] =	ssyncadd.s32 $0xFFFFE400  }
0x9b: {  	v12 =	vmul.f32 v21, v12;
	v14 =	vmul.f32 v18, v14;
	_ =	swait.ge [sflag:s21], $0x40  }
0x9c: {  	v9 =	vadd.f32 v9, v17;
	v10 =	vadd.f32 v10, v15;
	[sflag:s21] =	ssyncset.done $0x0  }
0x9d: {  	v12 =	vadd.f32 v12, v16;
	v13 =	vadd.f32 v14, v13;
	[sflag:s21] =	ssyncadd.s32 $0xFFFFFFC0  }
0x9e: {  	vm0 =	vlt.f32 v7, v6;
	v9 =	vsub.f32 $0.0e+00, v9;
	v10 =	vsub.f32 $0.0e+00, v10;
	_ =	swait.ge [sflag:s22], $0x40  }
0x9f: {  	vm3 =	vlt.f32 v11, v8;
	v12 =	vsub.f32 $0.0e+00, v12;
	v13 =	vsub.f32 $0.0e+00, v13;
	[sflag:s22] =	ssyncset.done $0x0  }
0xa0: {  	s12 =	simm.s32 $0x54B0;
	v6 =	vsel vm0, v7, v6;
	v7 =	vmul.f32 v9, v22;
	v9 =	vmul.f32 v10, v23;
	[sflag:s22] =	ssyncadd.s32 $0xFFFFFFC0  }
0xa1: {  	v8 =	vsel vm3, v11, v8;
	v10 =	vmul.f32 v12, v62;
	v11 =	vmul.f32 v13, v19;
	v12 =	vld [tilespmem:s12+$0xFFFFFFD0]  }
0xa2: {  	vm4 =	vlt.f32 v8, v6;
	v13 =	vld [tilespmem:s12+$0xFFFFFFE0]  }
0xa3: {  	v6 =	vsel vm4, v8, v6;
	vm2 =	vlt.f32 v9, v7;
	vm1 =	vlt.f32 v11, v10;
	v8 =	vld [tilespmem:s12+$0xFFFFFFF0]  }
0xa4: {  	s1 =	sadd.s32 $0xFFFFFFFE, s29;
	v5 =	vsel vm3, s29, v5;
	s29 =	simm.s32 $0x1C30;
	v7 =	vsel vm2, v9, v7;
	v9 =	vsel vm1, v11, v10;
	v10 =	vld [tilespmem:s12+$0x0]  }
0xa5: {  	v19 =	vld [tilespmem:s29+$0xFFFFFFE0];
	_ =	sdelay $0x1  }
0xa6: {  	v4 =	vsel vm0, s1, v4;
	vm5 =	vlt.f32 v6, v2  }
0xa7: {  	v4 =	vsel vm4, v5, v4;
	v2 =	vsel vm5, v6, v2;
	vm14 =	vlt.f32 v9, v7  }
0xa8: {  	v5 =	vsel vm14, v9, v7;
	v6 =	vadd.s32 $0xC0CAFB0D, v12;
	v7 =	vadd.s32 $0xC0CAFB0D, v13  }
0xa9: {  	v9 =	vadd.s32 $0xC0CAFB0D, v8;
	v11 =	vadd.s32 $0xC0CAFB0D, v10;
	v19 =	vsub.f32 $0.0e+00, v19  }
0xaa: {  	v14 =	vshra.s32 v6, $0x17;
	v15 =	vshra.s32 v7, $0x17;
	v16 =	vshra.s32 v9, $0x17  }
0xab: {  	v17 =	vshra.s32 v11, $0x17;
	v6 =	vand.u32 $0xFF800000, v6;
	v7 =	vand.u32 $0xFF800000, v7  }
0xac: {  	v9 =	vand.u32 $0xFF800000, v9;
	v11 =	vand.u32 $0xFF800000, v11;
	v14 =	vcvt.s32.f32 v14  }
0xad: {  	v15 =	vcvt.s32.f32 v15;
	v16 =	vcvt.s32.f32 v16;
	v6 =	vsub.s32 v12, v6  }
0xae: {  	v18 =	vld [tilespmem:s29+$0xFFFFFFD0];
	v7 =	vsub.s32 v13, v7;
	v8 =	vsub.s32 v8, v9;
	v9 =	vsub.s32 v10, v11  }
0xaf: {  	v17 =	vcvt.s32.f32 v17;
	v19 =	vmul.f32 $1.442695020e+00, v19;
	v10 =	vadd.f32 $-1.000000000e+00, v6  }
0xb0: {  	v11 =	vadd.f32 $-1.000000000e+00, v7;
	v12 =	vadd.f32 $-1.000000000e+00, v8;
	v14 =	vmul.f32 $6.931471820e-01, v14  }
0xb1: {  	v13 =	vadd.f32 $-1.000000000e+00, v9;
	v15 =	vmul.f32 $6.931471820e-01, v15;
	v16 =	vmul.f32 $6.931471820e-01, v16  }
0xb2: {  	v3 =	vsel vm5, v4, v3;
	v7 =	vmul.f32 $1.193119440e-01, v10;
	v9 =	vmul.f32 $1.193119440e-01, v11  }
0xb3: {  	v8 =	vsub.f32 $0.0e+00, v18;
	v20 =	vmul.f32 $1.193119440e-01, v12;
	v21 =	vmul.f32 $1.193119440e-01, v13  }
0xb4: {  	v17 =	vmul.f32 $6.931471820e-01, v17;
	v7 =	vadd.f32 $-1.868096440e-01, v7;
	v9 =	vadd.f32 $-1.868096440e-01, v9  }
0xb5: {  	v6 =	vld [tilespmem:s29+$0xFFFFFFF0];
	v8 =	vmul.f32 $1.442695020e+00, v8;
	v20 =	vadd.f32 $-1.868096440e-01, v20;
	v21 =	vadd.f32 $-1.868096440e-01, v21  }
0xb6: {  	vm15 =	vlt.f32 v5, v2;
	v18 =	vld [tilespmem:s29+$0x0];
	v7 =	vmul.f32 v7, v10;
	v9 =	vmul.f32 v9, v11  }
0xb7: {  	v2 =	vsel vm15, v5, v2;
	v20 =	vmul.f32 v20, v12;
	v21 =	vmul.f32 v21, v13  }
0xb8: {  	(erf) = vpow2.f32 v8;
	v7 =	vadd.f32 $2.049179520e-01, v7;
	v9 =	vadd.f32 $2.049179520e-01, v9  }
0xb9: {  	(erf) = vpow2.f32 v19;
	v20 =	vadd.f32 $2.049179520e-01, v20;
	v21 =	vadd.f32 $2.049179520e-01, v21  }
0xba: {  	v6 =	vsub.f32 $0.0e+00, v6;
	v5 =	vmul.f32 v7, v10;
	v7 =	vmul.f32 v9, v11  }
0xbb: {  	v18 =	vsub.f32 $0.0e+00, v18;
	v20 =	vmul.f32 v20, v12;
	v21 =	vmul.f32 v21, v13  }
0xbc: {  	v6 =	vmul.f32 $1.442695020e+00, v6;
	v5 =	vadd.f32 $-2.490826990e-01, v5;
	v7 =	vadd.f32 $-2.490826990e-01, v7  }
0xbd: {  	s12 =	sadd.s32 $0xFFFFFFFD, s28;
	v18 =	vmul.f32 $1.442695020e+00, v18;
	v20 =	vadd.f32 $-2.490826990e-01, v20;
	v21 =	vadd.f32 $-2.490826990e-01, v21  }
0xbe: {  	v4 =	vmov s12;
	s12 =	sadd.s32 $0xFFFFFFFE, s28;
	v5 =	vmul.f32 v5, v10;
	v7 =	vmul.f32 v7, v11  }
0xbf: {  	s1 =	sadd.s32 $0xFFFFFFFF, s28;
	v4 =	vsel vm2, s12, v4;
	v20 =	vmul.f32 v20, v12;
	v21 =	vmul.f32 v21, v13  }
0xc0: {  	v9 =	vmov s1;
	v5 =	vadd.f32 $3.331467210e-01, v5;
	v7 =	vadd.f32 $3.331467210e-01, v7  }
0xc1: {  	v9 =	vsel vm1, s28, v9;
	v8 =	vadd.f32 $3.331467210e-01, v20;
	v20 =	vadd.f32 $3.331467210e-01, v21  }
0xc2: {  	v4 =	vsel vm14, v9, v4;
	v5 =	vmul.f32 v5, v10;
	v7 =	vmul.f32 v7, v11  }
0xc3: {  	v3 =	vsel vm15, v4, v3;
	v4 =	vmul.f32 v8, v12;
	v8 =	vmul.f32 v20, v13  }
0xc4: {  	s31 =	simm.s32 $0x54F0;
	(erf) = vpow2.f32 v6;
	v5 =	vadd.f32 $-5.000114440e-01, v5;
	v9 =	vadd.f32 $-5.000114440e-01, v7  }
0xc5: {  	v6 =	vld [tilespmem:s31+$0xFFFFFFD0];
	(erf) = vpow2.f32 v18;
	v19 =	vadd.f32 $-5.000114440e-01, v4;
	v20 =	vadd.f32 $-5.000114440e-01, v8  }
0xc6: {  	v7 =	vld [tilespmem:s31+$0xFFFFFFE0];
	v18 =	vmul.f32 v5, v10;
	v21 =	vmul.f32 v9, v11  }
0xc7: {  	s1 =	simm.s32 $0x1C0;
	v8 =	vld [tilespmem:s31+$0xFFFFFFF0];
	v19 =	vmul.f32 v19, v12;
	v20 =	vmul.f32 v20, v13  }
0xc8: {  	s12 =	simm.s32 $0x1C2;
	v4 =	vmov s1;
	v9 =	vld [tilespmem:s31+$0x0];
	v22 =	vadd.f32 $1.000000950e+00, v18;
	v21 =	vadd.f32 $1.000000950e+00, v21  }
0xc9: {  	v5 =	vmov s12;
	v23 =	vadd.f32 $1.000000950e+00, v19;
	v20 =	vadd.f32 $1.000000950e+00, v20  }
0xca: {  	v18 =	vadd.s32 $0xC0CAFB0D, v6;
	v10 =	vmul.f32 v22, v10;
	v11 =	vmul.f32 v21, v11  }
0xcb: {  	v19 =	vadd.s32 $0xC0CAFB0D, v7;
	v12 =	vmul.f32 v23, v12;
	v13 =	vmul.f32 v20, v13  }
0xcc: {  	v20 =	vadd.s32 $0xC0CAFB0D, v8;
	v10 =	vadd.f32 v10, v14;
	v11 =	vadd.f32 v11, v15  }
0xcd: {  	v21 =	vadd.s32 $0xC0CAFB0D, v9;
	v14 =	vpop (erf);
	v12 =	vadd.f32 v12, v16;
	v13 =	vadd.f32 v13, v17  }
0xce: {  	v15 =	vshra.s32 v18, $0x17;
	v22 =	vpop (erf);
	v10 =	vsub.f32 $0.0e+00, v10;
	v11 =	vsub.f32 $0.0e+00, v11  }
0xcf: {  	v16 =	vshra.s32 v19, $0x17;
	v23 =	vpop (erf);
	v12 =	vsub.f32 $0.0e+00, v12;
	v13 =	vsub.f32 $0.0e+00, v13  }
0xd0: {  	v17 =	vshra.s32 v20, $0x17;
	v63 =	vpop (erf);
	v10 =	vmul.f32 v10, v14;
	v11 =	vmul.f32 v11, v22  }
0xd1: {  	s30 =	simm.s32 $0x1C3;
	s28 =	simm.s32 $0x1C7;
	s1 =	simm.s32 $0x1CB;
	v14 =	vshra.s32 v21, $0x17;
	v12 =	vmul.f32 v12, v23;
	v13 =	vmul.f32 v13, v63  }
.LBB2_4:
0xd2: {  	p0 =	sne.s32 s1, $0x383;
	v18 =	vand.u32 $0xFF800000, v18;
	v19 =	vand.u32 $0xFF800000, v19;
	v20 =	vand.u32 $0xFF800000, v20  }
0xd3: {  	v21 =	vand.u32 $0xFF800000, v21;
	vm3 =	vlt.f32 v11, v10;
	vm1 =	vlt.f32 v13, v12  }
0xd4: {  	v15 =	vcvt.s32.f32 v15;
	s29 =	sadd.s32 $0x40, s29;
	v10 =	vsel vm3, v11, v10;
	v11 =	vsel vm1, v13, v12  }
0xd5: {  	v13 =	vcvt.s32.f32 v16;
	v16 =	vcvt.s32.f32 v17;
	v12 =	vld [tilespmem:s29+$0xFFFFFFD0];
	vm0 =	vlt.f32 v11, v10  }
0xd6: {  	v6 =	vsub.s32 v6, v18;
	v7 =	vsub.s32 v7, v19;
	v17 =	vld [tilespmem:s29+$0xFFFFFFE0];
	v10 =	vsel vm0, v11, v10  }
0xd7: {  	v8 =	vsub.s32 v8, v20;
	v9 =	vsub.s32 v9, v21;
	vm2 =	vlt.f32 v10, v2  }
0xd8: {  	v19 =	vadd.f32 $-1.000000000e+00, v7;
	v11 =	vadd.f32 $-1.000000000e+00, v6;
	v2 =	vsel vm2, v10, v2  }
0xd9: {  	v14 =	vcvt.s32.f32 v14;
	v20 =	vadd.f32 $-1.000000000e+00, v9;
	v10 =	vadd.f32 $-1.000000000e+00, v8;
	v6 =	vld [tilespmem:s29+$0xFFFFFFF0]  }
0xda: {  	v9 =	vmul.f32 $1.193119440e-01, v19;
	v7 =	vmul.f32 $1.193119440e-01, v11;
	v8 =	vsub.f32 $0.0e+00, v12;
	v12 =	vld [tilespmem:s29+$0x0]  }
0xdb: {  	v21 =	vmul.f32 $1.193119440e-01, v20;
	v18 =	vmul.f32 $1.193119440e-01, v10;
	v17 =	vsub.f32 $0.0e+00, v17  }
0xdc: {  	v9 =	vadd.f32 $-1.868096440e-01, v9;
	v7 =	vadd.f32 $-1.868096440e-01, v7;
	v8 =	vmul.f32 $1.442695020e+00, v8  }
0xdd: {  	v21 =	vadd.f32 $-1.868096440e-01, v21;
	v18 =	vadd.f32 $-1.868096440e-01, v18;
	v17 =	vmul.f32 $1.442695020e+00, v17  }
0xde: {  	v9 =	vmul.f32 v9, v19;
	v7 =	vmul.f32 v7, v11;
	v6 =	vsub.f32 $0.0e+00, v6  }
0xdf: {  	v21 =	vmul.f32 v21, v20;
	v18 =	vmul.f32 v18, v10;
	v12 =	vsub.f32 $0.0e+00, v12  }
0xe0: {  	v9 =	vadd.f32 $2.049179520e-01, v9;
	v7 =	vadd.f32 $2.049179520e-01, v7;
	v6 =	vmul.f32 $1.442695020e+00, v6  }
0xe1: {  	s0 =	sadd.s32 $0xFFFFFFFE, s30;
	v21 =	vadd.f32 $2.049179520e-01, v21;
	v18 =	vadd.f32 $2.049179520e-01, v18;
	v12 =	vmul.f32 $1.442695020e+00, v12  }
0xe2: {  	v4 =	vsel vm3, s0, v4;
	v9 =	vmul.f32 v9, v19;
	v7 =	vmul.f32 v7, v11  }
0xe3: {  	v5 =	vsel vm1, s30, v5;
	s30 =	smov.u32 s28;
	s28 =	smov.u32 s1;
	v21 =	vmul.f32 v21, v20;
	v18 =	vmul.f32 v18, v10  }
0xe4: {  	v15 =	vmul.f32 $6.931471820e-01, v15;
	v9 =	vadd.f32 $-2.490826990e-01, v9;
	v7 =	vadd.f32 $-2.490826990e-01, v7  }
0xe5: {  	v13 =	vmul.f32 $6.931471820e-01, v13;
	v21 =	vadd.f32 $-2.490826990e-01, v21;
	v18 =	vadd.f32 $-2.490826990e-01, v18  }
0xe6: {  	v4 =	vsel vm0, v5, v4;
	v9 =	vmul.f32 v9, v19;
	v7 =	vmul.f32 v7, v11  }
0xe7: {  	v3 =	vsel vm2, v4, v3;
	v5 =	vmul.f32 v18, v10;
	v18 =	vmul.f32 v21, v20  }
0xe8: {  	v4 =	vadd.f32 $3.331467210e-01, v7;
	v7 =	vadd.f32 $3.331467210e-01, v9;
	(erf) = vpow2.f32 v8  }
0xe9: {  	v5 =	vadd.f32 $3.331467210e-01, v5;
	v8 =	vadd.f32 $3.331467210e-01, v18;
	(erf) = vpow2.f32 v17  }
0xea: {  	v4 =	vmul.f32 v4, v11;
	v7 =	vmul.f32 v7, v19  }
0xeb: {  	v5 =	vmul.f32 v5, v10;
	v8 =	vmul.f32 v8, v20  }
0xec: {  	s31 =	sadd.s32 $0x40, s31;
	v4 =	vadd.f32 $-5.000114440e-01, v4;
	v9 =	vadd.f32 $-5.000114440e-01, v7;
	(erf) = vpow2.f32 v6  }
0xed: {  	s0 =	sadd.s32 $0xFFFFFFFD, s30;
	v5 =	vadd.f32 $-5.000114440e-01, v5;
	v17 =	vadd.f32 $-5.000114440e-01, v8;
	v6 =	vld [tilespmem:s31+$0xFFFFFFD0];
	(erf) = vpow2.f32 v12  }
0xee: {  	s12 =	sadd.s32 $0xFFFFFFFF, s30;
	v18 =	vmul.f32 v9, v19;
	v12 =	vmul.f32 v4, v11;
	v4 =	vmov s0;
	v7 =	vld [tilespmem:s31+$0xFFFFFFE0]  }
0xef: {  	v21 =	vmul.f32 v5, v10;
	v17 =	vmul.f32 v17, v20;
	v5 =	vmov s12;
	v8 =	vld [tilespmem:s31+$0xFFFFFFF0]  }
0xf0: {  	v16 =	vmul.f32 $6.931471820e-01, v16;
	v24 =	vadd.f32 $1.000000950e+00, v18;
	v12 =	vadd.f32 $1.000000950e+00, v12;
	v9 =	vld [tilespmem:s31+$0x0]  }
0xf1: {  	v14 =	vmul.f32 $6.931471820e-01, v14;
	v21 =	vadd.f32 $1.000000950e+00, v21;
	v17 =	vadd.f32 $1.000000950e+00, v17;
	v23 =	vpop (erf)  }
0xf2: {  	v11 =	vmul.f32 v12, v11;
	v12 =	vmul.f32 v24, v19;
	v18 =	vadd.s32 $0xC0CAFB0D, v6;
	v22 =	vpop (erf)  }
0xf3: {  	v10 =	vmul.f32 v21, v10;
	v17 =	vmul.f32 v17, v20;
	v19 =	vadd.s32 $0xC0CAFB0D, v7  }
0xf4: {  	v11 =	vadd.f32 v11, v15;
	v12 =	vadd.f32 v12, v13;
	v20 =	vadd.s32 $0xC0CAFB0D, v8  }
.Ltmp1:
0xf5: {  	v10 =	vadd.f32 v10, v16;
	v13 =	vadd.f32 v17, v14;
	v21 =	vadd.s32 $0xC0CAFB0D, v9;
	v24 =	vpop (erf);
	(pc) =	sbr.rel @p0 .LBB2_4-.Ltmp1, $4  }
0xf6: {  	v15 =	vshra.s32 v18, $0x17;
	v11 =	vsub.f32 $0.0e+00, v11;
	v12 =	vsub.f32 $0.0e+00, v12;
	v25 =	vpop (erf)  }
0xf7: {  	v16 =	vshra.s32 v19, $0x17;
	v26 =	vsub.f32 $0.0e+00, v10;
	v13 =	vsub.f32 $0.0e+00, v13  }
0xf8: {  	v17 =	vshra.s32 v20, $0x17;
	v10 =	vmul.f32 v11, v23;
	v11 =	vmul.f32 v12, v22  }
0xf9: {  	s1 =	sadd.s32 $0x4, s1;
	v14 =	vshra.s32 v21, $0x17;
	v12 =	vmul.f32 v26, v24;
	v13 =	vmul.f32 v13, v25  }
0xfa: {  	s0 =	sadd.s32 $0x40, s29  }
0xfb: {  	v18 =	vand.u32 $0xFF800000, v18;
	v19 =	vand.u32 $0xFF800000, v19;
	v22 =	vld [tilespmem:s0+$0xFFFFFFD0]  }
0xfc: {  	v20 =	vand.u32 $0xFF800000, v20;
	v21 =	vand.u32 $0xFF800000, v21;
	v23 =	vld [tilespmem:s0+$0xFFFFFFE0];
	v6 =	vsub.s32 v6, v18  }
0xfd: {  	v7 =	vsub.s32 v7, v19;
	v8 =	vsub.s32 v8, v20;
	v41 =	vld [tilespmem:s0+$0xFFFFFFF0];
	v6 =	vadd.f32 $-1.000000000e+00, v6  }
0xfe: {  	v9 =	vsub.s32 v9, v21;
	v7 =	vadd.f32 $-1.000000000e+00, v7;
	v8 =	vadd.f32 $-1.000000000e+00, v8  }
0xff: {  	v15 =	vcvt.s32.f32 v15;
	v9 =	vadd.f32 $-1.000000000e+00, v9;
	v43 =	vmul.f32 $1.193119440e-01, v6  }
0x100: {  	v44 =	vmul.f32 $1.193119440e-01, v7;
	v24 =	vmul.f32 $1.193119440e-01, v8;
	v42 =	vsub.f32 $0.0e+00, v22  }
0x101: {  	v25 =	vmul.f32 $1.193119440e-01, v9;
	v23 =	vsub.f32 $0.0e+00, v23;
	v20 =	vadd.f32 $-1.868096440e-01, v43  }
0x102: {  	v47 =	vadd.f32 $-1.868096440e-01, v24;
	v18 =	vsub.f32 $0.0e+00, v41;
	v19 =	vmul.f32 $1.442695020e+00, v42  }
0x103: {  	v46 =	vadd.f32 $-1.868096440e-01, v44;
	v23 =	vmul.f32 $1.442695020e+00, v23;
	v20 =	vmul.f32 v20, v6  }
0x104: {  	v48 =	vadd.f32 $-1.868096440e-01, v25;
	v21 =	vmul.f32 v47, v8;
	v18 =	vmul.f32 $1.442695020e+00, v18  }
0x105: {  	(erf) = vpow2.f32 v19;
	v19 =	vmul.f32 v46, v7  }
0x106: {  	(erf) = vpow2.f32 v23;
	v23 =	vmul.f32 v48, v9  }
0x107: {  	v16 =	vcvt.s32.f32 v16;
	v49 =	vadd.f32 $2.049179520e-01, v20;
	v50 =	vadd.f32 $2.049179520e-01, v21  }
0x108: {  	(erf) = vpow2.f32 v18;
	v19 =	vadd.f32 $2.049179520e-01, v19;
	v51 =	vadd.f32 $2.049179520e-01, v23  }
0x109: {  	v45 =	vld [tilespmem:s0+$0x0];
	v18 =	vmul.f32 v49, v6;
	v20 =	vmul.f32 v50, v8  }
0x10a: {  	v19 =	vmul.f32 v19, v7;
	v21 =	vmul.f32 v51, v9  }
0x10b: {  	v17 =	vcvt.s32.f32 v17;
	v18 =	vadd.f32 $-2.490826990e-01, v18;
	v20 =	vadd.f32 $-2.490826990e-01, v20  }
0x10c: {  	v14 =	vcvt.s32.f32 v14;
	v19 =	vadd.f32 $-2.490826990e-01, v19;
	v21 =	vadd.f32 $-2.490826990e-01, v21  }
0x10d: {  	v18 =	vmul.f32 v18, v6;
	v20 =	vmul.f32 v20, v8  }
0x10e: {  	v22 =	vsub.f32 $0.0e+00, v45;
	v19 =	vmul.f32 v19, v7;
	v21 =	vmul.f32 v21, v9  }
0x10f: {  	v15 =	vmul.f32 $6.931471820e-01, v15;
	v18 =	vadd.f32 $3.331467210e-01, v18;
	v20 =	vadd.f32 $3.331467210e-01, v20  }
0x110: {  	v22 =	vmul.f32 $1.442695020e+00, v22;
	v19 =	vadd.f32 $3.331467210e-01, v19;
	v21 =	vadd.f32 $3.331467210e-01, v21  }
0x111: {  	v18 =	vmul.f32 v18, v6;
	v20 =	vmul.f32 v20, v8  }
0x112: {  	v19 =	vmul.f32 v19, v7;
	v21 =	vmul.f32 v21, v9  }
0x113: {  	v16 =	vmul.f32 $6.931471820e-01, v16;
	v18 =	vadd.f32 $-5.000114440e-01, v18;
	v20 =	vadd.f32 $-5.000114440e-01, v20  }
0x114: {  	(erf) = vpow2.f32 v22;
	v19 =	vadd.f32 $-5.000114440e-01, v19;
	v21 =	vadd.f32 $-5.000114440e-01, v21  }
0x115: {  	v18 =	vmul.f32 v18, v6;
	v20 =	vmul.f32 v20, v8  }
0x116: {  	v19 =	vmul.f32 v19, v7;
	v21 =	vmul.f32 v21, v9  }
0x117: {  	v17 =	vmul.f32 $6.931471820e-01, v17;
	v18 =	vadd.f32 $1.000000950e+00, v18;
	v20 =	vadd.f32 $1.000000950e+00, v20  }
0x118: {  	v14 =	vmul.f32 $6.931471820e-01, v14;
	v19 =	vadd.f32 $1.000000950e+00, v19;
	v21 =	vadd.f32 $1.000000950e+00, v21  }
0x119: {  	v6 =	vmul.f32 v18, v6;
	v8 =	vmul.f32 v20, v8  }
0x11a: {  	v7 =	vmul.f32 v19, v7;
	v9 =	vmul.f32 v21, v9  }
0x11b: {  	vm0 =	vlt.f32 v11, v10;
	v6 =	vadd.f32 v6, v15;
	v8 =	vadd.f32 v8, v17  }
0x11c: {  	vm1 =	vlt.f32 v13, v12;
	v52 =	vpop (erf);
	v7 =	vadd.f32 v7, v16;
	v9 =	vadd.f32 v9, v14  }
0x11d: {  	s29 =	sadd.s32 $0xFFFFFFFE, s30;
	v10 =	vsel vm0, v11, v10;
	v53 =	vpop (erf);
	v6 =	vsub.f32 $0.0e+00, v6;
	v8 =	vsub.f32 $0.0e+00, v8  }
0x11e: {  	v4 =	vsel vm0, s29, v4;
	v54 =	vpop (erf);
	v7 =	vsub.f32 $0.0e+00, v7;
	v9 =	vsub.f32 $0.0e+00, v9  }
0x11f: {  	v12 =	vsel vm1, v13, v12;
	v55 =	vpop (erf);
	v6 =	vmul.f32 v6, v52;
	v8 =	vmul.f32 v8, v54  }
0x120: {  	s1 =	sadd.s32 $0xFFFFFFFF, s28;
	v5 =	vsel vm1, s30, v5;
	s30 =	sadd.s32 $0xFFFFFFFD, s28;
	v7 =	vmul.f32 v7, v53;
	v9 =	vmul.f32 v9, v55  }
0x121: {  	v59 =	vmov s1;
	vm2 =	vlt.f32 v12, v10;
	v58 =	vmov s30  }
0x122: {  	v10 =	vsel vm2, v12, v10;
	vm11 =	vlt.f32 v7, v6;
	vm12 =	vlt.f32 v9, v8  }
0x123: {  	vm3 =	vlt.f32 v10, v2;
	v56 =	vsel vm11, v7, v6;
	v57 =	vsel vm12, v9, v8  }
0x124: {  	s31 =	sadd.s32 $0xFFFFFFFE, s28;
	v4 =	vsel vm2, v5, v4;
	v2 =	vsel vm3, v10, v2;
	vm13 =	vlt.f32 v57, v56  }
0x125: {  	v60 =	vsel vm11, s31, v58;
	v61 =	vsel vm12, s28, v59;
	v5 =	vsel vm13, v57, v56  }
0x126: {  	v3 =	vsel vm3, v4, v3;
	v62 =	vsel vm13, v61, v60;
	vm14 =	vlt.f32 v5, v2  }
0x127: {  	v3 =	vsel vm14, v62, v3  }
0x128: {  	vm15 =	vgt.s32 v3, $0x37F  }
0x129: {  	v3 =	vshll.u32 v3, $0x4;
	v63 =	vsel vm15, $0xF0A00, v0  }
0x12a: {  	v2 =	vsel vm14, v5, v2;
	v3 =	vadd.s32 v3, v63  }
0x12b: {  	[tilespmem:$0x7100] =	vst v2;
	v2 =	vor.u32 v1, v3  }
0x12c: {  	[tilespmem:$0x7180] =	vst v2  }
0x12d: {  	[hbm4b:s9+s2] =	stream.linear.scatter [tilespmem:s23], [sflag:$0x7], $0x10, $0x38;
	[tilespmem:$0x7200] =	vst v63  }
0x12e: {  	s26 =	sadd.s32 $0x1, s26;
	_ =	swait.ge [sflag:s24], $0x10  }
0x12f: {  	p0 =	sne.s32 s26, s11;
	[sflag:s24] =	ssyncset.done $0x0  }
.Ltmp2:
0x130: {  	[sflag:s24] =	ssyncadd.s32 $0xFFFFFFF0;
	(pc) =	sbr.rel @p0 .LBB2_1-.Ltmp2, $4  }
0x131: {  	[hbm4b:s10+s2] =	stream.linear.scatter [tilespmem:s25], [sflag:$0x7], $0x10, $0x38;
	[tilespmem:$0x7200] =	vst v63  }
0x132: {  	_ =	swait.ge [sflag:s24], $0x10  }
0x133: {  	[sflag:s24] =	ssyncset.done $0x0  }
0x134: {  	[sflag:s24] =	ssyncadd.s32 $0xFFFFFFF0  }
0x135: {  	_ =	sfence.sel $0x180000  }
0x136: {  	[bflag:$0x0] =	sbarrier.arrive $0xFFFF  }
0x137: {  	_ =	strace $0x90000047  }
0x138: {  	s0 =	stileid.u32;
	[bflag:$0x2] =	sbarrier.arrive $0xFFFF  }
0x139: {  	p0 =	sne.s32 s0, $0x0;
	s0 =	rddreg [dreg:$0x3]  }
0x13a: {  	s0 =	sadd.s32 @!p0 $0x100000, s0  }
0x13b: {  	[sflag:s0] =	ssyncadd.tile.s32 @!p0 $0x1;
	_ =	shalt  }
.Lfunc_end2:
_tile_overlayer_lowered:
.L_overlay_start_2:
0x13c: {  	(tag) =	ssettag $0x2  }
0x13d: {  	s0 =	rddreg [dreg:$0x0];
	s2 =	stileid.u32  }
0x13e: {  	s1 =	rddreg [dreg:$0x1];
	p0 =	sne.s32 s2, $0x0  }
0x13f: {  	s3 =	rddreg [dreg:$0x2];
	[bflag:$0x3] =	sbarrier.arrive $0xFFFF;
	s2 =	simm.s32 @!p0 $0x1C07  }
0x140: {  	[timem:s3], [sflag:s2] =	dma.local @!p0 [hbm:s0], s1  }
0x141: {  	s0 =	simm.s32 @!p0 $0x7  }
0x142: {  	_ =	swait.ge @!p0 [sflag:s0], s1  }
0x143: {  	s1 =	ssub.s32 @!p0 $0x0, s1;
	[sflag:s0] =	ssyncset.done @!p0 $0x0  }
0x144: {  	[sflag:s0] =	ssyncadd.s32 @!p0 s1  }
0x145: {  	[bflag:$0x3] =	sbarrier.arrive $0xFFFF  }
0x146: {  	_ =	shalt  }

</sc_bundles>
